<compile_context>
chip_gen: v7x
topology: tpu7x:2x2x1
jax: 0.10.2.dev20260603
libtpu: 0.0.44.dev20260713+nightly
codegen_flags: <defaults>
</compile_context>

<pallas_src>
import jax
import jax.numpy as jnp
from jax import lax
from jax.experimental import pallas as pl
from jax.experimental.pallas import tpu as pltpu
from jax.experimental.pallas import tpu_sc as plsc

_B, _C, _H, _W, _N = 4, 768, 224, 224, 4096
_NW = 32
_L = 16
_PTS = _N // 8
_KC = _C // 128
_CP = 32
_NCH = _PTS // _CP
_RC = _CP * _KC
_V = _B * _H * (_W // 8) * _KC * 8


def _sc_body(o1_hbm, o2_hbm, m1_hbm, m2_hbm, out_hbm,
             m1_v, m2_v, base_v, idx1_v, idx2_v,
             v1a, v1b, v2a, v2b, acc_v,
             sem1, sem2):
    cid = lax.axis_index("c")
    sid = lax.axis_index("s")
    wid = sid * 2 + cid
    b = wid // 8
    n0 = (wid % 8) * _PTS

    pltpu.sync_copy(m1_hbm.at[b, pl.ds(n0, _PTS)], m1_v)
    pltpu.sync_copy(m2_hbm.at[b, pl.ds(n0, _PTS)], m2_v)

    bh = b * _H

    def build_idx(m_v, idx_v):
        def base_body(t, u):
            s = t * _L
            m = m_v[pl.ds(s, _L)]
            r = m >> 16
            c = m & 0xFFFF
            base_v[pl.ds(s, _L)] = ((bh + r) * (_W // 8) + (c >> 3)) \
                * (_KC * 8) + (c & 7)
            return u

        lax.fori_loop(0, _PTS // _L, base_body, 0, unroll=4)
        for k in range(_KC):
            def k_body(t, u, k=k):
                s = t * _L
                ci = t >> 1
                off = ci * _RC + k * _CP + (t & 1) * _L
                idx_v[pl.ds(off, _L)] = base_v[pl.ds(s, _L)] + (k * 8)
                return u

            lax.fori_loop(0, _PTS // _L, k_body, 0, unroll=4)

    build_idx(m1_v, idx1_v)
    build_idx(m2_v, idx2_v)

    acc_v[...] = jnp.zeros((_L,), jnp.float32)

    def issue(ci, v1_ref, v2_ref):
        s = ci * _RC
        pltpu.async_copy(o1_hbm.at[idx1_v.at[pl.ds(s, _RC)]], v1_ref, sem1)
        pltpu.async_copy(o2_hbm.at[idx2_v.at[pl.ds(s, _RC)]], v2_ref, sem2)

    def drain_acc(ci, v1_ref, v2_ref):
        s = ci * _RC
        pltpu.make_async_copy(
            o1_hbm.at[idx1_v.at[pl.ds(s, _RC)]], v1_ref, sem1).wait()
        pltpu.make_async_copy(
            o2_hbm.at[idx2_v.at[pl.ds(s, _RC)]], v2_ref, sem2).wait()

        def body(t, a):
            j = t >> 3
            w = (t & 7) << 4
            d = v1_ref[j, pl.ds(w, _L)] - v2_ref[j, pl.ds(w, _L)]
            return a + d * d

        acc = lax.fori_loop(0, _RC * 8, body,
                            jnp.zeros((_L,), jnp.float32), unroll=8)
        acc_v[...] = acc_v[...] + acc

    issue(0, v1a, v2a)

    def pair_body(i, u):
        j = 2 * i
        issue(j + 1, v1b, v2b)
        drain_acc(j, v1a, v2a)
        issue(j + 2, v1a, v2a)
        drain_acc(j + 1, v1b, v2b)
        return u

    lax.fori_loop(0, (_NCH - 2) // 2, pair_body, 0)
    issue(_NCH - 1, v1b, v2b)
    drain_acc(_NCH - 2, v1a, v2a)
    drain_acc(_NCH - 1, v1b, v2b)

    pltpu.sync_copy(acc_v, out_hbm.at[wid])


@jax.jit
def _sc_loss(o1, o2, m1, m2):
    mesh = plsc.VectorSubcoreMesh(core_axis_name="c", subcore_axis_name="s")
    parts = pl.kernel(
        _sc_body,
        out_type=jax.ShapeDtypeStruct((_NW, _L), jnp.float32),
        mesh=mesh,
        compiler_params=pltpu.CompilerParams(needs_layout_passes=False),
        scratch_types=[
            pltpu.VMEM((_PTS,), jnp.int32),
            pltpu.VMEM((_PTS,), jnp.int32),
            pltpu.VMEM((_PTS,), jnp.int32),
            pltpu.VMEM((_PTS * _KC,), jnp.int32),
            pltpu.VMEM((_PTS * _KC,), jnp.int32),
            pltpu.VMEM((_RC, 128), jnp.float32),
            pltpu.VMEM((_RC, 128), jnp.float32),
            pltpu.VMEM((_RC, 128), jnp.float32),
            pltpu.VMEM((_RC, 128), jnp.float32),
            pltpu.VMEM((_L,), jnp.float32),
            pltpu.SemaphoreType.DMA,
            pltpu.SemaphoreType.DMA,
        ],
    )(o1, o2, m1, m2)
    return jnp.sum(parts) * (1.0 / (_B * _N))


def kernel(out_1, out_2, match_1, match_2, nonmatch_2):
    del nonmatch_2

    def rowview(x):
        y = x.transpose(0, 2, 3, 1)
        y = y.reshape(_B, _H, _W // 8, 8, _KC, 128)
        y = y.transpose(0, 1, 2, 4, 3, 5)
        return y.reshape(_V, 128)

    m1 = (match_1[:, :, 0] << 16) | match_1[:, :, 1]
    m2 = (match_2[:, :, 0] << 16) | match_2[:, :, 1]
    return _sc_loss(rowview(out_1), rowview(out_2), m1, m2)

# --- scband reference (transcript-rebuilt; emitter-appended) ---
"""Pipeline reference for scband-positive-loss-10488310136949 (READ-ONLY COPY).

The authoritative reference and input builder live on the scoring server;
editing this copy changes nothing except your own understanding.
"""

import jax, jax.numpy as jnp
import numpy as np

B, C, H, W, N = 4, 768, 224, 224, 4096


def setup_inputs(seed: int = 0) -> dict:
    key = jax.random.key(seed)
    k1, k2, k3, k4, k5 = jax.random.split(key, 5)
    out_1 = jax.random.normal(k1, (B, C, H, W), dtype=jnp.float32)
    out_2 = jax.random.normal(k2, (B, C, H, W), dtype=jnp.float32)
    match_1 = jax.random.randint(k3, (B, N, 2), 0, H, dtype=jnp.int32)
    match_2 = jax.random.randint(k4, (B, N, 2), 0, H, dtype=jnp.int32)
    nonmatch_2 = jax.random.randint(k5, (B, N, 2), 0, H, dtype=jnp.int32)
    return {"out_1": out_1, "out_2": out_2, "match_1": match_1, "match_2": match_2, "nonmatch_2": nonmatch_2}


def features_from_image(img_feat, pos):
    # img_feat: (b, c, h, w); pos: (b, n, 2) -> (b, n, c)
    b = img_feat.shape[0]
    bidx = jnp.arange(b)[:, None]
    return img_feat[bidx, :, pos[:, :, 0], pos[:, :, 1]]


def feature_distance(feat1, feat2, eps=1e-07, sqrt=True):
    diff = jnp.sum(jnp.power(feat1 - feat2, 2), axis=-1)
    if sqrt:
        diff = jnp.sqrt(diff + eps)
    return diff


def reference(out_1, out_2, match_1, match_2, nonmatch_2):
    out_1_match = features_from_image(out_1, match_1)
    out_2_match = features_from_image(out_2, match_2)
    pos_loss = jnp.mean(feature_distance(out_1_match, out_2_match, sqrt=False))
    return pos_loss

if __name__ == "__main__":
    import jax
    _d = setup_inputs()
    print(jax.jit(kernel)(*tuple(_d.values())))

</pallas_src>

<mosaic_0001>
#map = affine_map<(d0, d1) -> (0, 0)>
module attributes {stable_mosaic.version = 14 : i64} {
  func.func @_sc_body(%arg0: i32, %arg1: i32, %arg2: memref<1204224x128xf32, #tpu.memory_space<hbm>>, %arg3: memref<1204224x128xf32, #tpu.memory_space<hbm>>, %arg4: memref<4x4096xi32, #tpu.memory_space<hbm>>, %arg5: memref<4x4096xi32, #tpu.memory_space<hbm>>, %arg6: memref<32x16xf32, #tpu.memory_space<hbm>>, %arg7: memref<512xi32, #tpu.memory_space<vmem>>, %arg8: memref<512xi32, #tpu.memory_space<vmem>>, %arg9: memref<512xi32, #tpu.memory_space<vmem>>, %arg10: memref<3072xi32, #tpu.memory_space<vmem>>, %arg11: memref<3072xi32, #tpu.memory_space<vmem>>, %arg12: memref<192x128xf32, #tpu.memory_space<vmem>>, %arg13: memref<192x128xf32, #tpu.memory_space<vmem>>, %arg14: memref<192x128xf32, #tpu.memory_space<vmem>>, %arg15: memref<192x128xf32, #tpu.memory_space<vmem>>, %arg16: memref<16xf32, #tpu.memory_space<vmem>>, %arg17: memref<!tpu.dma_semaphore, #tpu.memory_space<semaphore_mem>>, %arg18: memref<!tpu.dma_semaphore, #tpu.memory_space<semaphore_mem>>) attributes {dimension_semantics = [#tpu.dimension_semantics<core_parallel>, #tpu.dimension_semantics<subcore_parallel>], iteration_bounds = array<i64: 2, 16>, scalar_prefetch = 0 : i64, scratch_operands = 12 : i64, tpu.core_type = #tpu.core_type<sc_vector_subcore>, window_params = [{transform_indices = #map}, {transform_indices = #map}, {transform_indices = #map}, {transform_indices = #map}, {transform_indices = #map}]} {
    %mul3A = arith.constant 2 : i32
    %mul3A_0 = arith.muli %arg1, %mul3A : i32
    %add3A = arith.addi %mul3A_0, %arg0 : i32
    %jit3A = arith.constant 8 : i32
    %div3A = arith.divsi %add3A, %jit3A : i32
    %sign3A = arith.constant 0 : i32
    %sign3A_1 = arith.cmpi sgt, %add3A, %sign3A : i32
    %sign3A_2 = arith.extui %sign3A_1 : i1 to i32
    %sign3A_3 = arith.constant 0 : i32
    %sign3A_4 = arith.cmpi slt, %add3A, %sign3A_3 : i32
    %sign3A_5 = arith.extui %sign3A_4 : i1 to i32
    %sign3A_6 = arith.subi %sign3A_2, %sign3A_5 : i32
    %sign3A_7 = arith.constant 0 : i32
    %sign3A_8 = arith.cmpi sgt, %jit3A, %sign3A_7 : i32
    %sign3A_9 = arith.extui %sign3A_8 : i1 to i32
    %sign3A_10 = arith.constant 0 : i32
    %sign3A_11 = arith.cmpi slt, %jit3A, %sign3A_10 : i32
    %sign3A_12 = arith.extui %sign3A_11 : i1 to i32
    %sign3A_13 = arith.subi %sign3A_9, %sign3A_12 : i32
    %ne3A = arith.cmpi ne, %sign3A_6, %sign3A_13 : i32
    %rem3A = arith.remsi %add3A, %jit3A : i32
    %ne3A_14 = arith.constant 0 : i32
    %ne3A_15 = arith.cmpi ne, %rem3A, %ne3A_14 : i32
    %and3A = arith.andi %ne3A, %ne3A_15 : i1
    %sub3A = arith.constant 1 : i32
    %sub3A_16 = arith.subi %div3A, %sub3A : i32
    %select_n3A = arith.select %and3A, %sub3A_16, %div3A : i32
    %jit3A_17 = arith.constant 8 : i32
    %eq3A = arith.constant 0 : i32
    %eq3A_18 = arith.cmpi eq, %jit3A_17, %eq3A : i32
    %jit3A_19 = arith.constant 1 : i32
    %select_n3A_20 = arith.select %eq3A_18, %jit3A_19, %jit3A_17 : i32
    %rem3A_21 = arith.remsi %add3A, %select_n3A_20 : i32
    %ne3A_22 = arith.constant 0 : i32
    %ne3A_23 = arith.cmpi ne, %rem3A_21, %ne3A_22 : i32
    %lt3A = arith.constant 0 : i32
    %lt3A_24 = arith.cmpi slt, %rem3A_21, %lt3A : i32
    %lt3A_25 = arith.constant 0 : i32
    %lt3A_26 = arith.cmpi slt, %select_n3A_20, %lt3A_25 : i32
    %ne3A_27 = arith.xori %lt3A_24, %lt3A_26 : i1
    %and3A_28 = arith.andi %ne3A_27, %ne3A_23 : i1
    %add3A_29 = arith.addi %rem3A_21, %select_n3A_20 : i32
    %select_n3A_30 = arith.select %and3A_28, %add3A_29, %rem3A_21 : i32
    %mul3A_31 = arith.constant 512 : i32
    %mul3A_32 = arith.muli %select_n3A_30, %mul3A_31 : i32
    "tpu.region"() ({
      %run_scoped3A = tpu.sem_alloc : memref<!tpu.dma_semaphore, #tpu.memory_space<semaphore_mem>>
      %dma_start3A_189 = tpu.memref_slice %arg4[%select_n3A, %mul3A_32] : memref<4x4096xi32, #tpu.memory_space<hbm>> -> memref<1x512xi32, #tpu.memory_space<hbm>>
      %dma_start3A_190 = tpu.memref_squeeze %dma_start3A_189 : memref<1x512xi32, #tpu.memory_space<hbm>> -> memref<512xi32, #tpu.memory_space<hbm>>
      %dma_start3A_191 = tpu.memref_slice %arg4[%select_n3A, %mul3A_32] : memref<4x4096xi32, #tpu.memory_space<hbm>> -> memref<1x512xi32, #tpu.memory_space<hbm>>
      %dma_start3A_192 = tpu.memref_squeeze %dma_start3A_191 : memref<1x512xi32, #tpu.memory_space<hbm>> -> memref<512xi32, #tpu.memory_space<hbm>>
      tpu.enqueue_dma source(%dma_start3A_192 : memref<512xi32, #tpu.memory_space<hbm>>) target(%arg7 : memref<512xi32, #tpu.memory_space<vmem>>) target_semaphore(%run_scoped3A : memref<!tpu.dma_semaphore, #tpu.memory_space<semaphore_mem>>)
      %dma_wait3A_193 = tpu.memref_slice %arg4[%select_n3A, %mul3A_32] : memref<4x4096xi32, #tpu.memory_space<hbm>> -> memref<1x512xi32, #tpu.memory_space<hbm>>
      %dma_wait3A_194 = tpu.memref_squeeze %dma_wait3A_193 : memref<1x512xi32, #tpu.memory_space<hbm>> -> memref<512xi32, #tpu.memory_space<hbm>>
      %dma_wait3A_195 = tpu.memref_slice %arg4[%select_n3A, %mul3A_32] : memref<4x4096xi32, #tpu.memory_space<hbm>> -> memref<1x512xi32, #tpu.memory_space<hbm>>
      %dma_wait3A_196 = tpu.memref_squeeze %dma_wait3A_195 : memref<1x512xi32, #tpu.memory_space<hbm>> -> memref<512xi32, #tpu.memory_space<hbm>>
      tpu.wait_dma2 semaphore(%run_scoped3A : memref<!tpu.dma_semaphore, #tpu.memory_space<semaphore_mem>>) src(%dma_wait3A_196 : memref<512xi32, #tpu.memory_space<hbm>>) dst(%arg7 : memref<512xi32, #tpu.memory_space<vmem>>)
      tpu.yield
    }) : () -> ()
    "tpu.region"() ({
      %run_scoped3A = tpu.sem_alloc : memref<!tpu.dma_semaphore, #tpu.memory_space<semaphore_mem>>
      %dma_start3A_189 = tpu.memref_slice %arg5[%select_n3A, %mul3A_32] : memref<4x4096xi32, #tpu.memory_space<hbm>> -> memref<1x512xi32, #tpu.memory_space<hbm>>
      %dma_start3A_190 = tpu.memref_squeeze %dma_start3A_189 : memref<1x512xi32, #tpu.memory_space<hbm>> -> memref<512xi32, #tpu.memory_space<hbm>>
      %dma_start3A_191 = tpu.memref_slice %arg5[%select_n3A, %mul3A_32] : memref<4x4096xi32, #tpu.memory_space<hbm>> -> memref<1x512xi32, #tpu.memory_space<hbm>>
      %dma_start3A_192 = tpu.memref_squeeze %dma_start3A_191 : memref<1x512xi32, #tpu.memory_space<hbm>> -> memref<512xi32, #tpu.memory_space<hbm>>
      tpu.enqueue_dma source(%dma_start3A_192 : memref<512xi32, #tpu.memory_space<hbm>>) target(%arg8 : memref<512xi32, #tpu.memory_space<vmem>>) target_semaphore(%run_scoped3A : memref<!tpu.dma_semaphore, #tpu.memory_space<semaphore_mem>>)
      %dma_wait3A_193 = tpu.memref_slice %arg5[%select_n3A, %mul3A_32] : memref<4x4096xi32, #tpu.memory_space<hbm>> -> memref<1x512xi32, #tpu.memory_space<hbm>>
      %dma_wait3A_194 = tpu.memref_squeeze %dma_wait3A_193 : memref<1x512xi32, #tpu.memory_space<hbm>> -> memref<512xi32, #tpu.memory_space<hbm>>
      %dma_wait3A_195 = tpu.memref_slice %arg5[%select_n3A, %mul3A_32] : memref<4x4096xi32, #tpu.memory_space<hbm>> -> memref<1x512xi32, #tpu.memory_space<hbm>>
      %dma_wait3A_196 = tpu.memref_squeeze %dma_wait3A_195 : memref<1x512xi32, #tpu.memory_space<hbm>> -> memref<512xi32, #tpu.memory_space<hbm>>
      tpu.wait_dma2 semaphore(%run_scoped3A : memref<!tpu.dma_semaphore, #tpu.memory_space<semaphore_mem>>) src(%dma_wait3A_196 : memref<512xi32, #tpu.memory_space<hbm>>) dst(%arg8 : memref<512xi32, #tpu.memory_space<vmem>>)
      tpu.yield
    }) : () -> ()
    %mul3A_33 = arith.constant 224 : i32
    %mul3A_34 = arith.muli %select_n3A, %mul3A_33 : i32
    %scan3A = arith.constant 0 : i32
    %scan3A_35 = arith.constant 0 : i32
    %scan3A_36 = arith.constant 32 : i32
    %scan3A_37 = arith.addi %scan3A_35, %scan3A_36 : i32
    %scan3A_38 = arith.constant 4 : i32
    scf.for %scan3A_189 = %scan3A_35 to %scan3A_37 step %scan3A_38  : i32 {
      %mul3A_190 = arith.constant 16 : i32
      %mul3A_191 = arith.muli %scan3A_189, %mul3A_190 : i32
      %get3A_192 = arith.index_cast %mul3A_191 : i32 to index
      %get3A_193 = tpu.vector_load %arg7[%get3A_192] {strides = array<i32>} : memref<512xi32, #tpu.memory_space<vmem>>, vector<16xi32>,
      %shift_right_arithmetic3A = arith.constant 16 : i32
      %shift_right_arithmetic3A_194 = vector.broadcast %shift_right_arithmetic3A : i32 to vector<16xi32>
      %shift_right_arithmetic3A_195 = arith.shrsi %get3A_193, %shift_right_arithmetic3A_194 : vector<16xi32>
      %and3A_196 = arith.constant 65535 : i32
      %and3A_197 = vector.broadcast %and3A_196 : i32 to vector<16xi32>
      %and3A_198 = arith.andi %get3A_193, %and3A_197 : vector<16xi32>
      %add3A_199 = vector.broadcast %mul3A_34 : i32 to vector<16xi32>
      %add3A_200 = arith.addi %add3A_199, %shift_right_arithmetic3A_195 : vector<16xi32>
      %mul3A_201 = arith.constant 28 : i32
      %mul3A_202 = vector.broadcast %mul3A_201 : i32 to vector<16xi32>
      %mul3A_203 = arith.muli %add3A_200, %mul3A_202 : vector<16xi32>
      %shift_right_arithmetic3A_204 = arith.constant 3 : i32
      %shift_right_arithmetic3A_205 = vector.broadcast %shift_right_arithmetic3A_204 : i32 to vector<16xi32>
      %shift_right_arithmetic3A_206 = arith.shrsi %and3A_198, %shift_right_arithmetic3A_205 : vector<16xi32>
      %add3A_207 = arith.addi %mul3A_203, %shift_right_arithmetic3A_206 : vector<16xi32>
      %mul3A_208 = arith.constant 48 : i32
      %mul3A_209 = vector.broadcast %mul3A_208 : i32 to vector<16xi32>
      %mul3A_210 = arith.muli %add3A_207, %mul3A_209 : vector<16xi32>
      %and3A_211 = arith.constant 7 : i32
      %and3A_212 = vector.broadcast %and3A_211 : i32 to vector<16xi32>
      %and3A_213 = arith.andi %and3A_198, %and3A_212 : vector<16xi32>
      %add3A_214 = arith.addi %mul3A_210, %and3A_213 : vector<16xi32>
      %swap3A_215 = arith.index_cast %mul3A_191 : i32 to index
      %swap3A_216 = tpu.vector_load %arg9[%swap3A_215] {strides = array<i32>} : memref<512xi32, #tpu.memory_space<vmem>>, vector<16xi32>,
      tpu.vector_store %arg9[%swap3A_215], %add3A_214 {strides = array<i32>} : memref<512xi32, #tpu.memory_space<vmem>>, vector<16xi32>,
      %scan3A_217 = arith.constant 1 : i32
      %scan3A_218 = arith.addi %scan3A_189, %scan3A_217 : i32
      %mul3A_219 = arith.constant 16 : i32
      %mul3A_220 = arith.muli %scan3A_218, %mul3A_219 : i32
      %get3A_221 = arith.index_cast %mul3A_220 : i32 to index
      %get3A_222 = tpu.vector_load %arg7[%get3A_221] {strides = array<i32>} : memref<512xi32, #tpu.memory_space<vmem>>, vector<16xi32>,
      %shift_right_arithmetic3A_223 = arith.constant 16 : i32
      %shift_right_arithmetic3A_224 = vector.broadcast %shift_right_arithmetic3A_223 : i32 to vector<16xi32>
      %shift_right_arithmetic3A_225 = arith.shrsi %get3A_222, %shift_right_arithmetic3A_224 : vector<16xi32>
      %and3A_226 = arith.constant 65535 : i32
      %and3A_227 = vector.broadcast %and3A_226 : i32 to vector<16xi32>
      %and3A_228 = arith.andi %get3A_222, %and3A_227 : vector<16xi32>
      %add3A_229 = vector.broadcast %mul3A_34 : i32 to vector<16xi32>
      %add3A_230 = arith.addi %add3A_229, %shift_right_arithmetic3A_225 : vector<16xi32>
      %mul3A_231 = arith.constant 28 : i32
      %mul3A_232 = vector.broadcast %mul3A_231 : i32 to vector<16xi32>
      %mul3A_233 = arith.muli %add3A_230, %mul3A_232 : vector<16xi32>
      %shift_right_arithmetic3A_234 = arith.constant 3 : i32
      %shift_right_arithmetic3A_235 = vector.broadcast %shift_right_arithmetic3A_234 : i32 to vector<16xi32>
      %shift_right_arithmetic3A_236 = arith.shrsi %and3A_228, %shift_right_arithmetic3A_235 : vector<16xi32>
      %add3A_237 = arith.addi %mul3A_233, %shift_right_arithmetic3A_236 : vector<16xi32>
      %mul3A_238 = arith.constant 48 : i32
      %mul3A_239 = vector.broadcast %mul3A_238 : i32 to vector<16xi32>
      %mul3A_240 = arith.muli %add3A_237, %mul3A_239 : vector<16xi32>
      %and3A_241 = arith.constant 7 : i32
      %and3A_242 = vector.broadcast %and3A_241 : i32 to vector<16xi32>
      %and3A_243 = arith.andi %and3A_228, %and3A_242 : vector<16xi32>
      %add3A_244 = arith.addi %mul3A_240, %and3A_243 : vector<16xi32>
      %swap3A_245 = arith.index_cast %mul3A_220 : i32 to index
      %swap3A_246 = tpu.vector_load %arg9[%swap3A_245] {strides = array<i32>} : memref<512xi32, #tpu.memory_space<vmem>>, vector<16xi32>,
      tpu.vector_store %arg9[%swap3A_245], %add3A_244 {strides = array<i32>} : memref<512xi32, #tpu.memory_space<vmem>>, vector<16xi32>,
      %scan3A_247 = arith.constant 2 : i32
      %scan3A_248 = arith.addi %scan3A_189, %scan3A_247 : i32
      %mul3A_249 = arith.constant 16 : i32
      %mul3A_250 = arith.muli %scan3A_248, %mul3A_249 : i32
      %get3A_251 = arith.index_cast %mul3A_250 : i32 to index
      %get3A_252 = tpu.vector_load %arg7[%get3A_251] {strides = array<i32>} : memref<512xi32, #tpu.memory_space<vmem>>, vector<16xi32>,
      %shift_right_arithmetic3A_253 = arith.constant 16 : i32
      %shift_right_arithmetic3A_254 = vector.broadcast %shift_right_arithmetic3A_253 : i32 to vector<16xi32>
      %shift_right_arithmetic3A_255 = arith.shrsi %get3A_252, %shift_right_arithmetic3A_254 : vector<16xi32>
      %and3A_256 = arith.constant 65535 : i32
      %and3A_257 = vector.broadcast %and3A_256 : i32 to vector<16xi32>
      %and3A_258 = arith.andi %get3A_252, %and3A_257 : vector<16xi32>
      %add3A_259 = vector.broadcast %mul3A_34 : i32 to vector<16xi32>
      %add3A_260 = arith.addi %add3A_259, %shift_right_arithmetic3A_255 : vector<16xi32>
      %mul3A_261 = arith.constant 28 : i32
      %mul3A_262 = vector.broadcast %mul3A_261 : i32 to vector<16xi32>
      %mul3A_263 = arith.muli %add3A_260, %mul3A_262 : vector<16xi32>
      %shift_right_arithmetic3A_264 = arith.constant 3 : i32
      %shift_right_arithmetic3A_265 = vector.broadcast %shift_right_arithmetic3A_264 : i32 to vector<16xi32>
      %shift_right_arithmetic3A_266 = arith.shrsi %and3A_258, %shift_right_arithmetic3A_265 : vector<16xi32>
      %add3A_267 = arith.addi %mul3A_263, %shift_right_arithmetic3A_266 : vector<16xi32>
      %mul3A_268 = arith.constant 48 : i32
      %mul3A_269 = vector.broadcast %mul3A_268 : i32 to vector<16xi32>
      %mul3A_270 = arith.muli %add3A_267, %mul3A_269 : vector<16xi32>
      %and3A_271 = arith.constant 7 : i32
      %and3A_272 = vector.broadcast %and3A_271 : i32 to vector<16xi32>
      %and3A_273 = arith.andi %and3A_258, %and3A_272 : vector<16xi32>
      %add3A_274 = arith.addi %mul3A_270, %and3A_273 : vector<16xi32>
      %swap3A_275 = arith.index_cast %mul3A_250 : i32 to index
      %swap3A_276 = tpu.vector_load %arg9[%swap3A_275] {strides = array<i32>} : memref<512xi32, #tpu.memory_space<vmem>>, vector<16xi32>,
      tpu.vector_store %arg9[%swap3A_275], %add3A_274 {strides = array<i32>} : memref<512xi32, #tpu.memory_space<vmem>>, vector<16xi32>,
      %scan3A_277 = arith.constant 3 : i32
      %scan3A_278 = arith.addi %scan3A_189, %scan3A_277 : i32
      %mul3A_279 = arith.constant 16 : i32
      %mul3A_280 = arith.muli %scan3A_278, %mul3A_279 : i32
      %get3A_281 = arith.index_cast %mul3A_280 : i32 to index
      %get3A_282 = tpu.vector_load %arg7[%get3A_281] {strides = array<i32>} : memref<512xi32, #tpu.memory_space<vmem>>, vector<16xi32>,
      %shift_right_arithmetic3A_283 = arith.constant 16 : i32
      %shift_right_arithmetic3A_284 = vector.broadcast %shift_right_arithmetic3A_283 : i32 to vector<16xi32>
      %shift_right_arithmetic3A_285 = arith.shrsi %get3A_282, %shift_right_arithmetic3A_284 : vector<16xi32>
      %and3A_286 = arith.constant 65535 : i32
      %and3A_287 = vector.broadcast %and3A_286 : i32 to vector<16xi32>
      %and3A_288 = arith.andi %get3A_282, %and3A_287 : vector<16xi32>
      %add3A_289 = vector.broadcast %mul3A_34 : i32 to vector<16xi32>
      %add3A_290 = arith.addi %add3A_289, %shift_right_arithmetic3A_285 : vector<16xi32>
      %mul3A_291 = arith.constant 28 : i32
      %mul3A_292 = vector.broadcast %mul3A_291 : i32 to vector<16xi32>
      %mul3A_293 = arith.muli %add3A_290, %mul3A_292 : vector<16xi32>
      %shift_right_arithmetic3A_294 = arith.constant 3 : i32
      %shift_right_arithmetic3A_295 = vector.broadcast %shift_right_arithmetic3A_294 : i32 to vector<16xi32>
      %shift_right_arithmetic3A_296 = arith.shrsi %and3A_288, %shift_right_arithmetic3A_295 : vector<16xi32>
      %add3A_297 = arith.addi %mul3A_293, %shift_right_arithmetic3A_296 : vector<16xi32>
      %mul3A_298 = arith.constant 48 : i32
      %mul3A_299 = vector.broadcast %mul3A_298 : i32 to vector<16xi32>
      %mul3A_300 = arith.muli %add3A_297, %mul3A_299 : vector<16xi32>
      %and3A_301 = arith.constant 7 : i32
      %and3A_302 = vector.broadcast %and3A_301 : i32 to vector<16xi32>
      %and3A_303 = arith.andi %and3A_288, %and3A_302 : vector<16xi32>
      %add3A_304 = arith.addi %mul3A_300, %and3A_303 : vector<16xi32>
      %swap3A_305 = arith.index_cast %mul3A_280 : i32 to index
      %swap3A_306 = tpu.vector_load %arg9[%swap3A_305] {strides = array<i32>} : memref<512xi32, #tpu.memory_space<vmem>>, vector<16xi32>,
      tpu.vector_store %arg9[%swap3A_305], %add3A_304 {strides = array<i32>} : memref<512xi32, #tpu.memory_space<vmem>>, vector<16xi32>,
    }
    %scan3A_39 = arith.constant 32 : i32
    %scan3A_40 = arith.constant 0 : i32
    %scan3A_41 = arith.constant 0 : i32
    %scan3A_42 = arith.constant 32 : i32
    %scan3A_43 = arith.addi %scan3A_41, %scan3A_42 : i32
    %scan3A_44 = arith.constant 4 : i32
    scf.for %scan3A_189 = %scan3A_41 to %scan3A_43 step %scan3A_44  : i32 {
      %mul3A_190 = arith.constant 16 : i32
      %mul3A_191 = arith.muli %scan3A_189, %mul3A_190 : i32
      %shift_right_arithmetic3A = arith.constant 1 : i32
      %shift_right_arithmetic3A_192 = arith.shrsi %scan3A_189, %shift_right_arithmetic3A : i32
      %mul3A_193 = arith.constant 192 : i32
      %mul3A_194 = arith.muli %shift_right_arithmetic3A_192, %mul3A_193 : i32
      %add3A_195 = arith.constant 0 : i32
      %add3A_196 = arith.addi %mul3A_194, %add3A_195 : i32
      %and3A_197 = arith.constant 1 : i32
      %and3A_198 = arith.andi %scan3A_189, %and3A_197 : i32
      %mul3A_199 = arith.constant 16 : i32
      %mul3A_200 = arith.muli %and3A_198, %mul3A_199 : i32
      %add3A_201 = arith.addi %add3A_196, %mul3A_200 : i32
      %get3A_202 = arith.index_cast %mul3A_191 : i32 to index
      %get3A_203 = tpu.vector_load %arg9[%get3A_202] {strides = array<i32>} : memref<512xi32, #tpu.memory_space<vmem>>, vector<16xi32>,
      %add3A_204 = arith.constant 0 : i32
      %add3A_205 = vector.broadcast %add3A_204 : i32 to vector<16xi32>
      %add3A_206 = arith.addi %get3A_203, %add3A_205 : vector<16xi32>
      %swap3A_207 = arith.index_cast %add3A_201 : i32 to index
      %swap3A_208 = tpu.vector_load %arg10[%swap3A_207] {strides = array<i32>} : memref<3072xi32, #tpu.memory_space<vmem>>, vector<16xi32>,
      tpu.vector_store %arg10[%swap3A_207], %add3A_206 {strides = array<i32>} : memref<3072xi32, #tpu.memory_space<vmem>>, vector<16xi32>,
      %scan3A_209 = arith.constant 1 : i32
      %scan3A_210 = arith.addi %scan3A_189, %scan3A_209 : i32
      %mul3A_211 = arith.constant 16 : i32
      %mul3A_212 = arith.muli %scan3A_210, %mul3A_211 : i32
      %shift_right_arithmetic3A_213 = arith.constant 1 : i32
      %shift_right_arithmetic3A_214 = arith.shrsi %scan3A_210, %shift_right_arithmetic3A_213 : i32
      %mul3A_215 = arith.constant 192 : i32
      %mul3A_216 = arith.muli %shift_right_arithmetic3A_214, %mul3A_215 : i32
      %add3A_217 = arith.constant 0 : i32
      %add3A_218 = arith.addi %mul3A_216, %add3A_217 : i32
      %and3A_219 = arith.constant 1 : i32
      %and3A_220 = arith.andi %scan3A_210, %and3A_219 : i32
      %mul3A_221 = arith.constant 16 : i32
      %mul3A_222 = arith.muli %and3A_220, %mul3A_221 : i32
      %add3A_223 = arith.addi %add3A_218, %mul3A_222 : i32
      %get3A_224 = arith.index_cast %mul3A_212 : i32 to index
      %get3A_225 = tpu.vector_load %arg9[%get3A_224] {strides = array<i32>} : memref<512xi32, #tpu.memory_space<vmem>>, vector<16xi32>,
      %add3A_226 = arith.constant 0 : i32
      %add3A_227 = vector.broadcast %add3A_226 : i32 to vector<16xi32>
      %add3A_228 = arith.addi %get3A_225, %add3A_227 : vector<16xi32>
      %swap3A_229 = arith.index_cast %add3A_223 : i32 to index
      %swap3A_230 = tpu.vector_load %arg10[%swap3A_229] {strides = array<i32>} : memref<3072xi32, #tpu.memory_space<vmem>>, vector<16xi32>,
      tpu.vector_store %arg10[%swap3A_229], %add3A_228 {strides = array<i32>} : memref<3072xi32, #tpu.memory_space<vmem>>, vector<16xi32>,
      %scan3A_231 = arith.constant 2 : i32
      %scan3A_232 = arith.addi %scan3A_189, %scan3A_231 : i32
      %mul3A_233 = arith.constant 16 : i32
      %mul3A_234 = arith.muli %scan3A_232, %mul3A_233 : i32
      %shift_right_arithmetic3A_235 = arith.constant 1 : i32
      %shift_right_arithmetic3A_236 = arith.shrsi %scan3A_232, %shift_right_arithmetic3A_235 : i32
      %mul3A_237 = arith.constant 192 : i32
      %mul3A_238 = arith.muli %shift_right_arithmetic3A_236, %mul3A_237 : i32
      %add3A_239 = arith.constant 0 : i32
      %add3A_240 = arith.addi %mul3A_238, %add3A_239 : i32
      %and3A_241 = arith.constant 1 : i32
      %and3A_242 = arith.andi %scan3A_232, %and3A_241 : i32
      %mul3A_243 = arith.constant 16 : i32
      %mul3A_244 = arith.muli %and3A_242, %mul3A_243 : i32
      %add3A_245 = arith.addi %add3A_240, %mul3A_244 : i32
      %get3A_246 = arith.index_cast %mul3A_234 : i32 to index
      %get3A_247 = tpu.vector_load %arg9[%get3A_246] {strides = array<i32>} : memref<512xi32, #tpu.memory_space<vmem>>, vector<16xi32>,
      %add3A_248 = arith.constant 0 : i32
      %add3A_249 = vector.broadcast %add3A_248 : i32 to vector<16xi32>
      %add3A_250 = arith.addi %get3A_247, %add3A_249 : vector<16xi32>
      %swap3A_251 = arith.index_cast %add3A_245 : i32 to index
      %swap3A_252 = tpu.vector_load %arg10[%swap3A_251] {strides = array<i32>} : memref<3072xi32, #tpu.memory_space<vmem>>, vector<16xi32>,
      tpu.vector_store %arg10[%swap3A_251], %add3A_250 {strides = array<i32>} : memref<3072xi32, #tpu.memory_space<vmem>>, vector<16xi32>,
      %scan3A_253 = arith.constant 3 : i32
      %scan3A_254 = arith.addi %scan3A_189, %scan3A_253 : i32
      %mul3A_255 = arith.constant 16 : i32
      %mul3A_256 = arith.muli %scan3A_254, %mul3A_255 : i32
      %shift_right_arithmetic3A_257 = arith.constant 1 : i32
      %shift_right_arithmetic3A_258 = arith.shrsi %scan3A_254, %shift_right_arithmetic3A_257 : i32
      %mul3A_259 = arith.constant 192 : i32
      %mul3A_260 = arith.muli %shift_right_arithmetic3A_258, %mul3A_259 : i32
      %add3A_261 = arith.constant 0 : i32
      %add3A_262 = arith.addi %mul3A_260, %add3A_261 : i32
      %and3A_263 = arith.constant 1 : i32
      %and3A_264 = arith.andi %scan3A_254, %and3A_263 : i32
      %mul3A_265 = arith.constant 16 : i32
      %mul3A_266 = arith.muli %and3A_264, %mul3A_265 : i32
      %add3A_267 = arith.addi %add3A_262, %mul3A_266 : i32
      %get3A_268 = arith.index_cast %mul3A_256 : i32 to index
      %get3A_269 = tpu.vector_load %arg9[%get3A_268] {strides = array<i32>} : memref<512xi32, #tpu.memory_space<vmem>>, vector<16xi32>,
      %add3A_270 = arith.constant 0 : i32
      %add3A_271 = vector.broadcast %add3A_270 : i32 to vector<16xi32>
      %add3A_272 = arith.addi %get3A_269, %add3A_271 : vector<16xi32>
      %swap3A_273 = arith.index_cast %add3A_267 : i32 to index
      %swap3A_274 = tpu.vector_load %arg10[%swap3A_273] {strides = array<i32>} : memref<3072xi32, #tpu.memory_space<vmem>>, vector<16xi32>,
      tpu.vector_store %arg10[%swap3A_273], %add3A_272 {strides = array<i32>} : memref<3072xi32, #tpu.memory_space<vmem>>, vector<16xi32>,
    }
    %scan3A_45 = arith.constant 32 : i32
    %scan3A_46 = arith.constant 0 : i32
    %scan3A_47 = arith.constant 0 : i32
    %scan3A_48 = arith.constant 32 : i32
    %scan3A_49 = arith.addi %scan3A_47, %scan3A_48 : i32
    %scan3A_50 = arith.constant 4 : i32
    scf.for %scan3A_189 = %scan3A_47 to %scan3A_49 step %scan3A_50  : i32 {
      %mul3A_190 = arith.constant 16 : i32
      %mul3A_191 = arith.muli %scan3A_189, %mul3A_190 : i32
      %shift_right_arithmetic3A = arith.constant 1 : i32
      %shift_right_arithmetic3A_192 = arith.shrsi %scan3A_189, %shift_right_arithmetic3A : i32
      %mul3A_193 = arith.constant 192 : i32
      %mul3A_194 = arith.muli %shift_right_arithmetic3A_192, %mul3A_193 : i32
      %add3A_195 = arith.constant 32 : i32
      %add3A_196 = arith.addi %mul3A_194, %add3A_195 : i32
      %and3A_197 = arith.constant 1 : i32
      %and3A_198 = arith.andi %scan3A_189, %and3A_197 : i32
      %mul3A_199 = arith.constant 16 : i32
      %mul3A_200 = arith.muli %and3A_198, %mul3A_199 : i32
      %add3A_201 = arith.addi %add3A_196, %mul3A_200 : i32
      %get3A_202 = arith.index_cast %mul3A_191 : i32 to index
      %get3A_203 = tpu.vector_load %arg9[%get3A_202] {strides = array<i32>} : memref<512xi32, #tpu.memory_space<vmem>>, vector<16xi32>,
      %add3A_204 = arith.constant 8 : i32
      %add3A_205 = vector.broadcast %add3A_204 : i32 to vector<16xi32>
      %add3A_206 = arith.addi %get3A_203, %add3A_205 : vector<16xi32>
      %swap3A_207 = arith.index_cast %add3A_201 : i32 to index
      %swap3A_208 = tpu.vector_load %arg10[%swap3A_207] {strides = array<i32>} : memref<3072xi32, #tpu.memory_space<vmem>>, vector<16xi32>,
      tpu.vector_store %arg10[%swap3A_207], %add3A_206 {strides = array<i32>} : memref<3072xi32, #tpu.memory_space<vmem>>, vector<16xi32>,
      %scan3A_209 = arith.constant 1 : i32
      %scan3A_210 = arith.addi %scan3A_189, %scan3A_209 : i32
      %mul3A_211 = arith.constant 16 : i32
      %mul3A_212 = arith.muli %scan3A_210, %mul3A_211 : i32
      %shift_right_arithmetic3A_213 = arith.constant 1 : i32
      %shift_right_arithmetic3A_214 = arith.shrsi %scan3A_210, %shift_right_arithmetic3A_213 : i32
      %mul3A_215 = arith.constant 192 : i32
      %mul3A_216 = arith.muli %shift_right_arithmetic3A_214, %mul3A_215 : i32
      %add3A_217 = arith.constant 32 : i32
      %add3A_218 = arith.addi %mul3A_216, %add3A_217 : i32
      %and3A_219 = arith.constant 1 : i32
      %and3A_220 = arith.andi %scan3A_210, %and3A_219 : i32
      %mul3A_221 = arith.constant 16 : i32
      %mul3A_222 = arith.muli %and3A_220, %mul3A_221 : i32
      %add3A_223 = arith.addi %add3A_218, %mul3A_222 : i32
      %get3A_224 = arith.index_cast %mul3A_212 : i32 to index
      %get3A_225 = tpu.vector_load %arg9[%get3A_224] {strides = array<i32>} : memref<512xi32, #tpu.memory_space<vmem>>, vector<16xi32>,
      %add3A_226 = arith.constant 8 : i32
      %add3A_227 = vector.broadcast %add3A_226 : i32 to vector<16xi32>
      %add3A_228 = arith.addi %get3A_225, %add3A_227 : vector<16xi32>
      %swap3A_229 = arith.index_cast %add3A_223 : i32 to index
      %swap3A_230 = tpu.vector_load %arg10[%swap3A_229] {strides = array<i32>} : memref<3072xi32, #tpu.memory_space<vmem>>, vector<16xi32>,
      tpu.vector_store %arg10[%swap3A_229], %add3A_228 {strides = array<i32>} : memref<3072xi32, #tpu.memory_space<vmem>>, vector<16xi32>,
      %scan3A_231 = arith.constant 2 : i32
      %scan3A_232 = arith.addi %scan3A_189, %scan3A_231 : i32
      %mul3A_233 = arith.constant 16 : i32
      %mul3A_234 = arith.muli %scan3A_232, %mul3A_233 : i32
      %shift_right_arithmetic3A_235 = arith.constant 1 : i32
      %shift_right_arithmetic3A_236 = arith.shrsi %scan3A_232, %shift_right_arithmetic3A_235 : i32
      %mul3A_237 = arith.constant 192 : i32
      %mul3A_238 = arith.muli %shift_right_arithmetic3A_236, %mul3A_237 : i32
      %add3A_239 = arith.constant 32 : i32
      %add3A_240 = arith.addi %mul3A_238, %add3A_239 : i32
      %and3A_241 = arith.constant 1 : i32
      %and3A_242 = arith.andi %scan3A_232, %and3A_241 : i32
      %mul3A_243 = arith.constant 16 : i32
      %mul3A_244 = arith.muli %and3A_242, %mul3A_243 : i32
      %add3A_245 = arith.addi %add3A_240, %mul3A_244 : i32
      %get3A_246 = arith.index_cast %mul3A_234 : i32 to index
      %get3A_247 = tpu.vector_load %arg9[%get3A_246] {strides = array<i32>} : memref<512xi32, #tpu.memory_space<vmem>>, vector<16xi32>,
      %add3A_248 = arith.constant 8 : i32
      %add3A_249 = vector.broadcast %add3A_248 : i32 to vector<16xi32>
      %add3A_250 = arith.addi %get3A_247, %add3A_249 : vector<16xi32>
      %swap3A_251 = arith.index_cast %add3A_245 : i32 to index
      %swap3A_252 = tpu.vector_load %arg10[%swap3A_251] {strides = array<i32>} : memref<3072xi32, #tpu.memory_space<vmem>>, vector<16xi32>,
      tpu.vector_store %arg10[%swap3A_251], %add3A_250 {strides = array<i32>} : memref<3072xi32, #tpu.memory_space<vmem>>, vector<16xi32>,
      %scan3A_253 = arith.constant 3 : i32
      %scan3A_254 = arith.addi %scan3A_189, %scan3A_253 : i32
      %mul3A_255 = arith.constant 16 : i32
      %mul3A_256 = arith.muli %scan3A_254, %mul3A_255 : i32
      %shift_right_arithmetic3A_257 = arith.constant 1 : i32
      %shift_right_arithmetic3A_258 = arith.shrsi %scan3A_254, %shift_right_arithmetic3A_257 : i32
      %mul3A_259 = arith.constant 192 : i32
      %mul3A_260 = arith.muli %shift_right_arithmetic3A_258, %mul3A_259 : i32
      %add3A_261 = arith.constant 32 : i32
      %add3A_262 = arith.addi %mul3A_260, %add3A_261 : i32
      %and3A_263 = arith.constant 1 : i32
      %and3A_264 = arith.andi %scan3A_254, %and3A_263 : i32
      %mul3A_265 = arith.constant 16 : i32
      %mul3A_266 = arith.muli %and3A_264, %mul3A_265 : i32
      %add3A_267 = arith.addi %add3A_262, %mul3A_266 : i32
      %get3A_268 = arith.index_cast %mul3A_256 : i32 to index
      %get3A_269 = tpu.vector_load %arg9[%get3A_268] {strides = array<i32>} : memref<512xi32, #tpu.memory_space<vmem>>, vector<16xi32>,
      %add3A_270 = arith.constant 8 : i32
      %add3A_271 = vector.broadcast %add3A_270 : i32 to vector<16xi32>
      %add3A_272 = arith.addi %get3A_269, %add3A_271 : vector<16xi32>
      %swap3A_273 = arith.index_cast %add3A_267 : i32 to index
      %swap3A_274 = tpu.vector_load %arg10[%swap3A_273] {strides = array<i32>} : memref<3072xi32, #tpu.memory_space<vmem>>, vector<16xi32>,
      tpu.vector_store %arg10[%swap3A_273], %add3A_272 {strides = array<i32>} : memref<3072xi32, #tpu.memory_space<vmem>>, vector<16xi32>,
    }
    %scan3A_51 = arith.constant 32 : i32
    %scan3A_52 = arith.constant 0 : i32
    %scan3A_53 = arith.constant 0 : i32
    %scan3A_54 = arith.constant 32 : i32
    %scan3A_55 = arith.addi %scan3A_53, %scan3A_54 : i32
    %scan3A_56 = arith.constant 4 : i32
    scf.for %scan3A_189 = %scan3A_53 to %scan3A_55 step %scan3A_56  : i32 {
      %mul3A_190 = arith.constant 16 : i32
      %mul3A_191 = arith.muli %scan3A_189, %mul3A_190 : i32
      %shift_right_arithmetic3A = arith.constant 1 : i32
      %shift_right_arithmetic3A_192 = arith.shrsi %scan3A_189, %shift_right_arithmetic3A : i32
      %mul3A_193 = arith.constant 192 : i32
      %mul3A_194 = arith.muli %shift_right_arithmetic3A_192, %mul3A_193 : i32
      %add3A_195 = arith.constant 64 : i32
      %add3A_196 = arith.addi %mul3A_194, %add3A_195 : i32
      %and3A_197 = arith.constant 1 : i32
      %and3A_198 = arith.andi %scan3A_189, %and3A_197 : i32
      %mul3A_199 = arith.constant 16 : i32
      %mul3A_200 = arith.muli %and3A_198, %mul3A_199 : i32
      %add3A_201 = arith.addi %add3A_196, %mul3A_200 : i32
      %get3A_202 = arith.index_cast %mul3A_191 : i32 to index
      %get3A_203 = tpu.vector_load %arg9[%get3A_202] {strides = array<i32>} : memref<512xi32, #tpu.memory_space<vmem>>, vector<16xi32>,
      %add3A_204 = arith.constant 16 : i32
      %add3A_205 = vector.broadcast %add3A_204 : i32 to vector<16xi32>
      %add3A_206 = arith.addi %get3A_203, %add3A_205 : vector<16xi32>
      %swap3A_207 = arith.index_cast %add3A_201 : i32 to index
      %swap3A_208 = tpu.vector_load %arg10[%swap3A_207] {strides = array<i32>} : memref<3072xi32, #tpu.memory_space<vmem>>, vector<16xi32>,
      tpu.vector_store %arg10[%swap3A_207], %add3A_206 {strides = array<i32>} : memref<3072xi32, #tpu.memory_space<vmem>>, vector<16xi32>,
      %scan3A_209 = arith.constant 1 : i32
      %scan3A_210 = arith.addi %scan3A_189, %scan3A_209 : i32
      %mul3A_211 = arith.constant 16 : i32
      %mul3A_212 = arith.muli %scan3A_210, %mul3A_211 : i32
      %shift_right_arithmetic3A_213 = arith.constant 1 : i32
      %shift_right_arithmetic3A_214 = arith.shrsi %scan3A_210, %shift_right_arithmetic3A_213 : i32
      %mul3A_215 = arith.constant 192 : i32
      %mul3A_216 = arith.muli %shift_right_arithmetic3A_214, %mul3A_215 : i32
      %add3A_217 = arith.constant 64 : i32
      %add3A_218 = arith.addi %mul3A_216, %add3A_217 : i32
      %and3A_219 = arith.constant 1 : i32
      %and3A_220 = arith.andi %scan3A_210, %and3A_219 : i32
      %mul3A_221 = arith.constant 16 : i32
      %mul3A_222 = arith.muli %and3A_220, %mul3A_221 : i32
      %add3A_223 = arith.addi %add3A_218, %mul3A_222 : i32
      %get3A_224 = arith.index_cast %mul3A_212 : i32 to index
      %get3A_225 = tpu.vector_load %arg9[%get3A_224] {strides = array<i32>} : memref<512xi32, #tpu.memory_space<vmem>>, vector<16xi32>,
      %add3A_226 = arith.constant 16 : i32
      %add3A_227 = vector.broadcast %add3A_226 : i32 to vector<16xi32>
      %add3A_228 = arith.addi %get3A_225, %add3A_227 : vector<16xi32>
      %swap3A_229 = arith.index_cast %add3A_223 : i32 to index
      %swap3A_230 = tpu.vector_load %arg10[%swap3A_229] {strides = array<i32>} : memref<3072xi32, #tpu.memory_space<vmem>>, vector<16xi32>,
      tpu.vector_store %arg10[%swap3A_229], %add3A_228 {strides = array<i32>} : memref<3072xi32, #tpu.memory_space<vmem>>, vector<16xi32>,
      %scan3A_231 = arith.constant 2 : i32
      %scan3A_232 = arith.addi %scan3A_189, %scan3A_231 : i32
      %mul3A_233 = arith.constant 16 : i32
      %mul3A_234 = arith.muli %scan3A_232, %mul3A_233 : i32
      %shift_right_arithmetic3A_235 = arith.constant 1 : i32
      %shift_right_arithmetic3A_236 = arith.shrsi %scan3A_232, %shift_right_arithmetic3A_235 : i32
      %mul3A_237 = arith.constant 192 : i32
      %mul3A_238 = arith.muli %shift_right_arithmetic3A_236, %mul3A_237 : i32
      %add3A_239 = arith.constant 64 : i32
      %add3A_240 = arith.addi %mul3A_238, %add3A_239 : i32
      %and3A_241 = arith.constant 1 : i32
      %and3A_242 = arith.andi %scan3A_232, %and3A_241 : i32
      %mul3A_243 = arith.constant 16 : i32
      %mul3A_244 = arith.muli %and3A_242, %mul3A_243 : i32
      %add3A_245 = arith.addi %add3A_240, %mul3A_244 : i32
      %get3A_246 = arith.index_cast %mul3A_234 : i32 to index
      %get3A_247 = tpu.vector_load %arg9[%get3A_246] {strides = array<i32>} : memref<512xi32, #tpu.memory_space<vmem>>, vector<16xi32>,
      %add3A_248 = arith.constant 16 : i32
      %add3A_249 = vector.broadcast %add3A_248 : i32 to vector<16xi32>
      %add3A_250 = arith.addi %get3A_247, %add3A_249 : vector<16xi32>
      %swap3A_251 = arith.index_cast %add3A_245 : i32 to index
      %swap3A_252 = tpu.vector_load %arg10[%swap3A_251] {strides = array<i32>} : memref<3072xi32, #tpu.memory_space<vmem>>, vector<16xi32>,
      tpu.vector_store %arg10[%swap3A_251], %add3A_250 {strides = array<i32>} : memref<3072xi32, #tpu.memory_space<vmem>>, vector<16xi32>,
      %scan3A_253 = arith.constant 3 : i32
      %scan3A_254 = arith.addi %scan3A_189, %scan3A_253 : i32
      %mul3A_255 = arith.constant 16 : i32
      %mul3A_256 = arith.muli %scan3A_254, %mul3A_255 : i32
      %shift_right_arithmetic3A_257 = arith.constant 1 : i32
      %shift_right_arithmetic3A_258 = arith.shrsi %scan3A_254, %shift_right_arithmetic3A_257 : i32
      %mul3A_259 = arith.constant 192 : i32
      %mul3A_260 = arith.muli %shift_right_arithmetic3A_258, %mul3A_259 : i32
      %add3A_261 = arith.constant 64 : i32
      %add3A_262 = arith.addi %mul3A_260, %add3A_261 : i32
      %and3A_263 = arith.constant 1 : i32
      %and3A_264 = arith.andi %scan3A_254, %and3A_263 : i32
      %mul3A_265 = arith.constant 16 : i32
      %mul3A_266 = arith.muli %and3A_264, %mul3A_265 : i32
      %add3A_267 = arith.addi %add3A_262, %mul3A_266 : i32
      %get3A_268 = arith.index_cast %mul3A_256 : i32 to index
      %get3A_269 = tpu.vector_load %arg9[%get3A_268] {strides = array<i32>} : memref<512xi32, #tpu.memory_space<vmem>>, vector<16xi32>,
      %add3A_270 = arith.constant 16 : i32
      %add3A_271 = vector.broadcast %add3A_270 : i32 to vector<16xi32>
      %add3A_272 = arith.addi %get3A_269, %add3A_271 : vector<16xi32>
      %swap3A_273 = arith.index_cast %add3A_267 : i32 to index
      %swap3A_274 = tpu.vector_load %arg10[%swap3A_273] {strides = array<i32>} : memref<3072xi32, #tpu.memory_space<vmem>>, vector<16xi32>,
      tpu.vector_store %arg10[%swap3A_273], %add3A_272 {strides = array<i32>} : memref<3072xi32, #tpu.memory_space<vmem>>, vector<16xi32>,
    }
    %scan3A_57 = arith.constant 32 : i32
    %scan3A_58 = arith.constant 0 : i32
    %scan3A_59 = arith.constant 0 : i32
    %scan3A_60 = arith.constant 32 : i32
    %scan3A_61 = arith.addi %scan3A_59, %scan3A_60 : i32
    %scan3A_62 = arith.constant 4 : i32
    scf.for %scan3A_189 = %scan3A_59 to %scan3A_61 step %scan3A_62  : i32 {
      %mul3A_190 = arith.constant 16 : i32
      %mul3A_191 = arith.muli %scan3A_189, %mul3A_190 : i32
      %shift_right_arithmetic3A = arith.constant 1 : i32
      %shift_right_arithmetic3A_192 = arith.shrsi %scan3A_189, %shift_right_arithmetic3A : i32
      %mul3A_193 = arith.constant 192 : i32
      %mul3A_194 = arith.muli %shift_right_arithmetic3A_192, %mul3A_193 : i32
      %add3A_195 = arith.constant 96 : i32
      %add3A_196 = arith.addi %mul3A_194, %add3A_195 : i32
      %and3A_197 = arith.constant 1 : i32
      %and3A_198 = arith.andi %scan3A_189, %and3A_197 : i32
      %mul3A_199 = arith.constant 16 : i32
      %mul3A_200 = arith.muli %and3A_198, %mul3A_199 : i32
      %add3A_201 = arith.addi %add3A_196, %mul3A_200 : i32
      %get3A_202 = arith.index_cast %mul3A_191 : i32 to index
      %get3A_203 = tpu.vector_load %arg9[%get3A_202] {strides = array<i32>} : memref<512xi32, #tpu.memory_space<vmem>>, vector<16xi32>,
      %add3A_204 = arith.constant 24 : i32
      %add3A_205 = vector.broadcast %add3A_204 : i32 to vector<16xi32>
      %add3A_206 = arith.addi %get3A_203, %add3A_205 : vector<16xi32>
      %swap3A_207 = arith.index_cast %add3A_201 : i32 to index
      %swap3A_208 = tpu.vector_load %arg10[%swap3A_207] {strides = array<i32>} : memref<3072xi32, #tpu.memory_space<vmem>>, vector<16xi32>,
      tpu.vector_store %arg10[%swap3A_207], %add3A_206 {strides = array<i32>} : memref<3072xi32, #tpu.memory_space<vmem>>, vector<16xi32>,
      %scan3A_209 = arith.constant 1 : i32
      %scan3A_210 = arith.addi %scan3A_189, %scan3A_209 : i32
      %mul3A_211 = arith.constant 16 : i32
      %mul3A_212 = arith.muli %scan3A_210, %mul3A_211 : i32
      %shift_right_arithmetic3A_213 = arith.constant 1 : i32
      %shift_right_arithmetic3A_214 = arith.shrsi %scan3A_210, %shift_right_arithmetic3A_213 : i32
      %mul3A_215 = arith.constant 192 : i32
      %mul3A_216 = arith.muli %shift_right_arithmetic3A_214, %mul3A_215 : i32
      %add3A_217 = arith.constant 96 : i32
      %add3A_218 = arith.addi %mul3A_216, %add3A_217 : i32
      %and3A_219 = arith.constant 1 : i32
      %and3A_220 = arith.andi %scan3A_210, %and3A_219 : i32
      %mul3A_221 = arith.constant 16 : i32
      %mul3A_222 = arith.muli %and3A_220, %mul3A_221 : i32
      %add3A_223 = arith.addi %add3A_218, %mul3A_222 : i32
      %get3A_224 = arith.index_cast %mul3A_212 : i32 to index
      %get3A_225 = tpu.vector_load %arg9[%get3A_224] {strides = array<i32>} : memref<512xi32, #tpu.memory_space<vmem>>, vector<16xi32>,
      %add3A_226 = arith.constant 24 : i32
      %add3A_227 = vector.broadcast %add3A_226 : i32 to vector<16xi32>
      %add3A_228 = arith.addi %get3A_225, %add3A_227 : vector<16xi32>
      %swap3A_229 = arith.index_cast %add3A_223 : i32 to index
      %swap3A_230 = tpu.vector_load %arg10[%swap3A_229] {strides = array<i32>} : memref<3072xi32, #tpu.memory_space<vmem>>, vector<16xi32>,
      tpu.vector_store %arg10[%swap3A_229], %add3A_228 {strides = array<i32>} : memref<3072xi32, #tpu.memory_space<vmem>>, vector<16xi32>,
      %scan3A_231 = arith.constant 2 : i32
      %scan3A_232 = arith.addi %scan3A_189, %scan3A_231 : i32
      %mul3A_233 = arith.constant 16 : i32
      %mul3A_234 = arith.muli %scan3A_232, %mul3A_233 : i32
      %shift_right_arithmetic3A_235 = arith.constant 1 : i32
      %shift_right_arithmetic3A_236 = arith.shrsi %scan3A_232, %shift_right_arithmetic3A_235 : i32
      %mul3A_237 = arith.constant 192 : i32
      %mul3A_238 = arith.muli %shift_right_arithmetic3A_236, %mul3A_237 : i32
      %add3A_239 = arith.constant 96 : i32
      %add3A_240 = arith.addi %mul3A_238, %add3A_239 : i32
      %and3A_241 = arith.constant 1 : i32
      %and3A_242 = arith.andi %scan3A_232, %and3A_241 : i32
      %mul3A_243 = arith.constant 16 : i32
      %mul3A_244 = arith.muli %and3A_242, %mul3A_243 : i32
      %add3A_245 = arith.addi %add3A_240, %mul3A_244 : i32
      %get3A_246 = arith.index_cast %mul3A_234 : i32 to index
      %get3A_247 = tpu.vector_load %arg9[%get3A_246] {strides = array<i32>} : memref<512xi32, #tpu.memory_space<vmem>>, vector<16xi32>,
      %add3A_248 = arith.constant 24 : i32
      %add3A_249 = vector.broadcast %add3A_248 : i32 to vector<16xi32>
      %add3A_250 = arith.addi %get3A_247, %add3A_249 : vector<16xi32>
      %swap3A_251 = arith.index_cast %add3A_245 : i32 to index
      %swap3A_252 = tpu.vector_load %arg10[%swap3A_251] {strides = array<i32>} : memref<3072xi32, #tpu.memory_space<vmem>>, vector<16xi32>,
      tpu.vector_store %arg10[%swap3A_251], %add3A_250 {strides = array<i32>} : memref<3072xi32, #tpu.memory_space<vmem>>, vector<16xi32>,
      %scan3A_253 = arith.constant 3 : i32
      %scan3A_254 = arith.addi %scan3A_189, %scan3A_253 : i32
      %mul3A_255 = arith.constant 16 : i32
      %mul3A_256 = arith.muli %scan3A_254, %mul3A_255 : i32
      %shift_right_arithmetic3A_257 = arith.constant 1 : i32
      %shift_right_arithmetic3A_258 = arith.shrsi %scan3A_254, %shift_right_arithmetic3A_257 : i32
      %mul3A_259 = arith.constant 192 : i32
      %mul3A_260 = arith.muli %shift_right_arithmetic3A_258, %mul3A_259 : i32
      %add3A_261 = arith.constant 96 : i32
      %add3A_262 = arith.addi %mul3A_260, %add3A_261 : i32
      %and3A_263 = arith.constant 1 : i32
      %and3A_264 = arith.andi %scan3A_254, %and3A_263 : i32
      %mul3A_265 = arith.constant 16 : i32
      %mul3A_266 = arith.muli %and3A_264, %mul3A_265 : i32
      %add3A_267 = arith.addi %add3A_262, %mul3A_266 : i32
      %get3A_268 = arith.index_cast %mul3A_256 : i32 to index
      %get3A_269 = tpu.vector_load %arg9[%get3A_268] {strides = array<i32>} : memref<512xi32, #tpu.memory_space<vmem>>, vector<16xi32>,
      %add3A_270 = arith.constant 24 : i32
      %add3A_271 = vector.broadcast %add3A_270 : i32 to vector<16xi32>
      %add3A_272 = arith.addi %get3A_269, %add3A_271 : vector<16xi32>
      %swap3A_273 = arith.index_cast %add3A_267 : i32 to index
      %swap3A_274 = tpu.vector_load %arg10[%swap3A_273] {strides = array<i32>} : memref<3072xi32, #tpu.memory_space<vmem>>, vector<16xi32>,
      tpu.vector_store %arg10[%swap3A_273], %add3A_272 {strides = array<i32>} : memref<3072xi32, #tpu.memory_space<vmem>>, vector<16xi32>,
    }
    %scan3A_63 = arith.constant 32 : i32
    %scan3A_64 = arith.constant 0 : i32
    %scan3A_65 = arith.constant 0 : i32
    %scan3A_66 = arith.constant 32 : i32
    %scan3A_67 = arith.addi %scan3A_65, %scan3A_66 : i32
    %scan3A_68 = arith.constant 4 : i32
    scf.for %scan3A_189 = %scan3A_65 to %scan3A_67 step %scan3A_68  : i32 {
      %mul3A_190 = arith.constant 16 : i32
      %mul3A_191 = arith.muli %scan3A_189, %mul3A_190 : i32
      %shift_right_arithmetic3A = arith.constant 1 : i32
      %shift_right_arithmetic3A_192 = arith.shrsi %scan3A_189, %shift_right_arithmetic3A : i32
      %mul3A_193 = arith.constant 192 : i32
      %mul3A_194 = arith.muli %shift_right_arithmetic3A_192, %mul3A_193 : i32
      %add3A_195 = arith.constant 128 : i32
      %add3A_196 = arith.addi %mul3A_194, %add3A_195 : i32
      %and3A_197 = arith.constant 1 : i32
      %and3A_198 = arith.andi %scan3A_189, %and3A_197 : i32
      %mul3A_199 = arith.constant 16 : i32
      %mul3A_200 = arith.muli %and3A_198, %mul3A_199 : i32
      %add3A_201 = arith.addi %add3A_196, %mul3A_200 : i32
      %get3A_202 = arith.index_cast %mul3A_191 : i32 to index
      %get3A_203 = tpu.vector_load %arg9[%get3A_202] {strides = array<i32>} : memref<512xi32, #tpu.memory_space<vmem>>, vector<16xi32>,
      %add3A_204 = arith.constant 32 : i32
      %add3A_205 = vector.broadcast %add3A_204 : i32 to vector<16xi32>
      %add3A_206 = arith.addi %get3A_203, %add3A_205 : vector<16xi32>
      %swap3A_207 = arith.index_cast %add3A_201 : i32 to index
      %swap3A_208 = tpu.vector_load %arg10[%swap3A_207] {strides = array<i32>} : memref<3072xi32, #tpu.memory_space<vmem>>, vector<16xi32>,
      tpu.vector_store %arg10[%swap3A_207], %add3A_206 {strides = array<i32>} : memref<3072xi32, #tpu.memory_space<vmem>>, vector<16xi32>,
      %scan3A_209 = arith.constant 1 : i32
      %scan3A_210 = arith.addi %scan3A_189, %scan3A_209 : i32
      %mul3A_211 = arith.constant 16 : i32
      %mul3A_212 = arith.muli %scan3A_210, %mul3A_211 : i32
      %shift_right_arithmetic3A_213 = arith.constant 1 : i32
      %shift_right_arithmetic3A_214 = arith.shrsi %scan3A_210, %shift_right_arithmetic3A_213 : i32
      %mul3A_215 = arith.constant 192 : i32
      %mul3A_216 = arith.muli %shift_right_arithmetic3A_214, %mul3A_215 : i32
      %add3A_217 = arith.constant 128 : i32
      %add3A_218 = arith.addi %mul3A_216, %add3A_217 : i32
      %and3A_219 = arith.constant 1 : i32
      %and3A_220 = arith.andi %scan3A_210, %and3A_219 : i32
      %mul3A_221 = arith.constant 16 : i32
      %mul3A_222 = arith.muli %and3A_220, %mul3A_221 : i32
      %add3A_223 = arith.addi %add3A_218, %mul3A_222 : i32
      %get3A_224 = arith.index_cast %mul3A_212 : i32 to index
      %get3A_225 = tpu.vector_load %arg9[%get3A_224] {strides = array<i32>} : memref<512xi32, #tpu.memory_space<vmem>>, vector<16xi32>,
      %add3A_226 = arith.constant 32 : i32
      %add3A_227 = vector.broadcast %add3A_226 : i32 to vector<16xi32>
      %add3A_228 = arith.addi %get3A_225, %add3A_227 : vector<16xi32>
      %swap3A_229 = arith.index_cast %add3A_223 : i32 to index
      %swap3A_230 = tpu.vector_load %arg10[%swap3A_229] {strides = array<i32>} : memref<3072xi32, #tpu.memory_space<vmem>>, vector<16xi32>,
      tpu.vector_store %arg10[%swap3A_229], %add3A_228 {strides = array<i32>} : memref<3072xi32, #tpu.memory_space<vmem>>, vector<16xi32>,
      %scan3A_231 = arith.constant 2 : i32
      %scan3A_232 = arith.addi %scan3A_189, %scan3A_231 : i32
      %mul3A_233 = arith.constant 16 : i32
      %mul3A_234 = arith.muli %scan3A_232, %mul3A_233 : i32
      %shift_right_arithmetic3A_235 = arith.constant 1 : i32
      %shift_right_arithmetic3A_236 = arith.shrsi %scan3A_232, %shift_right_arithmetic3A_235 : i32
      %mul3A_237 = arith.constant 192 : i32
      %mul3A_238 = arith.muli %shift_right_arithmetic3A_236, %mul3A_237 : i32
      %add3A_239 = arith.constant 128 : i32
      %add3A_240 = arith.addi %mul3A_238, %add3A_239 : i32
      %and3A_241 = arith.constant 1 : i32
      %and3A_242 = arith.andi %scan3A_232, %and3A_241 : i32
      %mul3A_243 = arith.constant 16 : i32
      %mul3A_244 = arith.muli %and3A_242, %mul3A_243 : i32
      %add3A_245 = arith.addi %add3A_240, %mul3A_244 : i32
      %get3A_246 = arith.index_cast %mul3A_234 : i32 to index
      %get3A_247 = tpu.vector_load %arg9[%get3A_246] {strides = array<i32>} : memref<512xi32, #tpu.memory_space<vmem>>, vector<16xi32>,
      %add3A_248 = arith.constant 32 : i32
      %add3A_249 = vector.broadcast %add3A_248 : i32 to vector<16xi32>
      %add3A_250 = arith.addi %get3A_247, %add3A_249 : vector<16xi32>
      %swap3A_251 = arith.index_cast %add3A_245 : i32 to index
      %swap3A_252 = tpu.vector_load %arg10[%swap3A_251] {strides = array<i32>} : memref<3072xi32, #tpu.memory_space<vmem>>, vector<16xi32>,
      tpu.vector_store %arg10[%swap3A_251], %add3A_250 {strides = array<i32>} : memref<3072xi32, #tpu.memory_space<vmem>>, vector<16xi32>,
      %scan3A_253 = arith.constant 3 : i32
      %scan3A_254 = arith.addi %scan3A_189, %scan3A_253 : i32
      %mul3A_255 = arith.constant 16 : i32
      %mul3A_256 = arith.muli %scan3A_254, %mul3A_255 : i32
      %shift_right_arithmetic3A_257 = arith.constant 1 : i32
      %shift_right_arithmetic3A_258 = arith.shrsi %scan3A_254, %shift_right_arithmetic3A_257 : i32
      %mul3A_259 = arith.constant 192 : i32
      %mul3A_260 = arith.muli %shift_right_arithmetic3A_258, %mul3A_259 : i32
      %add3A_261 = arith.constant 128 : i32
      %add3A_262 = arith.addi %mul3A_260, %add3A_261 : i32
      %and3A_263 = arith.constant 1 : i32
      %and3A_264 = arith.andi %scan3A_254, %and3A_263 : i32
      %mul3A_265 = arith.constant 16 : i32
      %mul3A_266 = arith.muli %and3A_264, %mul3A_265 : i32
      %add3A_267 = arith.addi %add3A_262, %mul3A_266 : i32
      %get3A_268 = arith.index_cast %mul3A_256 : i32 to index
      %get3A_269 = tpu.vector_load %arg9[%get3A_268] {strides = array<i32>} : memref<512xi32, #tpu.memory_space<vmem>>, vector<16xi32>,
      %add3A_270 = arith.constant 32 : i32
      %add3A_271 = vector.broadcast %add3A_270 : i32 to vector<16xi32>
      %add3A_272 = arith.addi %get3A_269, %add3A_271 : vector<16xi32>
      %swap3A_273 = arith.index_cast %add3A_267 : i32 to index
      %swap3A_274 = tpu.vector_load %arg10[%swap3A_273] {strides = array<i32>} : memref<3072xi32, #tpu.memory_space<vmem>>, vector<16xi32>,
      tpu.vector_store %arg10[%swap3A_273], %add3A_272 {strides = array<i32>} : memref<3072xi32, #tpu.memory_space<vmem>>, vector<16xi32>,
    }
    %scan3A_69 = arith.constant 32 : i32
    %scan3A_70 = arith.constant 0 : i32
    %scan3A_71 = arith.constant 0 : i32
    %scan3A_72 = arith.constant 32 : i32
    %scan3A_73 = arith.addi %scan3A_71, %scan3A_72 : i32
    %scan3A_74 = arith.constant 4 : i32
    scf.for %scan3A_189 = %scan3A_71 to %scan3A_73 step %scan3A_74  : i32 {
      %mul3A_190 = arith.constant 16 : i32
      %mul3A_191 = arith.muli %scan3A_189, %mul3A_190 : i32
      %shift_right_arithmetic3A = arith.constant 1 : i32
      %shift_right_arithmetic3A_192 = arith.shrsi %scan3A_189, %shift_right_arithmetic3A : i32
      %mul3A_193 = arith.constant 192 : i32
      %mul3A_194 = arith.muli %shift_right_arithmetic3A_192, %mul3A_193 : i32
      %add3A_195 = arith.constant 160 : i32
      %add3A_196 = arith.addi %mul3A_194, %add3A_195 : i32
      %and3A_197 = arith.constant 1 : i32
      %and3A_198 = arith.andi %scan3A_189, %and3A_197 : i32
      %mul3A_199 = arith.constant 16 : i32
      %mul3A_200 = arith.muli %and3A_198, %mul3A_199 : i32
      %add3A_201 = arith.addi %add3A_196, %mul3A_200 : i32
      %get3A_202 = arith.index_cast %mul3A_191 : i32 to index
      %get3A_203 = tpu.vector_load %arg9[%get3A_202] {strides = array<i32>} : memref<512xi32, #tpu.memory_space<vmem>>, vector<16xi32>,
      %add3A_204 = arith.constant 40 : i32
      %add3A_205 = vector.broadcast %add3A_204 : i32 to vector<16xi32>
      %add3A_206 = arith.addi %get3A_203, %add3A_205 : vector<16xi32>
      %swap3A_207 = arith.index_cast %add3A_201 : i32 to index
      %swap3A_208 = tpu.vector_load %arg10[%swap3A_207] {strides = array<i32>} : memref<3072xi32, #tpu.memory_space<vmem>>, vector<16xi32>,
      tpu.vector_store %arg10[%swap3A_207], %add3A_206 {strides = array<i32>} : memref<3072xi32, #tpu.memory_space<vmem>>, vector<16xi32>,
      %scan3A_209 = arith.constant 1 : i32
      %scan3A_210 = arith.addi %scan3A_189, %scan3A_209 : i32
      %mul3A_211 = arith.constant 16 : i32
      %mul3A_212 = arith.muli %scan3A_210, %mul3A_211 : i32
      %shift_right_arithmetic3A_213 = arith.constant 1 : i32
      %shift_right_arithmetic3A_214 = arith.shrsi %scan3A_210, %shift_right_arithmetic3A_213 : i32
      %mul3A_215 = arith.constant 192 : i32
      %mul3A_216 = arith.muli %shift_right_arithmetic3A_214, %mul3A_215 : i32
      %add3A_217 = arith.constant 160 : i32
      %add3A_218 = arith.addi %mul3A_216, %add3A_217 : i32
      %and3A_219 = arith.constant 1 : i32
      %and3A_220 = arith.andi %scan3A_210, %and3A_219 : i32
      %mul3A_221 = arith.constant 16 : i32
      %mul3A_222 = arith.muli %and3A_220, %mul3A_221 : i32
      %add3A_223 = arith.addi %add3A_218, %mul3A_222 : i32
      %get3A_224 = arith.index_cast %mul3A_212 : i32 to index
      %get3A_225 = tpu.vector_load %arg9[%get3A_224] {strides = array<i32>} : memref<512xi32, #tpu.memory_space<vmem>>, vector<16xi32>,
      %add3A_226 = arith.constant 40 : i32
      %add3A_227 = vector.broadcast %add3A_226 : i32 to vector<16xi32>
      %add3A_228 = arith.addi %get3A_225, %add3A_227 : vector<16xi32>
      %swap3A_229 = arith.index_cast %add3A_223 : i32 to index
      %swap3A_230 = tpu.vector_load %arg10[%swap3A_229] {strides = array<i32>} : memref<3072xi32, #tpu.memory_space<vmem>>, vector<16xi32>,
      tpu.vector_store %arg10[%swap3A_229], %add3A_228 {strides = array<i32>} : memref<3072xi32, #tpu.memory_space<vmem>>, vector<16xi32>,
      %scan3A_231 = arith.constant 2 : i32
      %scan3A_232 = arith.addi %scan3A_189, %scan3A_231 : i32
      %mul3A_233 = arith.constant 16 : i32
      %mul3A_234 = arith.muli %scan3A_232, %mul3A_233 : i32
      %shift_right_arithmetic3A_235 = arith.constant 1 : i32
      %shift_right_arithmetic3A_236 = arith.shrsi %scan3A_232, %shift_right_arithmetic3A_235 : i32
      %mul3A_237 = arith.constant 192 : i32
      %mul3A_238 = arith.muli %shift_right_arithmetic3A_236, %mul3A_237 : i32
      %add3A_239 = arith.constant 160 : i32
      %add3A_240 = arith.addi %mul3A_238, %add3A_239 : i32
      %and3A_241 = arith.constant 1 : i32
      %and3A_242 = arith.andi %scan3A_232, %and3A_241 : i32
      %mul3A_243 = arith.constant 16 : i32
      %mul3A_244 = arith.muli %and3A_242, %mul3A_243 : i32
      %add3A_245 = arith.addi %add3A_240, %mul3A_244 : i32
      %get3A_246 = arith.index_cast %mul3A_234 : i32 to index
      %get3A_247 = tpu.vector_load %arg9[%get3A_246] {strides = array<i32>} : memref<512xi32, #tpu.memory_space<vmem>>, vector<16xi32>,
      %add3A_248 = arith.constant 40 : i32
      %add3A_249 = vector.broadcast %add3A_248 : i32 to vector<16xi32>
      %add3A_250 = arith.addi %get3A_247, %add3A_249 : vector<16xi32>
      %swap3A_251 = arith.index_cast %add3A_245 : i32 to index
      %swap3A_252 = tpu.vector_load %arg10[%swap3A_251] {strides = array<i32>} : memref<3072xi32, #tpu.memory_space<vmem>>, vector<16xi32>,
      tpu.vector_store %arg10[%swap3A_251], %add3A_250 {strides = array<i32>} : memref<3072xi32, #tpu.memory_space<vmem>>, vector<16xi32>,
      %scan3A_253 = arith.constant 3 : i32
      %scan3A_254 = arith.addi %scan3A_189, %scan3A_253 : i32
      %mul3A_255 = arith.constant 16 : i32
      %mul3A_256 = arith.muli %scan3A_254, %mul3A_255 : i32
      %shift_right_arithmetic3A_257 = arith.constant 1 : i32
      %shift_right_arithmetic3A_258 = arith.shrsi %scan3A_254, %shift_right_arithmetic3A_257 : i32
      %mul3A_259 = arith.constant 192 : i32
      %mul3A_260 = arith.muli %shift_right_arithmetic3A_258, %mul3A_259 : i32
      %add3A_261 = arith.constant 160 : i32
      %add3A_262 = arith.addi %mul3A_260, %add3A_261 : i32
      %and3A_263 = arith.constant 1 : i32
      %and3A_264 = arith.andi %scan3A_254, %and3A_263 : i32
      %mul3A_265 = arith.constant 16 : i32
      %mul3A_266 = arith.muli %and3A_264, %mul3A_265 : i32
      %add3A_267 = arith.addi %add3A_262, %mul3A_266 : i32
      %get3A_268 = arith.index_cast %mul3A_256 : i32 to index
      %get3A_269 = tpu.vector_load %arg9[%get3A_268] {strides = array<i32>} : memref<512xi32, #tpu.memory_space<vmem>>, vector<16xi32>,
      %add3A_270 = arith.constant 40 : i32
      %add3A_271 = vector.broadcast %add3A_270 : i32 to vector<16xi32>
      %add3A_272 = arith.addi %get3A_269, %add3A_271 : vector<16xi32>
      %swap3A_273 = arith.index_cast %add3A_267 : i32 to index
      %swap3A_274 = tpu.vector_load %arg10[%swap3A_273] {strides = array<i32>} : memref<3072xi32, #tpu.memory_space<vmem>>, vector<16xi32>,
      tpu.vector_store %arg10[%swap3A_273], %add3A_272 {strides = array<i32>} : memref<3072xi32, #tpu.memory_space<vmem>>, vector<16xi32>,
    }
    %scan3A_75 = arith.constant 32 : i32
    %scan3A_76 = arith.constant 0 : i32
    %scan3A_77 = arith.constant 0 : i32
    %scan3A_78 = arith.constant 32 : i32
    %scan3A_79 = arith.addi %scan3A_77, %scan3A_78 : i32
    %scan3A_80 = arith.constant 4 : i32
    scf.for %scan3A_189 = %scan3A_77 to %scan3A_79 step %scan3A_80  : i32 {
      %mul3A_190 = arith.constant 16 : i32
      %mul3A_191 = arith.muli %scan3A_189, %mul3A_190 : i32
      %get3A_192 = arith.index_cast %mul3A_191 : i32 to index
      %get3A_193 = tpu.vector_load %arg8[%get3A_192] {strides = array<i32>} : memref<512xi32, #tpu.memory_space<vmem>>, vector<16xi32>,
      %shift_right_arithmetic3A = arith.constant 16 : i32
      %shift_right_arithmetic3A_194 = vector.broadcast %shift_right_arithmetic3A : i32 to vector<16xi32>
      %shift_right_arithmetic3A_195 = arith.shrsi %get3A_193, %shift_right_arithmetic3A_194 : vector<16xi32>
      %and3A_196 = arith.constant 65535 : i32
      %and3A_197 = vector.broadcast %and3A_196 : i32 to vector<16xi32>
      %and3A_198 = arith.andi %get3A_193, %and3A_197 : vector<16xi32>
      %add3A_199 = vector.broadcast %mul3A_34 : i32 to vector<16xi32>
      %add3A_200 = arith.addi %add3A_199, %shift_right_arithmetic3A_195 : vector<16xi32>
      %mul3A_201 = arith.constant 28 : i32
      %mul3A_202 = vector.broadcast %mul3A_201 : i32 to vector<16xi32>
      %mul3A_203 = arith.muli %add3A_200, %mul3A_202 : vector<16xi32>
      %shift_right_arithmetic3A_204 = arith.constant 3 : i32
      %shift_right_arithmetic3A_205 = vector.broadcast %shift_right_arithmetic3A_204 : i32 to vector<16xi32>
      %shift_right_arithmetic3A_206 = arith.shrsi %and3A_198, %shift_right_arithmetic3A_205 : vector<16xi32>
      %add3A_207 = arith.addi %mul3A_203, %shift_right_arithmetic3A_206 : vector<16xi32>
      %mul3A_208 = arith.constant 48 : i32
      %mul3A_209 = vector.broadcast %mul3A_208 : i32 to vector<16xi32>
      %mul3A_210 = arith.muli %add3A_207, %mul3A_209 : vector<16xi32>
      %and3A_211 = arith.constant 7 : i32
      %and3A_212 = vector.broadcast %and3A_211 : i32 to vector<16xi32>
      %and3A_213 = arith.andi %and3A_198, %and3A_212 : vector<16xi32>
      %add3A_214 = arith.addi %mul3A_210, %and3A_213 : vector<16xi32>
      %swap3A_215 = arith.index_cast %mul3A_191 : i32 to index
      %swap3A_216 = tpu.vector_load %arg9[%swap3A_215] {strides = array<i32>} : memref<512xi32, #tpu.memory_space<vmem>>, vector<16xi32>,
      tpu.vector_store %arg9[%swap3A_215], %add3A_214 {strides = array<i32>} : memref<512xi32, #tpu.memory_space<vmem>>, vector<16xi32>,
      %scan3A_217 = arith.constant 1 : i32
      %scan3A_218 = arith.addi %scan3A_189, %scan3A_217 : i32
      %mul3A_219 = arith.constant 16 : i32
      %mul3A_220 = arith.muli %scan3A_218, %mul3A_219 : i32
      %get3A_221 = arith.index_cast %mul3A_220 : i32 to index
      %get3A_222 = tpu.vector_load %arg8[%get3A_221] {strides = array<i32>} : memref<512xi32, #tpu.memory_space<vmem>>, vector<16xi32>,
      %shift_right_arithmetic3A_223 = arith.constant 16 : i32
      %shift_right_arithmetic3A_224 = vector.broadcast %shift_right_arithmetic3A_223 : i32 to vector<16xi32>
      %shift_right_arithmetic3A_225 = arith.shrsi %get3A_222, %shift_right_arithmetic3A_224 : vector<16xi32>
      %and3A_226 = arith.constant 65535 : i32
      %and3A_227 = vector.broadcast %and3A_226 : i32 to vector<16xi32>
      %and3A_228 = arith.andi %get3A_222, %and3A_227 : vector<16xi32>
      %add3A_229 = vector.broadcast %mul3A_34 : i32 to vector<16xi32>
      %add3A_230 = arith.addi %add3A_229, %shift_right_arithmetic3A_225 : vector<16xi32>
      %mul3A_231 = arith.constant 28 : i32
      %mul3A_232 = vector.broadcast %mul3A_231 : i32 to vector<16xi32>
      %mul3A_233 = arith.muli %add3A_230, %mul3A_232 : vector<16xi32>
      %shift_right_arithmetic3A_234 = arith.constant 3 : i32
      %shift_right_arithmetic3A_235 = vector.broadcast %shift_right_arithmetic3A_234 : i32 to vector<16xi32>
      %shift_right_arithmetic3A_236 = arith.shrsi %and3A_228, %shift_right_arithmetic3A_235 : vector<16xi32>
      %add3A_237 = arith.addi %mul3A_233, %shift_right_arithmetic3A_236 : vector<16xi32>
      %mul3A_238 = arith.constant 48 : i32
      %mul3A_239 = vector.broadcast %mul3A_238 : i32 to vector<16xi32>
      %mul3A_240 = arith.muli %add3A_237, %mul3A_239 : vector<16xi32>
      %and3A_241 = arith.constant 7 : i32
      %and3A_242 = vector.broadcast %and3A_241 : i32 to vector<16xi32>
      %and3A_243 = arith.andi %and3A_228, %and3A_242 : vector<16xi32>
      %add3A_244 = arith.addi %mul3A_240, %and3A_243 : vector<16xi32>
      %swap3A_245 = arith.index_cast %mul3A_220 : i32 to index
      %swap3A_246 = tpu.vector_load %arg9[%swap3A_245] {strides = array<i32>} : memref<512xi32, #tpu.memory_space<vmem>>, vector<16xi32>,
      tpu.vector_store %arg9[%swap3A_245], %add3A_244 {strides = array<i32>} : memref<512xi32, #tpu.memory_space<vmem>>, vector<16xi32>,
      %scan3A_247 = arith.constant 2 : i32
      %scan3A_248 = arith.addi %scan3A_189, %scan3A_247 : i32
      %mul3A_249 = arith.constant 16 : i32
      %mul3A_250 = arith.muli %scan3A_248, %mul3A_249 : i32
      %get3A_251 = arith.index_cast %mul3A_250 : i32 to index
      %get3A_252 = tpu.vector_load %arg8[%get3A_251] {strides = array<i32>} : memref<512xi32, #tpu.memory_space<vmem>>, vector<16xi32>,
      %shift_right_arithmetic3A_253 = arith.constant 16 : i32
      %shift_right_arithmetic3A_254 = vector.broadcast %shift_right_arithmetic3A_253 : i32 to vector<16xi32>
      %shift_right_arithmetic3A_255 = arith.shrsi %get3A_252, %shift_right_arithmetic3A_254 : vector<16xi32>
      %and3A_256 = arith.constant 65535 : i32
      %and3A_257 = vector.broadcast %and3A_256 : i32 to vector<16xi32>
      %and3A_258 = arith.andi %get3A_252, %and3A_257 : vector<16xi32>
      %add3A_259 = vector.broadcast %mul3A_34 : i32 to vector<16xi32>
      %add3A_260 = arith.addi %add3A_259, %shift_right_arithmetic3A_255 : vector<16xi32>
      %mul3A_261 = arith.constant 28 : i32
      %mul3A_262 = vector.broadcast %mul3A_261 : i32 to vector<16xi32>
      %mul3A_263 = arith.muli %add3A_260, %mul3A_262 : vector<16xi32>
      %shift_right_arithmetic3A_264 = arith.constant 3 : i32
      %shift_right_arithmetic3A_265 = vector.broadcast %shift_right_arithmetic3A_264 : i32 to vector<16xi32>
      %shift_right_arithmetic3A_266 = arith.shrsi %and3A_258, %shift_right_arithmetic3A_265 : vector<16xi32>
      %add3A_267 = arith.addi %mul3A_263, %shift_right_arithmetic3A_266 : vector<16xi32>
      %mul3A_268 = arith.constant 48 : i32
      %mul3A_269 = vector.broadcast %mul3A_268 : i32 to vector<16xi32>
      %mul3A_270 = arith.muli %add3A_267, %mul3A_269 : vector<16xi32>
      %and3A_271 = arith.constant 7 : i32
      %and3A_272 = vector.broadcast %and3A_271 : i32 to vector<16xi32>
      %and3A_273 = arith.andi %and3A_258, %and3A_272 : vector<16xi32>
      %add3A_274 = arith.addi %mul3A_270, %and3A_273 : vector<16xi32>
      %swap3A_275 = arith.index_cast %mul3A_250 : i32 to index
      %swap3A_276 = tpu.vector_load %arg9[%swap3A_275] {strides = array<i32>} : memref<512xi32, #tpu.memory_space<vmem>>, vector<16xi32>,
      tpu.vector_store %arg9[%swap3A_275], %add3A_274 {strides = array<i32>} : memref<512xi32, #tpu.memory_space<vmem>>, vector<16xi32>,
      %scan3A_277 = arith.constant 3 : i32
      %scan3A_278 = arith.addi %scan3A_189, %scan3A_277 : i32
      %mul3A_279 = arith.constant 16 : i32
      %mul3A_280 = arith.muli %scan3A_278, %mul3A_279 : i32
      %get3A_281 = arith.index_cast %mul3A_280 : i32 to index
      %get3A_282 = tpu.vector_load %arg8[%get3A_281] {strides = array<i32>} : memref<512xi32, #tpu.memory_space<vmem>>, vector<16xi32>,
      %shift_right_arithmetic3A_283 = arith.constant 16 : i32
      %shift_right_arithmetic3A_284 = vector.broadcast %shift_right_arithmetic3A_283 : i32 to vector<16xi32>
      %shift_right_arithmetic3A_285 = arith.shrsi %get3A_282, %shift_right_arithmetic3A_284 : vector<16xi32>
      %and3A_286 = arith.constant 65535 : i32
      %and3A_287 = vector.broadcast %and3A_286 : i32 to vector<16xi32>
      %and3A_288 = arith.andi %get3A_282, %and3A_287 : vector<16xi32>
      %add3A_289 = vector.broadcast %mul3A_34 : i32 to vector<16xi32>
      %add3A_290 = arith.addi %add3A_289, %shift_right_arithmetic3A_285 : vector<16xi32>
      %mul3A_291 = arith.constant 28 : i32
      %mul3A_292 = vector.broadcast %mul3A_291 : i32 to vector<16xi32>
      %mul3A_293 = arith.muli %add3A_290, %mul3A_292 : vector<16xi32>
      %shift_right_arithmetic3A_294 = arith.constant 3 : i32
      %shift_right_arithmetic3A_295 = vector.broadcast %shift_right_arithmetic3A_294 : i32 to vector<16xi32>
      %shift_right_arithmetic3A_296 = arith.shrsi %and3A_288, %shift_right_arithmetic3A_295 : vector<16xi32>
      %add3A_297 = arith.addi %mul3A_293, %shift_right_arithmetic3A_296 : vector<16xi32>
      %mul3A_298 = arith.constant 48 : i32
      %mul3A_299 = vector.broadcast %mul3A_298 : i32 to vector<16xi32>
      %mul3A_300 = arith.muli %add3A_297, %mul3A_299 : vector<16xi32>
      %and3A_301 = arith.constant 7 : i32
      %and3A_302 = vector.broadcast %and3A_301 : i32 to vector<16xi32>
      %and3A_303 = arith.andi %and3A_288, %and3A_302 : vector<16xi32>
      %add3A_304 = arith.addi %mul3A_300, %and3A_303 : vector<16xi32>
      %swap3A_305 = arith.index_cast %mul3A_280 : i32 to index
      %swap3A_306 = tpu.vector_load %arg9[%swap3A_305] {strides = array<i32>} : memref<512xi32, #tpu.memory_space<vmem>>, vector<16xi32>,
      tpu.vector_store %arg9[%swap3A_305], %add3A_304 {strides = array<i32>} : memref<512xi32, #tpu.memory_space<vmem>>, vector<16xi32>,
    }
    %scan3A_81 = arith.constant 32 : i32
    %scan3A_82 = arith.constant 0 : i32
    %scan3A_83 = arith.constant 0 : i32
    %scan3A_84 = arith.constant 32 : i32
    %scan3A_85 = arith.addi %scan3A_83, %scan3A_84 : i32
    %scan3A_86 = arith.constant 4 : i32
    scf.for %scan3A_189 = %scan3A_83 to %scan3A_85 step %scan3A_86  : i32 {
      %mul3A_190 = arith.constant 16 : i32
      %mul3A_191 = arith.muli %scan3A_189, %mul3A_190 : i32
      %shift_right_arithmetic3A = arith.constant 1 : i32
      %shift_right_arithmetic3A_192 = arith.shrsi %scan3A_189, %shift_right_arithmetic3A : i32
      %mul3A_193 = arith.constant 192 : i32
      %mul3A_194 = arith.muli %shift_right_arithmetic3A_192, %mul3A_193 : i32
      %add3A_195 = arith.constant 0 : i32
      %add3A_196 = arith.addi %mul3A_194, %add3A_195 : i32
      %and3A_197 = arith.constant 1 : i32
      %and3A_198 = arith.andi %scan3A_189, %and3A_197 : i32
      %mul3A_199 = arith.constant 16 : i32
      %mul3A_200 = arith.muli %and3A_198, %mul3A_199 : i32
      %add3A_201 = arith.addi %add3A_196, %mul3A_200 : i32
      %get3A_202 = arith.index_cast %mul3A_191 : i32 to index
      %get3A_203 = tpu.vector_load %arg9[%get3A_202] {strides = array<i32>} : memref<512xi32, #tpu.memory_space<vmem>>, vector<16xi32>,
      %add3A_204 = arith.constant 0 : i32
      %add3A_205 = vector.broadcast %add3A_204 : i32 to vector<16xi32>
      %add3A_206 = arith.addi %get3A_203, %add3A_205 : vector<16xi32>
      %swap3A_207 = arith.index_cast %add3A_201 : i32 to index
      %swap3A_208 = tpu.vector_load %arg11[%swap3A_207] {strides = array<i32>} : memref<3072xi32, #tpu.memory_space<vmem>>, vector<16xi32>,
      tpu.vector_store %arg11[%swap3A_207], %add3A_206 {strides = array<i32>} : memref<3072xi32, #tpu.memory_space<vmem>>, vector<16xi32>,
      %scan3A_209 = arith.constant 1 : i32
      %scan3A_210 = arith.addi %scan3A_189, %scan3A_209 : i32
      %mul3A_211 = arith.constant 16 : i32
      %mul3A_212 = arith.muli %scan3A_210, %mul3A_211 : i32
      %shift_right_arithmetic3A_213 = arith.constant 1 : i32
      %shift_right_arithmetic3A_214 = arith.shrsi %scan3A_210, %shift_right_arithmetic3A_213 : i32
      %mul3A_215 = arith.constant 192 : i32
      %mul3A_216 = arith.muli %shift_right_arithmetic3A_214, %mul3A_215 : i32
      %add3A_217 = arith.constant 0 : i32
      %add3A_218 = arith.addi %mul3A_216, %add3A_217 : i32
      %and3A_219 = arith.constant 1 : i32
      %and3A_220 = arith.andi %scan3A_210, %and3A_219 : i32
      %mul3A_221 = arith.constant 16 : i32
      %mul3A_222 = arith.muli %and3A_220, %mul3A_221 : i32
      %add3A_223 = arith.addi %add3A_218, %mul3A_222 : i32
      %get3A_224 = arith.index_cast %mul3A_212 : i32 to index
      %get3A_225 = tpu.vector_load %arg9[%get3A_224] {strides = array<i32>} : memref<512xi32, #tpu.memory_space<vmem>>, vector<16xi32>,
      %add3A_226 = arith.constant 0 : i32
      %add3A_227 = vector.broadcast %add3A_226 : i32 to vector<16xi32>
      %add3A_228 = arith.addi %get3A_225, %add3A_227 : vector<16xi32>
      %swap3A_229 = arith.index_cast %add3A_223 : i32 to index
      %swap3A_230 = tpu.vector_load %arg11[%swap3A_229] {strides = array<i32>} : memref<3072xi32, #tpu.memory_space<vmem>>, vector<16xi32>,
      tpu.vector_store %arg11[%swap3A_229], %add3A_228 {strides = array<i32>} : memref<3072xi32, #tpu.memory_space<vmem>>, vector<16xi32>,
      %scan3A_231 = arith.constant 2 : i32
      %scan3A_232 = arith.addi %scan3A_189, %scan3A_231 : i32
      %mul3A_233 = arith.constant 16 : i32
      %mul3A_234 = arith.muli %scan3A_232, %mul3A_233 : i32
      %shift_right_arithmetic3A_235 = arith.constant 1 : i32
      %shift_right_arithmetic3A_236 = arith.shrsi %scan3A_232, %shift_right_arithmetic3A_235 : i32
      %mul3A_237 = arith.constant 192 : i32
      %mul3A_238 = arith.muli %shift_right_arithmetic3A_236, %mul3A_237 : i32
      %add3A_239 = arith.constant 0 : i32
      %add3A_240 = arith.addi %mul3A_238, %add3A_239 : i32
      %and3A_241 = arith.constant 1 : i32
      %and3A_242 = arith.andi %scan3A_232, %and3A_241 : i32
      %mul3A_243 = arith.constant 16 : i32
      %mul3A_244 = arith.muli %and3A_242, %mul3A_243 : i32
      %add3A_245 = arith.addi %add3A_240, %mul3A_244 : i32
      %get3A_246 = arith.index_cast %mul3A_234 : i32 to index
      %get3A_247 = tpu.vector_load %arg9[%get3A_246] {strides = array<i32>} : memref<512xi32, #tpu.memory_space<vmem>>, vector<16xi32>,
      %add3A_248 = arith.constant 0 : i32
      %add3A_249 = vector.broadcast %add3A_248 : i32 to vector<16xi32>
      %add3A_250 = arith.addi %get3A_247, %add3A_249 : vector<16xi32>
      %swap3A_251 = arith.index_cast %add3A_245 : i32 to index
      %swap3A_252 = tpu.vector_load %arg11[%swap3A_251] {strides = array<i32>} : memref<3072xi32, #tpu.memory_space<vmem>>, vector<16xi32>,
      tpu.vector_store %arg11[%swap3A_251], %add3A_250 {strides = array<i32>} : memref<3072xi32, #tpu.memory_space<vmem>>, vector<16xi32>,
      %scan3A_253 = arith.constant 3 : i32
      %scan3A_254 = arith.addi %scan3A_189, %scan3A_253 : i32
      %mul3A_255 = arith.constant 16 : i32
      %mul3A_256 = arith.muli %scan3A_254, %mul3A_255 : i32
      %shift_right_arithmetic3A_257 = arith.constant 1 : i32
      %shift_right_arithmetic3A_258 = arith.shrsi %scan3A_254, %shift_right_arithmetic3A_257 : i32
      %mul3A_259 = arith.constant 192 : i32
      %mul3A_260 = arith.muli %shift_right_arithmetic3A_258, %mul3A_259 : i32
      %add3A_261 = arith.constant 0 : i32
      %add3A_262 = arith.addi %mul3A_260, %add3A_261 : i32
      %and3A_263 = arith.constant 1 : i32
      %and3A_264 = arith.andi %scan3A_254, %and3A_263 : i32
      %mul3A_265 = arith.constant 16 : i32
      %mul3A_266 = arith.muli %and3A_264, %mul3A_265 : i32
      %add3A_267 = arith.addi %add3A_262, %mul3A_266 : i32
      %get3A_268 = arith.index_cast %mul3A_256 : i32 to index
      %get3A_269 = tpu.vector_load %arg9[%get3A_268] {strides = array<i32>} : memref<512xi32, #tpu.memory_space<vmem>>, vector<16xi32>,
      %add3A_270 = arith.constant 0 : i32
      %add3A_271 = vector.broadcast %add3A_270 : i32 to vector<16xi32>
      %add3A_272 = arith.addi %get3A_269, %add3A_271 : vector<16xi32>
      %swap3A_273 = arith.index_cast %add3A_267 : i32 to index
      %swap3A_274 = tpu.vector_load %arg11[%swap3A_273] {strides = array<i32>} : memref<3072xi32, #tpu.memory_space<vmem>>, vector<16xi32>,
      tpu.vector_store %arg11[%swap3A_273], %add3A_272 {strides = array<i32>} : memref<3072xi32, #tpu.memory_space<vmem>>, vector<16xi32>,
    }
    %scan3A_87 = arith.constant 32 : i32
    %scan3A_88 = arith.constant 0 : i32
    %scan3A_89 = arith.constant 0 : i32
    %scan3A_90 = arith.constant 32 : i32
    %scan3A_91 = arith.addi %scan3A_89, %scan3A_90 : i32
    %scan3A_92 = arith.constant 4 : i32
    scf.for %scan3A_189 = %scan3A_89 to %scan3A_91 step %scan3A_92  : i32 {
      %mul3A_190 = arith.constant 16 : i32
      %mul3A_191 = arith.muli %scan3A_189, %mul3A_190 : i32
      %shift_right_arithmetic3A = arith.constant 1 : i32
      %shift_right_arithmetic3A_192 = arith.shrsi %scan3A_189, %shift_right_arithmetic3A : i32
      %mul3A_193 = arith.constant 192 : i32
      %mul3A_194 = arith.muli %shift_right_arithmetic3A_192, %mul3A_193 : i32
      %add3A_195 = arith.constant 32 : i32
      %add3A_196 = arith.addi %mul3A_194, %add3A_195 : i32
      %and3A_197 = arith.constant 1 : i32
      %and3A_198 = arith.andi %scan3A_189, %and3A_197 : i32
      %mul3A_199 = arith.constant 16 : i32
      %mul3A_200 = arith.muli %and3A_198, %mul3A_199 : i32
      %add3A_201 = arith.addi %add3A_196, %mul3A_200 : i32
      %get3A_202 = arith.index_cast %mul3A_191 : i32 to index
      %get3A_203 = tpu.vector_load %arg9[%get3A_202] {strides = array<i32>} : memref<512xi32, #tpu.memory_space<vmem>>, vector<16xi32>,
      %add3A_204 = arith.constant 8 : i32
      %add3A_205 = vector.broadcast %add3A_204 : i32 to vector<16xi32>
      %add3A_206 = arith.addi %get3A_203, %add3A_205 : vector<16xi32>
      %swap3A_207 = arith.index_cast %add3A_201 : i32 to index
      %swap3A_208 = tpu.vector_load %arg11[%swap3A_207] {strides = array<i32>} : memref<3072xi32, #tpu.memory_space<vmem>>, vector<16xi32>,
      tpu.vector_store %arg11[%swap3A_207], %add3A_206 {strides = array<i32>} : memref<3072xi32, #tpu.memory_space<vmem>>, vector<16xi32>,
      %scan3A_209 = arith.constant 1 : i32
      %scan3A_210 = arith.addi %scan3A_189, %scan3A_209 : i32
      %mul3A_211 = arith.constant 16 : i32
      %mul3A_212 = arith.muli %scan3A_210, %mul3A_211 : i32
      %shift_right_arithmetic3A_213 = arith.constant 1 : i32
      %shift_right_arithmetic3A_214 = arith.shrsi %scan3A_210, %shift_right_arithmetic3A_213 : i32
      %mul3A_215 = arith.constant 192 : i32
      %mul3A_216 = arith.muli %shift_right_arithmetic3A_214, %mul3A_215 : i32
      %add3A_217 = arith.constant 32 : i32
      %add3A_218 = arith.addi %mul3A_216, %add3A_217 : i32
      %and3A_219 = arith.constant 1 : i32
      %and3A_220 = arith.andi %scan3A_210, %and3A_219 : i32
      %mul3A_221 = arith.constant 16 : i32
      %mul3A_222 = arith.muli %and3A_220, %mul3A_221 : i32
      %add3A_223 = arith.addi %add3A_218, %mul3A_222 : i32
      %get3A_224 = arith.index_cast %mul3A_212 : i32 to index
      %get3A_225 = tpu.vector_load %arg9[%get3A_224] {strides = array<i32>} : memref<512xi32, #tpu.memory_space<vmem>>, vector<16xi32>,
      %add3A_226 = arith.constant 8 : i32
      %add3A_227 = vector.broadcast %add3A_226 : i32 to vector<16xi32>
      %add3A_228 = arith.addi %get3A_225, %add3A_227 : vector<16xi32>
      %swap3A_229 = arith.index_cast %add3A_223 : i32 to index
      %swap3A_230 = tpu.vector_load %arg11[%swap3A_229] {strides = array<i32>} : memref<3072xi32, #tpu.memory_space<vmem>>, vector<16xi32>,
      tpu.vector_store %arg11[%swap3A_229], %add3A_228 {strides = array<i32>} : memref<3072xi32, #tpu.memory_space<vmem>>, vector<16xi32>,
      %scan3A_231 = arith.constant 2 : i32
      %scan3A_232 = arith.addi %scan3A_189, %scan3A_231 : i32
      %mul3A_233 = arith.constant 16 : i32
      %mul3A_234 = arith.muli %scan3A_232, %mul3A_233 : i32
      %shift_right_arithmetic3A_235 = arith.constant 1 : i32
      %shift_right_arithmetic3A_236 = arith.shrsi %scan3A_232, %shift_right_arithmetic3A_235 : i32
      %mul3A_237 = arith.constant 192 : i32
      %mul3A_238 = arith.muli %shift_right_arithmetic3A_236, %mul3A_237 : i32
      %add3A_239 = arith.constant 32 : i32
      %add3A_240 = arith.addi %mul3A_238, %add3A_239 : i32
      %and3A_241 = arith.constant 1 : i32
      %and3A_242 = arith.andi %scan3A_232, %and3A_241 : i32
      %mul3A_243 = arith.constant 16 : i32
      %mul3A_244 = arith.muli %and3A_242, %mul3A_243 : i32
      %add3A_245 = arith.addi %add3A_240, %mul3A_244 : i32
      %get3A_246 = arith.index_cast %mul3A_234 : i32 to index
      %get3A_247 = tpu.vector_load %arg9[%get3A_246] {strides = array<i32>} : memref<512xi32, #tpu.memory_space<vmem>>, vector<16xi32>,
      %add3A_248 = arith.constant 8 : i32
      %add3A_249 = vector.broadcast %add3A_248 : i32 to vector<16xi32>
      %add3A_250 = arith.addi %get3A_247, %add3A_249 : vector<16xi32>
      %swap3A_251 = arith.index_cast %add3A_245 : i32 to index
      %swap3A_252 = tpu.vector_load %arg11[%swap3A_251] {strides = array<i32>} : memref<3072xi32, #tpu.memory_space<vmem>>, vector<16xi32>,
      tpu.vector_store %arg11[%swap3A_251], %add3A_250 {strides = array<i32>} : memref<3072xi32, #tpu.memory_space<vmem>>, vector<16xi32>,
      %scan3A_253 = arith.constant 3 : i32
      %scan3A_254 = arith.addi %scan3A_189, %scan3A_253 : i32
      %mul3A_255 = arith.constant 16 : i32
      %mul3A_256 = arith.muli %scan3A_254, %mul3A_255 : i32
      %shift_right_arithmetic3A_257 = arith.constant 1 : i32
      %shift_right_arithmetic3A_258 = arith.shrsi %scan3A_254, %shift_right_arithmetic3A_257 : i32
      %mul3A_259 = arith.constant 192 : i32
      %mul3A_260 = arith.muli %shift_right_arithmetic3A_258, %mul3A_259 : i32
      %add3A_261 = arith.constant 32 : i32
      %add3A_262 = arith.addi %mul3A_260, %add3A_261 : i32
      %and3A_263 = arith.constant 1 : i32
      %and3A_264 = arith.andi %scan3A_254, %and3A_263 : i32
      %mul3A_265 = arith.constant 16 : i32
      %mul3A_266 = arith.muli %and3A_264, %mul3A_265 : i32
      %add3A_267 = arith.addi %add3A_262, %mul3A_266 : i32
      %get3A_268 = arith.index_cast %mul3A_256 : i32 to index
      %get3A_269 = tpu.vector_load %arg9[%get3A_268] {strides = array<i32>} : memref<512xi32, #tpu.memory_space<vmem>>, vector<16xi32>,
      %add3A_270 = arith.constant 8 : i32
      %add3A_271 = vector.broadcast %add3A_270 : i32 to vector<16xi32>
      %add3A_272 = arith.addi %get3A_269, %add3A_271 : vector<16xi32>
      %swap3A_273 = arith.index_cast %add3A_267 : i32 to index
      %swap3A_274 = tpu.vector_load %arg11[%swap3A_273] {strides = array<i32>} : memref<3072xi32, #tpu.memory_space<vmem>>, vector<16xi32>,
      tpu.vector_store %arg11[%swap3A_273], %add3A_272 {strides = array<i32>} : memref<3072xi32, #tpu.memory_space<vmem>>, vector<16xi32>,
    }
    %scan3A_93 = arith.constant 32 : i32
    %scan3A_94 = arith.constant 0 : i32
    %scan3A_95 = arith.constant 0 : i32
    %scan3A_96 = arith.constant 32 : i32
    %scan3A_97 = arith.addi %scan3A_95, %scan3A_96 : i32
    %scan3A_98 = arith.constant 4 : i32
    scf.for %scan3A_189 = %scan3A_95 to %scan3A_97 step %scan3A_98  : i32 {
      %mul3A_190 = arith.constant 16 : i32
      %mul3A_191 = arith.muli %scan3A_189, %mul3A_190 : i32
      %shift_right_arithmetic3A = arith.constant 1 : i32
      %shift_right_arithmetic3A_192 = arith.shrsi %scan3A_189, %shift_right_arithmetic3A : i32
      %mul3A_193 = arith.constant 192 : i32
      %mul3A_194 = arith.muli %shift_right_arithmetic3A_192, %mul3A_193 : i32
      %add3A_195 = arith.constant 64 : i32
      %add3A_196 = arith.addi %mul3A_194, %add3A_195 : i32
      %and3A_197 = arith.constant 1 : i32
      %and3A_198 = arith.andi %scan3A_189, %and3A_197 : i32
      %mul3A_199 = arith.constant 16 : i32
      %mul3A_200 = arith.muli %and3A_198, %mul3A_199 : i32
      %add3A_201 = arith.addi %add3A_196, %mul3A_200 : i32
      %get3A_202 = arith.index_cast %mul3A_191 : i32 to index
      %get3A_203 = tpu.vector_load %arg9[%get3A_202] {strides = array<i32>} : memref<512xi32, #tpu.memory_space<vmem>>, vector<16xi32>,
      %add3A_204 = arith.constant 16 : i32
      %add3A_205 = vector.broadcast %add3A_204 : i32 to vector<16xi32>
      %add3A_206 = arith.addi %get3A_203, %add3A_205 : vector<16xi32>
      %swap3A_207 = arith.index_cast %add3A_201 : i32 to index
      %swap3A_208 = tpu.vector_load %arg11[%swap3A_207] {strides = array<i32>} : memref<3072xi32, #tpu.memory_space<vmem>>, vector<16xi32>,
      tpu.vector_store %arg11[%swap3A_207], %add3A_206 {strides = array<i32>} : memref<3072xi32, #tpu.memory_space<vmem>>, vector<16xi32>,
      %scan3A_209 = arith.constant 1 : i32
      %scan3A_210 = arith.addi %scan3A_189, %scan3A_209 : i32
      %mul3A_211 = arith.constant 16 : i32
      %mul3A_212 = arith.muli %scan3A_210, %mul3A_211 : i32
      %shift_right_arithmetic3A_213 = arith.constant 1 : i32
      %shift_right_arithmetic3A_214 = arith.shrsi %scan3A_210, %shift_right_arithmetic3A_213 : i32
      %mul3A_215 = arith.constant 192 : i32
      %mul3A_216 = arith.muli %shift_right_arithmetic3A_214, %mul3A_215 : i32
      %add3A_217 = arith.constant 64 : i32
      %add3A_218 = arith.addi %mul3A_216, %add3A_217 : i32
      %and3A_219 = arith.constant 1 : i32
      %and3A_220 = arith.andi %scan3A_210, %and3A_219 : i32
      %mul3A_221 = arith.constant 16 : i32
      %mul3A_222 = arith.muli %and3A_220, %mul3A_221 : i32
      %add3A_223 = arith.addi %add3A_218, %mul3A_222 : i32
      %get3A_224 = arith.index_cast %mul3A_212 : i32 to index
      %get3A_225 = tpu.vector_load %arg9[%get3A_224] {strides = array<i32>} : memref<512xi32, #tpu.memory_space<vmem>>, vector<16xi32>,
      %add3A_226 = arith.constant 16 : i32
      %add3A_227 = vector.broadcast %add3A_226 : i32 to vector<16xi32>
      %add3A_228 = arith.addi %get3A_225, %add3A_227 : vector<16xi32>
      %swap3A_229 = arith.index_cast %add3A_223 : i32 to index
      %swap3A_230 = tpu.vector_load %arg11[%swap3A_229] {strides = array<i32>} : memref<3072xi32, #tpu.memory_space<vmem>>, vector<16xi32>,
      tpu.vector_store %arg11[%swap3A_229], %add3A_228 {strides = array<i32>} : memref<3072xi32, #tpu.memory_space<vmem>>, vector<16xi32>,
      %scan3A_231 = arith.constant 2 : i32
      %scan3A_232 = arith.addi %scan3A_189, %scan3A_231 : i32
      %mul3A_233 = arith.constant 16 : i32
      %mul3A_234 = arith.muli %scan3A_232, %mul3A_233 : i32
      %shift_right_arithmetic3A_235 = arith.constant 1 : i32
      %shift_right_arithmetic3A_236 = arith.shrsi %scan3A_232, %shift_right_arithmetic3A_235 : i32
      %mul3A_237 = arith.constant 192 : i32
      %mul3A_238 = arith.muli %shift_right_arithmetic3A_236, %mul3A_237 : i32
      %add3A_239 = arith.constant 64 : i32
      %add3A_240 = arith.addi %mul3A_238, %add3A_239 : i32
      %and3A_241 = arith.constant 1 : i32
      %and3A_242 = arith.andi %scan3A_232, %and3A_241 : i32
      %mul3A_243 = arith.constant 16 : i32
      %mul3A_244 = arith.muli %and3A_242, %mul3A_243 : i32
      %add3A_245 = arith.addi %add3A_240, %mul3A_244 : i32
      %get3A_246 = arith.index_cast %mul3A_234 : i32 to index
      %get3A_247 = tpu.vector_load %arg9[%get3A_246] {strides = array<i32>} : memref<512xi32, #tpu.memory_space<vmem>>, vector<16xi32>,
      %add3A_248 = arith.constant 16 : i32
      %add3A_249 = vector.broadcast %add3A_248 : i32 to vector<16xi32>
      %add3A_250 = arith.addi %get3A_247, %add3A_249 : vector<16xi32>
      %swap3A_251 = arith.index_cast %add3A_245 : i32 to index
      %swap3A_252 = tpu.vector_load %arg11[%swap3A_251] {strides = array<i32>} : memref<3072xi32, #tpu.memory_space<vmem>>, vector<16xi32>,
      tpu.vector_store %arg11[%swap3A_251], %add3A_250 {strides = array<i32>} : memref<3072xi32, #tpu.memory_space<vmem>>, vector<16xi32>,
      %scan3A_253 = arith.constant 3 : i32
      %scan3A_254 = arith.addi %scan3A_189, %scan3A_253 : i32
      %mul3A_255 = arith.constant 16 : i32
      %mul3A_256 = arith.muli %scan3A_254, %mul3A_255 : i32
      %shift_right_arithmetic3A_257 = arith.constant 1 : i32
      %shift_right_arithmetic3A_258 = arith.shrsi %scan3A_254, %shift_right_arithmetic3A_257 : i32
      %mul3A_259 = arith.constant 192 : i32
      %mul3A_260 = arith.muli %shift_right_arithmetic3A_258, %mul3A_259 : i32
      %add3A_261 = arith.constant 64 : i32
      %add3A_262 = arith.addi %mul3A_260, %add3A_261 : i32
      %and3A_263 = arith.constant 1 : i32
      %and3A_264 = arith.andi %scan3A_254, %and3A_263 : i32
      %mul3A_265 = arith.constant 16 : i32
      %mul3A_266 = arith.muli %and3A_264, %mul3A_265 : i32
      %add3A_267 = arith.addi %add3A_262, %mul3A_266 : i32
      %get3A_268 = arith.index_cast %mul3A_256 : i32 to index
      %get3A_269 = tpu.vector_load %arg9[%get3A_268] {strides = array<i32>} : memref<512xi32, #tpu.memory_space<vmem>>, vector<16xi32>,
      %add3A_270 = arith.constant 16 : i32
      %add3A_271 = vector.broadcast %add3A_270 : i32 to vector<16xi32>
      %add3A_272 = arith.addi %get3A_269, %add3A_271 : vector<16xi32>
      %swap3A_273 = arith.index_cast %add3A_267 : i32 to index
      %swap3A_274 = tpu.vector_load %arg11[%swap3A_273] {strides = array<i32>} : memref<3072xi32, #tpu.memory_space<vmem>>, vector<16xi32>,
      tpu.vector_store %arg11[%swap3A_273], %add3A_272 {strides = array<i32>} : memref<3072xi32, #tpu.memory_space<vmem>>, vector<16xi32>,
    }
    %scan3A_99 = arith.constant 32 : i32
    %scan3A_100 = arith.constant 0 : i32
    %scan3A_101 = arith.constant 0 : i32
    %scan3A_102 = arith.constant 32 : i32
    %scan3A_103 = arith.addi %scan3A_101, %scan3A_102 : i32
    %scan3A_104 = arith.constant 4 : i32
    scf.for %scan3A_189 = %scan3A_101 to %scan3A_103 step %scan3A_104  : i32 {
      %mul3A_190 = arith.constant 16 : i32
      %mul3A_191 = arith.muli %scan3A_189, %mul3A_190 : i32
      %shift_right_arithmetic3A = arith.constant 1 : i32
      %shift_right_arithmetic3A_192 = arith.shrsi %scan3A_189, %shift_right_arithmetic3A : i32
      %mul3A_193 = arith.constant 192 : i32
      %mul3A_194 = arith.muli %shift_right_arithmetic3A_192, %mul3A_193 : i32
      %add3A_195 = arith.constant 96 : i32
      %add3A_196 = arith.addi %mul3A_194, %add3A_195 : i32
      %and3A_197 = arith.constant 1 : i32
      %and3A_198 = arith.andi %scan3A_189, %and3A_197 : i32
      %mul3A_199 = arith.constant 16 : i32
      %mul3A_200 = arith.muli %and3A_198, %mul3A_199 : i32
      %add3A_201 = arith.addi %add3A_196, %mul3A_200 : i32
      %get3A_202 = arith.index_cast %mul3A_191 : i32 to index
      %get3A_203 = tpu.vector_load %arg9[%get3A_202] {strides = array<i32>} : memref<512xi32, #tpu.memory_space<vmem>>, vector<16xi32>,
      %add3A_204 = arith.constant 24 : i32
      %add3A_205 = vector.broadcast %add3A_204 : i32 to vector<16xi32>
      %add3A_206 = arith.addi %get3A_203, %add3A_205 : vector<16xi32>
      %swap3A_207 = arith.index_cast %add3A_201 : i32 to index
      %swap3A_208 = tpu.vector_load %arg11[%swap3A_207] {strides = array<i32>} : memref<3072xi32, #tpu.memory_space<vmem>>, vector<16xi32>,
      tpu.vector_store %arg11[%swap3A_207], %add3A_206 {strides = array<i32>} : memref<3072xi32, #tpu.memory_space<vmem>>, vector<16xi32>,
      %scan3A_209 = arith.constant 1 : i32
      %scan3A_210 = arith.addi %scan3A_189, %scan3A_209 : i32
      %mul3A_211 = arith.constant 16 : i32
      %mul3A_212 = arith.muli %scan3A_210, %mul3A_211 : i32
      %shift_right_arithmetic3A_213 = arith.constant 1 : i32
      %shift_right_arithmetic3A_214 = arith.shrsi %scan3A_210, %shift_right_arithmetic3A_213 : i32
      %mul3A_215 = arith.constant 192 : i32
      %mul3A_216 = arith.muli %shift_right_arithmetic3A_214, %mul3A_215 : i32
      %add3A_217 = arith.constant 96 : i32
      %add3A_218 = arith.addi %mul3A_216, %add3A_217 : i32
      %and3A_219 = arith.constant 1 : i32
      %and3A_220 = arith.andi %scan3A_210, %and3A_219 : i32
      %mul3A_221 = arith.constant 16 : i32
      %mul3A_222 = arith.muli %and3A_220, %mul3A_221 : i32
      %add3A_223 = arith.addi %add3A_218, %mul3A_222 : i32
      %get3A_224 = arith.index_cast %mul3A_212 : i32 to index
      %get3A_225 = tpu.vector_load %arg9[%get3A_224] {strides = array<i32>} : memref<512xi32, #tpu.memory_space<vmem>>, vector<16xi32>,
      %add3A_226 = arith.constant 24 : i32
      %add3A_227 = vector.broadcast %add3A_226 : i32 to vector<16xi32>
      %add3A_228 = arith.addi %get3A_225, %add3A_227 : vector<16xi32>
      %swap3A_229 = arith.index_cast %add3A_223 : i32 to index
      %swap3A_230 = tpu.vector_load %arg11[%swap3A_229] {strides = array<i32>} : memref<3072xi32, #tpu.memory_space<vmem>>, vector<16xi32>,
      tpu.vector_store %arg11[%swap3A_229], %add3A_228 {strides = array<i32>} : memref<3072xi32, #tpu.memory_space<vmem>>, vector<16xi32>,
      %scan3A_231 = arith.constant 2 : i32
      %scan3A_232 = arith.addi %scan3A_189, %scan3A_231 : i32
      %mul3A_233 = arith.constant 16 : i32
      %mul3A_234 = arith.muli %scan3A_232, %mul3A_233 : i32
      %shift_right_arithmetic3A_235 = arith.constant 1 : i32
      %shift_right_arithmetic3A_236 = arith.shrsi %scan3A_232, %shift_right_arithmetic3A_235 : i32
      %mul3A_237 = arith.constant 192 : i32
      %mul3A_238 = arith.muli %shift_right_arithmetic3A_236, %mul3A_237 : i32
      %add3A_239 = arith.constant 96 : i32
      %add3A_240 = arith.addi %mul3A_238, %add3A_239 : i32
      %and3A_241 = arith.constant 1 : i32
      %and3A_242 = arith.andi %scan3A_232, %and3A_241 : i32
      %mul3A_243 = arith.constant 16 : i32
      %mul3A_244 = arith.muli %and3A_242, %mul3A_243 : i32
      %add3A_245 = arith.addi %add3A_240, %mul3A_244 : i32
      %get3A_246 = arith.index_cast %mul3A_234 : i32 to index
      %get3A_247 = tpu.vector_load %arg9[%get3A_246] {strides = array<i32>} : memref<512xi32, #tpu.memory_space<vmem>>, vector<16xi32>,
      %add3A_248 = arith.constant 24 : i32
      %add3A_249 = vector.broadcast %add3A_248 : i32 to vector<16xi32>
      %add3A_250 = arith.addi %get3A_247, %add3A_249 : vector<16xi32>
      %swap3A_251 = arith.index_cast %add3A_245 : i32 to index
      %swap3A_252 = tpu.vector_load %arg11[%swap3A_251] {strides = array<i32>} : memref<3072xi32, #tpu.memory_space<vmem>>, vector<16xi32>,
      tpu.vector_store %arg11[%swap3A_251], %add3A_250 {strides = array<i32>} : memref<3072xi32, #tpu.memory_space<vmem>>, vector<16xi32>,
      %scan3A_253 = arith.constant 3 : i32
      %scan3A_254 = arith.addi %scan3A_189, %scan3A_253 : i32
      %mul3A_255 = arith.constant 16 : i32
      %mul3A_256 = arith.muli %scan3A_254, %mul3A_255 : i32
      %shift_right_arithmetic3A_257 = arith.constant 1 : i32
      %shift_right_arithmetic3A_258 = arith.shrsi %scan3A_254, %shift_right_arithmetic3A_257 : i32
      %mul3A_259 = arith.constant 192 : i32
      %mul3A_260 = arith.muli %shift_right_arithmetic3A_258, %mul3A_259 : i32
      %add3A_261 = arith.constant 96 : i32
      %add3A_262 = arith.addi %mul3A_260, %add3A_261 : i32
      %and3A_263 = arith.constant 1 : i32
      %and3A_264 = arith.andi %scan3A_254, %and3A_263 : i32
      %mul3A_265 = arith.constant 16 : i32
      %mul3A_266 = arith.muli %and3A_264, %mul3A_265 : i32
      %add3A_267 = arith.addi %add3A_262, %mul3A_266 : i32
      %get3A_268 = arith.index_cast %mul3A_256 : i32 to index
      %get3A_269 = tpu.vector_load %arg9[%get3A_268] {strides = array<i32>} : memref<512xi32, #tpu.memory_space<vmem>>, vector<16xi32>,
      %add3A_270 = arith.constant 24 : i32
      %add3A_271 = vector.broadcast %add3A_270 : i32 to vector<16xi32>
      %add3A_272 = arith.addi %get3A_269, %add3A_271 : vector<16xi32>
      %swap3A_273 = arith.index_cast %add3A_267 : i32 to index
      %swap3A_274 = tpu.vector_load %arg11[%swap3A_273] {strides = array<i32>} : memref<3072xi32, #tpu.memory_space<vmem>>, vector<16xi32>,
      tpu.vector_store %arg11[%swap3A_273], %add3A_272 {strides = array<i32>} : memref<3072xi32, #tpu.memory_space<vmem>>, vector<16xi32>,
    }
    %scan3A_105 = arith.constant 32 : i32
    %scan3A_106 = arith.constant 0 : i32
    %scan3A_107 = arith.constant 0 : i32
    %scan3A_108 = arith.constant 32 : i32
    %scan3A_109 = arith.addi %scan3A_107, %scan3A_108 : i32
    %scan3A_110 = arith.constant 4 : i32
    scf.for %scan3A_189 = %scan3A_107 to %scan3A_109 step %scan3A_110  : i32 {
      %mul3A_190 = arith.constant 16 : i32
      %mul3A_191 = arith.muli %scan3A_189, %mul3A_190 : i32
      %shift_right_arithmetic3A = arith.constant 1 : i32
      %shift_right_arithmetic3A_192 = arith.shrsi %scan3A_189, %shift_right_arithmetic3A : i32
      %mul3A_193 = arith.constant 192 : i32
      %mul3A_194 = arith.muli %shift_right_arithmetic3A_192, %mul3A_193 : i32
      %add3A_195 = arith.constant 128 : i32
      %add3A_196 = arith.addi %mul3A_194, %add3A_195 : i32
      %and3A_197 = arith.constant 1 : i32
      %and3A_198 = arith.andi %scan3A_189, %and3A_197 : i32
      %mul3A_199 = arith.constant 16 : i32
      %mul3A_200 = arith.muli %and3A_198, %mul3A_199 : i32
      %add3A_201 = arith.addi %add3A_196, %mul3A_200 : i32
      %get3A_202 = arith.index_cast %mul3A_191 : i32 to index
      %get3A_203 = tpu.vector_load %arg9[%get3A_202] {strides = array<i32>} : memref<512xi32, #tpu.memory_space<vmem>>, vector<16xi32>,
      %add3A_204 = arith.constant 32 : i32
      %add3A_205 = vector.broadcast %add3A_204 : i32 to vector<16xi32>
      %add3A_206 = arith.addi %get3A_203, %add3A_205 : vector<16xi32>
      %swap3A_207 = arith.index_cast %add3A_201 : i32 to index
      %swap3A_208 = tpu.vector_load %arg11[%swap3A_207] {strides = array<i32>} : memref<3072xi32, #tpu.memory_space<vmem>>, vector<16xi32>,
      tpu.vector_store %arg11[%swap3A_207], %add3A_206 {strides = array<i32>} : memref<3072xi32, #tpu.memory_space<vmem>>, vector<16xi32>,
      %scan3A_209 = arith.constant 1 : i32
      %scan3A_210 = arith.addi %scan3A_189, %scan3A_209 : i32
      %mul3A_211 = arith.constant 16 : i32
      %mul3A_212 = arith.muli %scan3A_210, %mul3A_211 : i32
      %shift_right_arithmetic3A_213 = arith.constant 1 : i32
      %shift_right_arithmetic3A_214 = arith.shrsi %scan3A_210, %shift_right_arithmetic3A_213 : i32
      %mul3A_215 = arith.constant 192 : i32
      %mul3A_216 = arith.muli %shift_right_arithmetic3A_214, %mul3A_215 : i32
      %add3A_217 = arith.constant 128 : i32
      %add3A_218 = arith.addi %mul3A_216, %add3A_217 : i32
      %and3A_219 = arith.constant 1 : i32
      %and3A_220 = arith.andi %scan3A_210, %and3A_219 : i32
      %mul3A_221 = arith.constant 16 : i32
      %mul3A_222 = arith.muli %and3A_220, %mul3A_221 : i32
      %add3A_223 = arith.addi %add3A_218, %mul3A_222 : i32
      %get3A_224 = arith.index_cast %mul3A_212 : i32 to index
      %get3A_225 = tpu.vector_load %arg9[%get3A_224] {strides = array<i32>} : memref<512xi32, #tpu.memory_space<vmem>>, vector<16xi32>,
      %add3A_226 = arith.constant 32 : i32
      %add3A_227 = vector.broadcast %add3A_226 : i32 to vector<16xi32>
      %add3A_228 = arith.addi %get3A_225, %add3A_227 : vector<16xi32>
      %swap3A_229 = arith.index_cast %add3A_223 : i32 to index
      %swap3A_230 = tpu.vector_load %arg11[%swap3A_229] {strides = array<i32>} : memref<3072xi32, #tpu.memory_space<vmem>>, vector<16xi32>,
      tpu.vector_store %arg11[%swap3A_229], %add3A_228 {strides = array<i32>} : memref<3072xi32, #tpu.memory_space<vmem>>, vector<16xi32>,
      %scan3A_231 = arith.constant 2 : i32
      %scan3A_232 = arith.addi %scan3A_189, %scan3A_231 : i32
      %mul3A_233 = arith.constant 16 : i32
      %mul3A_234 = arith.muli %scan3A_232, %mul3A_233 : i32
      %shift_right_arithmetic3A_235 = arith.constant 1 : i32
      %shift_right_arithmetic3A_236 = arith.shrsi %scan3A_232, %shift_right_arithmetic3A_235 : i32
      %mul3A_237 = arith.constant 192 : i32
      %mul3A_238 = arith.muli %shift_right_arithmetic3A_236, %mul3A_237 : i32
      %add3A_239 = arith.constant 128 : i32
      %add3A_240 = arith.addi %mul3A_238, %add3A_239 : i32
      %and3A_241 = arith.constant 1 : i32
      %and3A_242 = arith.andi %scan3A_232, %and3A_241 : i32
      %mul3A_243 = arith.constant 16 : i32
      %mul3A_244 = arith.muli %and3A_242, %mul3A_243 : i32
      %add3A_245 = arith.addi %add3A_240, %mul3A_244 : i32
      %get3A_246 = arith.index_cast %mul3A_234 : i32 to index
      %get3A_247 = tpu.vector_load %arg9[%get3A_246] {strides = array<i32>} : memref<512xi32, #tpu.memory_space<vmem>>, vector<16xi32>,
      %add3A_248 = arith.constant 32 : i32
      %add3A_249 = vector.broadcast %add3A_248 : i32 to vector<16xi32>
      %add3A_250 = arith.addi %get3A_247, %add3A_249 : vector<16xi32>
      %swap3A_251 = arith.index_cast %add3A_245 : i32 to index
      %swap3A_252 = tpu.vector_load %arg11[%swap3A_251] {strides = array<i32>} : memref<3072xi32, #tpu.memory_space<vmem>>, vector<16xi32>,
      tpu.vector_store %arg11[%swap3A_251], %add3A_250 {strides = array<i32>} : memref<3072xi32, #tpu.memory_space<vmem>>, vector<16xi32>,
      %scan3A_253 = arith.constant 3 : i32
      %scan3A_254 = arith.addi %scan3A_189, %scan3A_253 : i32
      %mul3A_255 = arith.constant 16 : i32
      %mul3A_256 = arith.muli %scan3A_254, %mul3A_255 : i32
      %shift_right_arithmetic3A_257 = arith.constant 1 : i32
      %shift_right_arithmetic3A_258 = arith.shrsi %scan3A_254, %shift_right_arithmetic3A_257 : i32
      %mul3A_259 = arith.constant 192 : i32
      %mul3A_260 = arith.muli %shift_right_arithmetic3A_258, %mul3A_259 : i32
      %add3A_261 = arith.constant 128 : i32
      %add3A_262 = arith.addi %mul3A_260, %add3A_261 : i32
      %and3A_263 = arith.constant 1 : i32
      %and3A_264 = arith.andi %scan3A_254, %and3A_263 : i32
      %mul3A_265 = arith.constant 16 : i32
      %mul3A_266 = arith.muli %and3A_264, %mul3A_265 : i32
      %add3A_267 = arith.addi %add3A_262, %mul3A_266 : i32
      %get3A_268 = arith.index_cast %mul3A_256 : i32 to index
      %get3A_269 = tpu.vector_load %arg9[%get3A_268] {strides = array<i32>} : memref<512xi32, #tpu.memory_space<vmem>>, vector<16xi32>,
      %add3A_270 = arith.constant 32 : i32
      %add3A_271 = vector.broadcast %add3A_270 : i32 to vector<16xi32>
      %add3A_272 = arith.addi %get3A_269, %add3A_271 : vector<16xi32>
      %swap3A_273 = arith.index_cast %add3A_267 : i32 to index
      %swap3A_274 = tpu.vector_load %arg11[%swap3A_273] {strides = array<i32>} : memref<3072xi32, #tpu.memory_space<vmem>>, vector<16xi32>,
      tpu.vector_store %arg11[%swap3A_273], %add3A_272 {strides = array<i32>} : memref<3072xi32, #tpu.memory_space<vmem>>, vector<16xi32>,
    }
    %scan3A_111 = arith.constant 32 : i32
    %scan3A_112 = arith.constant 0 : i32
    %scan3A_113 = arith.constant 0 : i32
    %scan3A_114 = arith.constant 32 : i32
    %scan3A_115 = arith.addi %scan3A_113, %scan3A_114 : i32
    %scan3A_116 = arith.constant 4 : i32
    scf.for %scan3A_189 = %scan3A_113 to %scan3A_115 step %scan3A_116  : i32 {
      %mul3A_190 = arith.constant 16 : i32
      %mul3A_191 = arith.muli %scan3A_189, %mul3A_190 : i32
      %shift_right_arithmetic3A = arith.constant 1 : i32
      %shift_right_arithmetic3A_192 = arith.shrsi %scan3A_189, %shift_right_arithmetic3A : i32
      %mul3A_193 = arith.constant 192 : i32
      %mul3A_194 = arith.muli %shift_right_arithmetic3A_192, %mul3A_193 : i32
      %add3A_195 = arith.constant 160 : i32
      %add3A_196 = arith.addi %mul3A_194, %add3A_195 : i32
      %and3A_197 = arith.constant 1 : i32
      %and3A_198 = arith.andi %scan3A_189, %and3A_197 : i32
      %mul3A_199 = arith.constant 16 : i32
      %mul3A_200 = arith.muli %and3A_198, %mul3A_199 : i32
      %add3A_201 = arith.addi %add3A_196, %mul3A_200 : i32
      %get3A_202 = arith.index_cast %mul3A_191 : i32 to index
      %get3A_203 = tpu.vector_load %arg9[%get3A_202] {strides = array<i32>} : memref<512xi32, #tpu.memory_space<vmem>>, vector<16xi32>,
      %add3A_204 = arith.constant 40 : i32
      %add3A_205 = vector.broadcast %add3A_204 : i32 to vector<16xi32>
      %add3A_206 = arith.addi %get3A_203, %add3A_205 : vector<16xi32>
      %swap3A_207 = arith.index_cast %add3A_201 : i32 to index
      %swap3A_208 = tpu.vector_load %arg11[%swap3A_207] {strides = array<i32>} : memref<3072xi32, #tpu.memory_space<vmem>>, vector<16xi32>,
      tpu.vector_store %arg11[%swap3A_207], %add3A_206 {strides = array<i32>} : memref<3072xi32, #tpu.memory_space<vmem>>, vector<16xi32>,
      %scan3A_209 = arith.constant 1 : i32
      %scan3A_210 = arith.addi %scan3A_189, %scan3A_209 : i32
      %mul3A_211 = arith.constant 16 : i32
      %mul3A_212 = arith.muli %scan3A_210, %mul3A_211 : i32
      %shift_right_arithmetic3A_213 = arith.constant 1 : i32
      %shift_right_arithmetic3A_214 = arith.shrsi %scan3A_210, %shift_right_arithmetic3A_213 : i32
      %mul3A_215 = arith.constant 192 : i32
      %mul3A_216 = arith.muli %shift_right_arithmetic3A_214, %mul3A_215 : i32
      %add3A_217 = arith.constant 160 : i32
      %add3A_218 = arith.addi %mul3A_216, %add3A_217 : i32
      %and3A_219 = arith.constant 1 : i32
      %and3A_220 = arith.andi %scan3A_210, %and3A_219 : i32
      %mul3A_221 = arith.constant 16 : i32
      %mul3A_222 = arith.muli %and3A_220, %mul3A_221 : i32
      %add3A_223 = arith.addi %add3A_218, %mul3A_222 : i32
      %get3A_224 = arith.index_cast %mul3A_212 : i32 to index
      %get3A_225 = tpu.vector_load %arg9[%get3A_224] {strides = array<i32>} : memref<512xi32, #tpu.memory_space<vmem>>, vector<16xi32>,
      %add3A_226 = arith.constant 40 : i32
      %add3A_227 = vector.broadcast %add3A_226 : i32 to vector<16xi32>
      %add3A_228 = arith.addi %get3A_225, %add3A_227 : vector<16xi32>
      %swap3A_229 = arith.index_cast %add3A_223 : i32 to index
      %swap3A_230 = tpu.vector_load %arg11[%swap3A_229] {strides = array<i32>} : memref<3072xi32, #tpu.memory_space<vmem>>, vector<16xi32>,
      tpu.vector_store %arg11[%swap3A_229], %add3A_228 {strides = array<i32>} : memref<3072xi32, #tpu.memory_space<vmem>>, vector<16xi32>,
      %scan3A_231 = arith.constant 2 : i32
      %scan3A_232 = arith.addi %scan3A_189, %scan3A_231 : i32
      %mul3A_233 = arith.constant 16 : i32
      %mul3A_234 = arith.muli %scan3A_232, %mul3A_233 : i32
      %shift_right_arithmetic3A_235 = arith.constant 1 : i32
      %shift_right_arithmetic3A_236 = arith.shrsi %scan3A_232, %shift_right_arithmetic3A_235 : i32
      %mul3A_237 = arith.constant 192 : i32
      %mul3A_238 = arith.muli %shift_right_arithmetic3A_236, %mul3A_237 : i32
      %add3A_239 = arith.constant 160 : i32
      %add3A_240 = arith.addi %mul3A_238, %add3A_239 : i32
      %and3A_241 = arith.constant 1 : i32
      %and3A_242 = arith.andi %scan3A_232, %and3A_241 : i32
      %mul3A_243 = arith.constant 16 : i32
      %mul3A_244 = arith.muli %and3A_242, %mul3A_243 : i32
      %add3A_245 = arith.addi %add3A_240, %mul3A_244 : i32
      %get3A_246 = arith.index_cast %mul3A_234 : i32 to index
      %get3A_247 = tpu.vector_load %arg9[%get3A_246] {strides = array<i32>} : memref<512xi32, #tpu.memory_space<vmem>>, vector<16xi32>,
      %add3A_248 = arith.constant 40 : i32
      %add3A_249 = vector.broadcast %add3A_248 : i32 to vector<16xi32>
      %add3A_250 = arith.addi %get3A_247, %add3A_249 : vector<16xi32>
      %swap3A_251 = arith.index_cast %add3A_245 : i32 to index
      %swap3A_252 = tpu.vector_load %arg11[%swap3A_251] {strides = array<i32>} : memref<3072xi32, #tpu.memory_space<vmem>>, vector<16xi32>,
      tpu.vector_store %arg11[%swap3A_251], %add3A_250 {strides = array<i32>} : memref<3072xi32, #tpu.memory_space<vmem>>, vector<16xi32>,
      %scan3A_253 = arith.constant 3 : i32
      %scan3A_254 = arith.addi %scan3A_189, %scan3A_253 : i32
      %mul3A_255 = arith.constant 16 : i32
      %mul3A_256 = arith.muli %scan3A_254, %mul3A_255 : i32
      %shift_right_arithmetic3A_257 = arith.constant 1 : i32
      %shift_right_arithmetic3A_258 = arith.shrsi %scan3A_254, %shift_right_arithmetic3A_257 : i32
      %mul3A_259 = arith.constant 192 : i32
      %mul3A_260 = arith.muli %shift_right_arithmetic3A_258, %mul3A_259 : i32
      %add3A_261 = arith.constant 160 : i32
      %add3A_262 = arith.addi %mul3A_260, %add3A_261 : i32
      %and3A_263 = arith.constant 1 : i32
      %and3A_264 = arith.andi %scan3A_254, %and3A_263 : i32
      %mul3A_265 = arith.constant 16 : i32
      %mul3A_266 = arith.muli %and3A_264, %mul3A_265 : i32
      %add3A_267 = arith.addi %add3A_262, %mul3A_266 : i32
      %get3A_268 = arith.index_cast %mul3A_256 : i32 to index
      %get3A_269 = tpu.vector_load %arg9[%get3A_268] {strides = array<i32>} : memref<512xi32, #tpu.memory_space<vmem>>, vector<16xi32>,
      %add3A_270 = arith.constant 40 : i32
      %add3A_271 = vector.broadcast %add3A_270 : i32 to vector<16xi32>
      %add3A_272 = arith.addi %get3A_269, %add3A_271 : vector<16xi32>
      %swap3A_273 = arith.index_cast %add3A_267 : i32 to index
      %swap3A_274 = tpu.vector_load %arg11[%swap3A_273] {strides = array<i32>} : memref<3072xi32, #tpu.memory_space<vmem>>, vector<16xi32>,
      tpu.vector_store %arg11[%swap3A_273], %add3A_272 {strides = array<i32>} : memref<3072xi32, #tpu.memory_space<vmem>>, vector<16xi32>,
    }
    %scan3A_117 = arith.constant 32 : i32
    %broadcast_in_dim3A = arith.constant 0.000000e+00 : f32
    %broadcast_in_dim3A_118 = vector.broadcast %broadcast_in_dim3A : f32 to vector<16xf32>
    %swap3A = arith.constant 0 : index
    %swap3A_119 = tpu.vector_load %arg16[%swap3A] {strides = array<i32>} : memref<16xf32, #tpu.memory_space<vmem>>, vector<16xf32>,
    tpu.vector_store %arg16[%swap3A], %broadcast_in_dim3A_118 {strides = array<i32>} : memref<16xf32, #tpu.memory_space<vmem>>, vector<16xf32>,
    %dma_start3A = arith.constant 0 : i32
    %dma_start3A_120 = tpu.memref_slice %arg10[%dma_start3A] : memref<3072xi32, #tpu.memory_space<vmem>> -> memref<192xi32, #tpu.memory_space<vmem>>
    %dma_start3A_121 = arith.constant 0 : i32
    %dma_start3A_122 = arith.constant 0 : i32
    %dma_start3A_123 = tpu.memref_slice %arg2[%dma_start3A_121, %dma_start3A_122] : memref<1204224x128xf32, #tpu.memory_space<hbm>> -> memref<1204224x128xf32, #tpu.memory_space<hbm>>
    tpu.enqueue_indirect_dma source(%dma_start3A_123 : memref<1204224x128xf32, #tpu.memory_space<hbm>>) target(%arg12 : memref<192x128xf32, #tpu.memory_space<vmem>>) offsets(%dma_start3A_120 : memref<192xi32, #tpu.memory_space<vmem>>) semaphore(%arg17 : memref<!tpu.dma_semaphore, #tpu.memory_space<semaphore_mem>>)
    %dma_start3A_124 = arith.constant 0 : i32
    %dma_start3A_125 = tpu.memref_slice %arg11[%dma_start3A_124] : memref<3072xi32, #tpu.memory_space<vmem>> -> memref<192xi32, #tpu.memory_space<vmem>>
    %dma_start3A_126 = arith.constant 0 : i32
    %dma_start3A_127 = arith.constant 0 : i32
    %dma_start3A_128 = tpu.memref_slice %arg3[%dma_start3A_126, %dma_start3A_127] : memref<1204224x128xf32, #tpu.memory_space<hbm>> -> memref<1204224x128xf32, #tpu.memory_space<hbm>>
    tpu.enqueue_indirect_dma source(%dma_start3A_128 : memref<1204224x128xf32, #tpu.memory_space<hbm>>) target(%arg14 : memref<192x128xf32, #tpu.memory_space<vmem>>) offsets(%dma_start3A_125 : memref<192xi32, #tpu.memory_space<vmem>>) semaphore(%arg18 : memref<!tpu.dma_semaphore, #tpu.memory_space<semaphore_mem>>)
    %scan3A_129 = arith.constant 0 : i32
    %scan3A_130 = arith.constant 0 : i32
    %scan3A_131 = arith.constant 7 : i32
    %scan3A_132 = arith.addi %scan3A_130, %scan3A_131 : i32
    %scan3A_133 = arith.constant 1 : i32
    scf.for %scan3A_189 = %scan3A_130 to %scan3A_132 step %scan3A_133  : i32 {
      %mul3A_190 = arith.constant 2 : i32
      %mul3A_191 = arith.muli %mul3A_190, %scan3A_189 : i32
      %add3A_192 = arith.constant 1 : i32
      %add3A_193 = arith.addi %mul3A_191, %add3A_192 : i32
      %mul3A_194 = arith.constant 192 : i32
      %mul3A_195 = arith.muli %add3A_193, %mul3A_194 : i32
      %dma_start3A_196 = tpu.memref_slice %arg10[%mul3A_195] : memref<3072xi32, #tpu.memory_space<vmem>> -> memref<192xi32, #tpu.memory_space<vmem>>
      %dma_start3A_197 = arith.constant 0 : i32
      %dma_start3A_198 = arith.constant 0 : i32
      %dma_start3A_199 = tpu.memref_slice %arg2[%dma_start3A_197, %dma_start3A_198] : memref<1204224x128xf32, #tpu.memory_space<hbm>> -> memref<1204224x128xf32, #tpu.memory_space<hbm>>
      tpu.enqueue_indirect_dma source(%dma_start3A_199 : memref<1204224x128xf32, #tpu.memory_space<hbm>>) target(%arg13 : memref<192x128xf32, #tpu.memory_space<vmem>>) offsets(%dma_start3A_196 : memref<192xi32, #tpu.memory_space<vmem>>) semaphore(%arg17 : memref<!tpu.dma_semaphore, #tpu.memory_space<semaphore_mem>>)
      %dma_start3A_200 = tpu.memref_slice %arg11[%mul3A_195] : memref<3072xi32, #tpu.memory_space<vmem>> -> memref<192xi32, #tpu.memory_space<vmem>>
      %dma_start3A_201 = arith.constant 0 : i32
      %dma_start3A_202 = arith.constant 0 : i32
      %dma_start3A_203 = tpu.memref_slice %arg3[%dma_start3A_201, %dma_start3A_202] : memref<1204224x128xf32, #tpu.memory_space<hbm>> -> memref<1204224x128xf32, #tpu.memory_space<hbm>>
      tpu.enqueue_indirect_dma source(%dma_start3A_203 : memref<1204224x128xf32, #tpu.memory_space<hbm>>) target(%arg15 : memref<192x128xf32, #tpu.memory_space<vmem>>) offsets(%dma_start3A_200 : memref<192xi32, #tpu.memory_space<vmem>>) semaphore(%arg18 : memref<!tpu.dma_semaphore, #tpu.memory_space<semaphore_mem>>)
      %mul3A_204 = arith.constant 192 : i32
      %mul3A_205 = arith.muli %mul3A_191, %mul3A_204 : i32
      %dma_wait3A_206 = tpu.memref_slice %arg10[%mul3A_205] : memref<3072xi32, #tpu.memory_space<vmem>> -> memref<192xi32, #tpu.memory_space<vmem>>
      %dma_wait3A_207 = arith.constant 0 : i32
      %dma_wait3A_208 = arith.constant 0 : i32
      %dma_wait3A_209 = tpu.memref_slice %arg2[%dma_wait3A_207, %dma_wait3A_208] : memref<1204224x128xf32, #tpu.memory_space<hbm>> -> memref<1204224x128xf32, #tpu.memory_space<hbm>>
      tpu.wait_indirect_dma semaphore(%arg17 : memref<!tpu.dma_semaphore, #tpu.memory_space<semaphore_mem>>) src(%dma_wait3A_209 : memref<1204224x128xf32, #tpu.memory_space<hbm>>) dst(%arg12 : memref<192x128xf32, #tpu.memory_space<vmem>>)
      %dma_wait3A_210 = tpu.memref_slice %arg11[%mul3A_205] : memref<3072xi32, #tpu.memory_space<vmem>> -> memref<192xi32, #tpu.memory_space<vmem>>
      %dma_wait3A_211 = arith.constant 0 : i32
      %dma_wait3A_212 = arith.constant 0 : i32
      %dma_wait3A_213 = tpu.memref_slice %arg3[%dma_wait3A_211, %dma_wait3A_212] : memref<1204224x128xf32, #tpu.memory_space<hbm>> -> memref<1204224x128xf32, #tpu.memory_space<hbm>>
      tpu.wait_indirect_dma semaphore(%arg18 : memref<!tpu.dma_semaphore, #tpu.memory_space<semaphore_mem>>) src(%dma_wait3A_213 : memref<1204224x128xf32, #tpu.memory_space<hbm>>) dst(%arg14 : memref<192x128xf32, #tpu.memory_space<vmem>>)
      %broadcast_in_dim3A_214 = arith.constant 0.000000e+00 : f32
      %broadcast_in_dim3A_215 = vector.broadcast %broadcast_in_dim3A_214 : f32 to vector<16xf32>
      %scan3A_216 = arith.constant 0 : i32
      %scan3A_217 = arith.constant 1536 : i32
      %scan3A_218 = arith.addi %scan3A_216, %scan3A_217 : i32
      %scan3A_219 = arith.constant 8 : i32
      %scan3A_220 = scf.for %scan3A_264 = %scan3A_216 to %scan3A_218 step %scan3A_219 iter_args(%scan3A_265 = %broadcast_in_dim3A_215) -> (vector<16xf32>)  : i32 {
        %shift_right_arithmetic3A = arith.constant 3 : i32
        %shift_right_arithmetic3A_266 = arith.shrsi %scan3A_264, %shift_right_arithmetic3A : i32
        %and3A_267 = arith.constant 7 : i32
        %and3A_268 = arith.andi %scan3A_264, %and3A_267 : i32
        %shift_left3A = arith.constant 4 : i32
        %shift_left3A_269 = arith.shli %and3A_268, %shift_left3A : i32
        %get3A_270 = arith.index_cast %shift_right_arithmetic3A_266 : i32 to index
        %get3A_271 = arith.index_cast %shift_left3A_269 : i32 to index
        %get3A_272 = tpu.vector_load %arg12[%get3A_270, %get3A_271] {strides = array<i32>} : memref<192x128xf32, #tpu.memory_space<vmem>>, vector<16xf32>,
        %get3A_273 = arith.index_cast %shift_right_arithmetic3A_266 : i32 to index
        %get3A_274 = arith.index_cast %shift_left3A_269 : i32 to index
        %get3A_275 = tpu.vector_load %arg14[%get3A_273, %get3A_274] {strides = array<i32>} : memref<192x128xf32, #tpu.memory_space<vmem>>, vector<16xf32>,
        %sub3A_276 = arith.subf %get3A_272, %get3A_275 : vector<16xf32>
        %mul3A_277 = arith.mulf %sub3A_276, %sub3A_276 : vector<16xf32>
        %add3A_278 = arith.addf %scan3A_265, %mul3A_277 : vector<16xf32>
        %scan3A_279 = arith.constant 1 : i32
        %scan3A_280 = arith.addi %scan3A_264, %scan3A_279 : i32
        %shift_right_arithmetic3A_281 = arith.constant 3 : i32
        %shift_right_arithmetic3A_282 = arith.shrsi %scan3A_280, %shift_right_arithmetic3A_281 : i32
        %and3A_283 = arith.constant 7 : i32
        %and3A_284 = arith.andi %scan3A_280, %and3A_283 : i32
        %shift_left3A_285 = arith.constant 4 : i32
        %shift_left3A_286 = arith.shli %and3A_284, %shift_left3A_285 : i32
        %get3A_287 = arith.index_cast %shift_right_arithmetic3A_282 : i32 to index
        %get3A_288 = arith.index_cast %shift_left3A_286 : i32 to index
        %get3A_289 = tpu.vector_load %arg12[%get3A_287, %get3A_288] {strides = array<i32>} : memref<192x128xf32, #tpu.memory_space<vmem>>, vector<16xf32>,
        %get3A_290 = arith.index_cast %shift_right_arithmetic3A_282 : i32 to index
        %get3A_291 = arith.index_cast %shift_left3A_286 : i32 to index
        %get3A_292 = tpu.vector_load %arg14[%get3A_290, %get3A_291] {strides = array<i32>} : memref<192x128xf32, #tpu.memory_space<vmem>>, vector<16xf32>,
        %sub3A_293 = arith.subf %get3A_289, %get3A_292 : vector<16xf32>
        %mul3A_294 = arith.mulf %sub3A_293, %sub3A_293 : vector<16xf32>
        %add3A_295 = arith.addf %add3A_278, %mul3A_294 : vector<16xf32>
        %scan3A_296 = arith.constant 2 : i32
        %scan3A_297 = arith.addi %scan3A_264, %scan3A_296 : i32
        %shift_right_arithmetic3A_298 = arith.constant 3 : i32
        %shift_right_arithmetic3A_299 = arith.shrsi %scan3A_297, %shift_right_arithmetic3A_298 : i32
        %and3A_300 = arith.constant 7 : i32
        %and3A_301 = arith.andi %scan3A_297, %and3A_300 : i32
        %shift_left3A_302 = arith.constant 4 : i32
        %shift_left3A_303 = arith.shli %and3A_301, %shift_left3A_302 : i32
        %get3A_304 = arith.index_cast %shift_right_arithmetic3A_299 : i32 to index
        %get3A_305 = arith.index_cast %shift_left3A_303 : i32 to index
        %get3A_306 = tpu.vector_load %arg12[%get3A_304, %get3A_305] {strides = array<i32>} : memref<192x128xf32, #tpu.memory_space<vmem>>, vector<16xf32>,
        %get3A_307 = arith.index_cast %shift_right_arithmetic3A_299 : i32 to index
        %get3A_308 = arith.index_cast %shift_left3A_303 : i32 to index
        %get3A_309 = tpu.vector_load %arg14[%get3A_307, %get3A_308] {strides = array<i32>} : memref<192x128xf32, #tpu.memory_space<vmem>>, vector<16xf32>,
        %sub3A_310 = arith.subf %get3A_306, %get3A_309 : vector<16xf32>
        %mul3A_311 = arith.mulf %sub3A_310, %sub3A_310 : vector<16xf32>
        %add3A_312 = arith.addf %add3A_295, %mul3A_311 : vector<16xf32>
        %scan3A_313 = arith.constant 3 : i32
        %scan3A_314 = arith.addi %scan3A_264, %scan3A_313 : i32
        %shift_right_arithmetic3A_315 = arith.constant 3 : i32
        %shift_right_arithmetic3A_316 = arith.shrsi %scan3A_314, %shift_right_arithmetic3A_315 : i32
        %and3A_317 = arith.constant 7 : i32
        %and3A_318 = arith.andi %scan3A_314, %and3A_317 : i32
        %shift_left3A_319 = arith.constant 4 : i32
        %shift_left3A_320 = arith.shli %and3A_318, %shift_left3A_319 : i32
        %get3A_321 = arith.index_cast %shift_right_arithmetic3A_316 : i32 to index
        %get3A_322 = arith.index_cast %shift_left3A_320 : i32 to index
        %get3A_323 = tpu.vector_load %arg12[%get3A_321, %get3A_322] {strides = array<i32>} : memref<192x128xf32, #tpu.memory_space<vmem>>, vector<16xf32>,
        %get3A_324 = arith.index_cast %shift_right_arithmetic3A_316 : i32 to index
        %get3A_325 = arith.index_cast %shift_left3A_320 : i32 to index
        %get3A_326 = tpu.vector_load %arg14[%get3A_324, %get3A_325] {strides = array<i32>} : memref<192x128xf32, #tpu.memory_space<vmem>>, vector<16xf32>,
        %sub3A_327 = arith.subf %get3A_323, %get3A_326 : vector<16xf32>
        %mul3A_328 = arith.mulf %sub3A_327, %sub3A_327 : vector<16xf32>
        %add3A_329 = arith.addf %add3A_312, %mul3A_328 : vector<16xf32>
        %scan3A_330 = arith.constant 4 : i32
        %scan3A_331 = arith.addi %scan3A_264, %scan3A_330 : i32
        %shift_right_arithmetic3A_332 = arith.constant 3 : i32
        %shift_right_arithmetic3A_333 = arith.shrsi %scan3A_331, %shift_right_arithmetic3A_332 : i32
        %and3A_334 = arith.constant 7 : i32
        %and3A_335 = arith.andi %scan3A_331, %and3A_334 : i32
        %shift_left3A_336 = arith.constant 4 : i32
        %shift_left3A_337 = arith.shli %and3A_335, %shift_left3A_336 : i32
        %get3A_338 = arith.index_cast %shift_right_arithmetic3A_333 : i32 to index
        %get3A_339 = arith.index_cast %shift_left3A_337 : i32 to index
        %get3A_340 = tpu.vector_load %arg12[%get3A_338, %get3A_339] {strides = array<i32>} : memref<192x128xf32, #tpu.memory_space<vmem>>, vector<16xf32>,
        %get3A_341 = arith.index_cast %shift_right_arithmetic3A_333 : i32 to index
        %get3A_342 = arith.index_cast %shift_left3A_337 : i32 to index
        %get3A_343 = tpu.vector_load %arg14[%get3A_341, %get3A_342] {strides = array<i32>} : memref<192x128xf32, #tpu.memory_space<vmem>>, vector<16xf32>,
        %sub3A_344 = arith.subf %get3A_340, %get3A_343 : vector<16xf32>
        %mul3A_345 = arith.mulf %sub3A_344, %sub3A_344 : vector<16xf32>
        %add3A_346 = arith.addf %add3A_329, %mul3A_345 : vector<16xf32>
        %scan3A_347 = arith.constant 5 : i32
        %scan3A_348 = arith.addi %scan3A_264, %scan3A_347 : i32
        %shift_right_arithmetic3A_349 = arith.constant 3 : i32
        %shift_right_arithmetic3A_350 = arith.shrsi %scan3A_348, %shift_right_arithmetic3A_349 : i32
        %and3A_351 = arith.constant 7 : i32
        %and3A_352 = arith.andi %scan3A_348, %and3A_351 : i32
        %shift_left3A_353 = arith.constant 4 : i32
        %shift_left3A_354 = arith.shli %and3A_352, %shift_left3A_353 : i32
        %get3A_355 = arith.index_cast %shift_right_arithmetic3A_350 : i32 to index
        %get3A_356 = arith.index_cast %shift_left3A_354 : i32 to index
        %get3A_357 = tpu.vector_load %arg12[%get3A_355, %get3A_356] {strides = array<i32>} : memref<192x128xf32, #tpu.memory_space<vmem>>, vector<16xf32>,
        %get3A_358 = arith.index_cast %shift_right_arithmetic3A_350 : i32 to index
        %get3A_359 = arith.index_cast %shift_left3A_354 : i32 to index
        %get3A_360 = tpu.vector_load %arg14[%get3A_358, %get3A_359] {strides = array<i32>} : memref<192x128xf32, #tpu.memory_space<vmem>>, vector<16xf32>,
        %sub3A_361 = arith.subf %get3A_357, %get3A_360 : vector<16xf32>
        %mul3A_362 = arith.mulf %sub3A_361, %sub3A_361 : vector<16xf32>
        %add3A_363 = arith.addf %add3A_346, %mul3A_362 : vector<16xf32>
        %scan3A_364 = arith.constant 6 : i32
        %scan3A_365 = arith.addi %scan3A_264, %scan3A_364 : i32
        %shift_right_arithmetic3A_366 = arith.constant 3 : i32
        %shift_right_arithmetic3A_367 = arith.shrsi %scan3A_365, %shift_right_arithmetic3A_366 : i32
        %and3A_368 = arith.constant 7 : i32
        %and3A_369 = arith.andi %scan3A_365, %and3A_368 : i32
        %shift_left3A_370 = arith.constant 4 : i32
        %shift_left3A_371 = arith.shli %and3A_369, %shift_left3A_370 : i32
        %get3A_372 = arith.index_cast %shift_right_arithmetic3A_367 : i32 to index
        %get3A_373 = arith.index_cast %shift_left3A_371 : i32 to index
        %get3A_374 = tpu.vector_load %arg12[%get3A_372, %get3A_373] {strides = array<i32>} : memref<192x128xf32, #tpu.memory_space<vmem>>, vector<16xf32>,
        %get3A_375 = arith.index_cast %shift_right_arithmetic3A_367 : i32 to index
        %get3A_376 = arith.index_cast %shift_left3A_371 : i32 to index
        %get3A_377 = tpu.vector_load %arg14[%get3A_375, %get3A_376] {strides = array<i32>} : memref<192x128xf32, #tpu.memory_space<vmem>>, vector<16xf32>,
        %sub3A_378 = arith.subf %get3A_374, %get3A_377 : vector<16xf32>
        %mul3A_379 = arith.mulf %sub3A_378, %sub3A_378 : vector<16xf32>
        %add3A_380 = arith.addf %add3A_363, %mul3A_379 : vector<16xf32>
        %scan3A_381 = arith.constant 7 : i32
        %scan3A_382 = arith.addi %scan3A_264, %scan3A_381 : i32
        %shift_right_arithmetic3A_383 = arith.constant 3 : i32
        %shift_right_arithmetic3A_384 = arith.shrsi %scan3A_382, %shift_right_arithmetic3A_383 : i32
        %and3A_385 = arith.constant 7 : i32
        %and3A_386 = arith.andi %scan3A_382, %and3A_385 : i32
        %shift_left3A_387 = arith.constant 4 : i32
        %shift_left3A_388 = arith.shli %and3A_386, %shift_left3A_387 : i32
        %get3A_389 = arith.index_cast %shift_right_arithmetic3A_384 : i32 to index
        %get3A_390 = arith.index_cast %shift_left3A_388 : i32 to index
        %get3A_391 = tpu.vector_load %arg12[%get3A_389, %get3A_390] {strides = array<i32>} : memref<192x128xf32, #tpu.memory_space<vmem>>, vector<16xf32>,
        %get3A_392 = arith.index_cast %shift_right_arithmetic3A_384 : i32 to index
        %get3A_393 = arith.index_cast %shift_left3A_388 : i32 to index
        %get3A_394 = tpu.vector_load %arg14[%get3A_392, %get3A_393] {strides = array<i32>} : memref<192x128xf32, #tpu.memory_space<vmem>>, vector<16xf32>,
        %sub3A_395 = arith.subf %get3A_391, %get3A_394 : vector<16xf32>
        %mul3A_396 = arith.mulf %sub3A_395, %sub3A_395 : vector<16xf32>
        %add3A_397 = arith.addf %add3A_380, %mul3A_396 : vector<16xf32>
        scf.yield %add3A_397 : vector<16xf32>
      }
      %scan3A_221 = arith.constant 1536 : i32
      %get3A_222 = arith.constant 0 : index
      %get3A_223 = tpu.vector_load %arg16[%get3A_222] {strides = array<i32>} : memref<16xf32, #tpu.memory_space<vmem>>, vector<16xf32>,
      %add3A_224 = arith.addf %get3A_223, %scan3A_220 : vector<16xf32>
      %swap3A_225 = arith.constant 0 : index
      %swap3A_226 = tpu.vector_load %arg16[%swap3A_225] {strides = array<i32>} : memref<16xf32, #tpu.memory_space<vmem>>, vector<16xf32>,
      tpu.vector_store %arg16[%swap3A_225], %add3A_224 {strides = array<i32>} : memref<16xf32, #tpu.memory_space<vmem>>, vector<16xf32>,
      %add3A_227 = arith.constant 2 : i32
      %add3A_228 = arith.addi %mul3A_191, %add3A_227 : i32
      %mul3A_229 = arith.constant 192 : i32
      %mul3A_230 = arith.muli %add3A_228, %mul3A_229 : i32
      %dma_start3A_231 = tpu.memref_slice %arg10[%mul3A_230] : memref<3072xi32, #tpu.memory_space<vmem>> -> memref<192xi32, #tpu.memory_space<vmem>>
      %dma_start3A_232 = arith.constant 0 : i32
      %dma_start3A_233 = arith.constant 0 : i32
      %dma_start3A_234 = tpu.memref_slice %arg2[%dma_start3A_232, %dma_start3A_233] : memref<1204224x128xf32, #tpu.memory_space<hbm>> -> memref<1204224x128xf32, #tpu.memory_space<hbm>>
      tpu.enqueue_indirect_dma source(%dma_start3A_234 : memref<1204224x128xf32, #tpu.memory_space<hbm>>) target(%arg12 : memref<192x128xf32, #tpu.memory_space<vmem>>) offsets(%dma_start3A_231 : memref<192xi32, #tpu.memory_space<vmem>>) semaphore(%arg17 : memref<!tpu.dma_semaphore, #tpu.memory_space<semaphore_mem>>)
      %dma_start3A_235 = tpu.memref_slice %arg11[%mul3A_230] : memref<3072xi32, #tpu.memory_space<vmem>> -> memref<192xi32, #tpu.memory_space<vmem>>
      %dma_start3A_236 = arith.constant 0 : i32
      %dma_start3A_237 = arith.constant 0 : i32
      %dma_start3A_238 = tpu.memref_slice %arg3[%dma_start3A_236, %dma_start3A_237] : memref<1204224x128xf32, #tpu.memory_space<hbm>> -> memref<1204224x128xf32, #tpu.memory_space<hbm>>
      tpu.enqueue_indirect_dma source(%dma_start3A_238 : memref<1204224x128xf32, #tpu.memory_space<hbm>>) target(%arg14 : memref<192x128xf32, #tpu.memory_space<vmem>>) offsets(%dma_start3A_235 : memref<192xi32, #tpu.memory_space<vmem>>) semaphore(%arg18 : memref<!tpu.dma_semaphore, #tpu.memory_space<semaphore_mem>>)
      %add3A_239 = arith.constant 1 : i32
      %add3A_240 = arith.addi %mul3A_191, %add3A_239 : i32
      %mul3A_241 = arith.constant 192 : i32
      %mul3A_242 = arith.muli %add3A_240, %mul3A_241 : i32
      %dma_wait3A_243 = tpu.memref_slice %arg10[%mul3A_242] : memref<3072xi32, #tpu.memory_space<vmem>> -> memref<192xi32, #tpu.memory_space<vmem>>
      %dma_wait3A_244 = arith.constant 0 : i32
      %dma_wait3A_245 = arith.constant 0 : i32
      %dma_wait3A_246 = tpu.memref_slice %arg2[%dma_wait3A_244, %dma_wait3A_245] : memref<1204224x128xf32, #tpu.memory_space<hbm>> -> memref<1204224x128xf32, #tpu.memory_space<hbm>>
      tpu.wait_indirect_dma semaphore(%arg17 : memref<!tpu.dma_semaphore, #tpu.memory_space<semaphore_mem>>) src(%dma_wait3A_246 : memref<1204224x128xf32, #tpu.memory_space<hbm>>) dst(%arg13 : memref<192x128xf32, #tpu.memory_space<vmem>>)
      %dma_wait3A_247 = tpu.memref_slice %arg11[%mul3A_242] : memref<3072xi32, #tpu.memory_space<vmem>> -> memref<192xi32, #tpu.memory_space<vmem>>
      %dma_wait3A_248 = arith.constant 0 : i32
      %dma_wait3A_249 = arith.constant 0 : i32
      %dma_wait3A_250 = tpu.memref_slice %arg3[%dma_wait3A_248, %dma_wait3A_249] : memref<1204224x128xf32, #tpu.memory_space<hbm>> -> memref<1204224x128xf32, #tpu.memory_space<hbm>>
      tpu.wait_indirect_dma semaphore(%arg18 : memref<!tpu.dma_semaphore, #tpu.memory_space<semaphore_mem>>) src(%dma_wait3A_250 : memref<1204224x128xf32, #tpu.memory_space<hbm>>) dst(%arg15 : memref<192x128xf32, #tpu.memory_space<vmem>>)
      %broadcast_in_dim3A_251 = arith.constant 0.000000e+00 : f32
      %broadcast_in_dim3A_252 = vector.broadcast %broadcast_in_dim3A_251 : f32 to vector<16xf32>
      %scan3A_253 = arith.constant 0 : i32
      %scan3A_254 = arith.constant 1536 : i32
      %scan3A_255 = arith.addi %scan3A_253, %scan3A_254 : i32
      %scan3A_256 = arith.constant 8 : i32
      %scan3A_257 = scf.for %scan3A_264 = %scan3A_253 to %scan3A_255 step %scan3A_256 iter_args(%scan3A_265 = %broadcast_in_dim3A_252) -> (vector<16xf32>)  : i32 {
        %shift_right_arithmetic3A = arith.constant 3 : i32
        %shift_right_arithmetic3A_266 = arith.shrsi %scan3A_264, %shift_right_arithmetic3A : i32
        %and3A_267 = arith.constant 7 : i32
        %and3A_268 = arith.andi %scan3A_264, %and3A_267 : i32
        %shift_left3A = arith.constant 4 : i32
        %shift_left3A_269 = arith.shli %and3A_268, %shift_left3A : i32
        %get3A_270 = arith.index_cast %shift_right_arithmetic3A_266 : i32 to index
        %get3A_271 = arith.index_cast %shift_left3A_269 : i32 to index
        %get3A_272 = tpu.vector_load %arg13[%get3A_270, %get3A_271] {strides = array<i32>} : memref<192x128xf32, #tpu.memory_space<vmem>>, vector<16xf32>,
        %get3A_273 = arith.index_cast %shift_right_arithmetic3A_266 : i32 to index
        %get3A_274 = arith.index_cast %shift_left3A_269 : i32 to index
        %get3A_275 = tpu.vector_load %arg15[%get3A_273, %get3A_274] {strides = array<i32>} : memref<192x128xf32, #tpu.memory_space<vmem>>, vector<16xf32>,
        %sub3A_276 = arith.subf %get3A_272, %get3A_275 : vector<16xf32>
        %mul3A_277 = arith.mulf %sub3A_276, %sub3A_276 : vector<16xf32>
        %add3A_278 = arith.addf %scan3A_265, %mul3A_277 : vector<16xf32>
        %scan3A_279 = arith.constant 1 : i32
        %scan3A_280 = arith.addi %scan3A_264, %scan3A_279 : i32
        %shift_right_arithmetic3A_281 = arith.constant 3 : i32
        %shift_right_arithmetic3A_282 = arith.shrsi %scan3A_280, %shift_right_arithmetic3A_281 : i32
        %and3A_283 = arith.constant 7 : i32
        %and3A_284 = arith.andi %scan3A_280, %and3A_283 : i32
        %shift_left3A_285 = arith.constant 4 : i32
        %shift_left3A_286 = arith.shli %and3A_284, %shift_left3A_285 : i32
        %get3A_287 = arith.index_cast %shift_right_arithmetic3A_282 : i32 to index
        %get3A_288 = arith.index_cast %shift_left3A_286 : i32 to index
        %get3A_289 = tpu.vector_load %arg13[%get3A_287, %get3A_288] {strides = array<i32>} : memref<192x128xf32, #tpu.memory_space<vmem>>, vector<16xf32>,
        %get3A_290 = arith.index_cast %shift_right_arithmetic3A_282 : i32 to index
        %get3A_291 = arith.index_cast %shift_left3A_286 : i32 to index
        %get3A_292 = tpu.vector_load %arg15[%get3A_290, %get3A_291] {strides = array<i32>} : memref<192x128xf32, #tpu.memory_space<vmem>>, vector<16xf32>,
        %sub3A_293 = arith.subf %get3A_289, %get3A_292 : vector<16xf32>
        %mul3A_294 = arith.mulf %sub3A_293, %sub3A_293 : vector<16xf32>
        %add3A_295 = arith.addf %add3A_278, %mul3A_294 : vector<16xf32>
        %scan3A_296 = arith.constant 2 : i32
        %scan3A_297 = arith.addi %scan3A_264, %scan3A_296 : i32
        %shift_right_arithmetic3A_298 = arith.constant 3 : i32
        %shift_right_arithmetic3A_299 = arith.shrsi %scan3A_297, %shift_right_arithmetic3A_298 : i32
        %and3A_300 = arith.constant 7 : i32
        %and3A_301 = arith.andi %scan3A_297, %and3A_300 : i32
        %shift_left3A_302 = arith.constant 4 : i32
        %shift_left3A_303 = arith.shli %and3A_301, %shift_left3A_302 : i32
        %get3A_304 = arith.index_cast %shift_right_arithmetic3A_299 : i32 to index
        %get3A_305 = arith.index_cast %shift_left3A_303 : i32 to index
        %get3A_306 = tpu.vector_load %arg13[%get3A_304, %get3A_305] {strides = array<i32>} : memref<192x128xf32, #tpu.memory_space<vmem>>, vector<16xf32>,
        %get3A_307 = arith.index_cast %shift_right_arithmetic3A_299 : i32 to index
        %get3A_308 = arith.index_cast %shift_left3A_303 : i32 to index
        %get3A_309 = tpu.vector_load %arg15[%get3A_307, %get3A_308] {strides = array<i32>} : memref<192x128xf32, #tpu.memory_space<vmem>>, vector<16xf32>,
        %sub3A_310 = arith.subf %get3A_306, %get3A_309 : vector<16xf32>
        %mul3A_311 = arith.mulf %sub3A_310, %sub3A_310 : vector<16xf32>
        %add3A_312 = arith.addf %add3A_295, %mul3A_311 : vector<16xf32>
        %scan3A_313 = arith.constant 3 : i32
        %scan3A_314 = arith.addi %scan3A_264, %scan3A_313 : i32
        %shift_right_arithmetic3A_315 = arith.constant 3 : i32
        %shift_right_arithmetic3A_316 = arith.shrsi %scan3A_314, %shift_right_arithmetic3A_315 : i32
        %and3A_317 = arith.constant 7 : i32
        %and3A_318 = arith.andi %scan3A_314, %and3A_317 : i32
        %shift_left3A_319 = arith.constant 4 : i32
        %shift_left3A_320 = arith.shli %and3A_318, %shift_left3A_319 : i32
        %get3A_321 = arith.index_cast %shift_right_arithmetic3A_316 : i32 to index
        %get3A_322 = arith.index_cast %shift_left3A_320 : i32 to index
        %get3A_323 = tpu.vector_load %arg13[%get3A_321, %get3A_322] {strides = array<i32>} : memref<192x128xf32, #tpu.memory_space<vmem>>, vector<16xf32>,
        %get3A_324 = arith.index_cast %shift_right_arithmetic3A_316 : i32 to index
        %get3A_325 = arith.index_cast %shift_left3A_320 : i32 to index
        %get3A_326 = tpu.vector_load %arg15[%get3A_324, %get3A_325] {strides = array<i32>} : memref<192x128xf32, #tpu.memory_space<vmem>>, vector<16xf32>,
        %sub3A_327 = arith.subf %get3A_323, %get3A_326 : vector<16xf32>
        %mul3A_328 = arith.mulf %sub3A_327, %sub3A_327 : vector<16xf32>
        %add3A_329 = arith.addf %add3A_312, %mul3A_328 : vector<16xf32>
        %scan3A_330 = arith.constant 4 : i32
        %scan3A_331 = arith.addi %scan3A_264, %scan3A_330 : i32
        %shift_right_arithmetic3A_332 = arith.constant 3 : i32
        %shift_right_arithmetic3A_333 = arith.shrsi %scan3A_331, %shift_right_arithmetic3A_332 : i32
        %and3A_334 = arith.constant 7 : i32
        %and3A_335 = arith.andi %scan3A_331, %and3A_334 : i32
        %shift_left3A_336 = arith.constant 4 : i32
        %shift_left3A_337 = arith.shli %and3A_335, %shift_left3A_336 : i32
        %get3A_338 = arith.index_cast %shift_right_arithmetic3A_333 : i32 to index
        %get3A_339 = arith.index_cast %shift_left3A_337 : i32 to index
        %get3A_340 = tpu.vector_load %arg13[%get3A_338, %get3A_339] {strides = array<i32>} : memref<192x128xf32, #tpu.memory_space<vmem>>, vector<16xf32>,
        %get3A_341 = arith.index_cast %shift_right_arithmetic3A_333 : i32 to index
        %get3A_342 = arith.index_cast %shift_left3A_337 : i32 to index
        %get3A_343 = tpu.vector_load %arg15[%get3A_341, %get3A_342] {strides = array<i32>} : memref<192x128xf32, #tpu.memory_space<vmem>>, vector<16xf32>,
        %sub3A_344 = arith.subf %get3A_340, %get3A_343 : vector<16xf32>
        %mul3A_345 = arith.mulf %sub3A_344, %sub3A_344 : vector<16xf32>
        %add3A_346 = arith.addf %add3A_329, %mul3A_345 : vector<16xf32>
        %scan3A_347 = arith.constant 5 : i32
        %scan3A_348 = arith.addi %scan3A_264, %scan3A_347 : i32
        %shift_right_arithmetic3A_349 = arith.constant 3 : i32
        %shift_right_arithmetic3A_350 = arith.shrsi %scan3A_348, %shift_right_arithmetic3A_349 : i32
        %and3A_351 = arith.constant 7 : i32
        %and3A_352 = arith.andi %scan3A_348, %and3A_351 : i32
        %shift_left3A_353 = arith.constant 4 : i32
        %shift_left3A_354 = arith.shli %and3A_352, %shift_left3A_353 : i32
        %get3A_355 = arith.index_cast %shift_right_arithmetic3A_350 : i32 to index
        %get3A_356 = arith.index_cast %shift_left3A_354 : i32 to index
        %get3A_357 = tpu.vector_load %arg13[%get3A_355, %get3A_356] {strides = array<i32>} : memref<192x128xf32, #tpu.memory_space<vmem>>, vector<16xf32>,
        %get3A_358 = arith.index_cast %shift_right_arithmetic3A_350 : i32 to index
        %get3A_359 = arith.index_cast %shift_left3A_354 : i32 to index
        %get3A_360 = tpu.vector_load %arg15[%get3A_358, %get3A_359] {strides = array<i32>} : memref<192x128xf32, #tpu.memory_space<vmem>>, vector<16xf32>,
        %sub3A_361 = arith.subf %get3A_357, %get3A_360 : vector<16xf32>
        %mul3A_362 = arith.mulf %sub3A_361, %sub3A_361 : vector<16xf32>
        %add3A_363 = arith.addf %add3A_346, %mul3A_362 : vector<16xf32>
        %scan3A_364 = arith.constant 6 : i32
        %scan3A_365 = arith.addi %scan3A_264, %scan3A_364 : i32
        %shift_right_arithmetic3A_366 = arith.constant 3 : i32
        %shift_right_arithmetic3A_367 = arith.shrsi %scan3A_365, %shift_right_arithmetic3A_366 : i32
        %and3A_368 = arith.constant 7 : i32
        %and3A_369 = arith.andi %scan3A_365, %and3A_368 : i32
        %shift_left3A_370 = arith.constant 4 : i32
        %shift_left3A_371 = arith.shli %and3A_369, %shift_left3A_370 : i32
        %get3A_372 = arith.index_cast %shift_right_arithmetic3A_367 : i32 to index
        %get3A_373 = arith.index_cast %shift_left3A_371 : i32 to index
        %get3A_374 = tpu.vector_load %arg13[%get3A_372, %get3A_373] {strides = array<i32>} : memref<192x128xf32, #tpu.memory_space<vmem>>, vector<16xf32>,
        %get3A_375 = arith.index_cast %shift_right_arithmetic3A_367 : i32 to index
        %get3A_376 = arith.index_cast %shift_left3A_371 : i32 to index
        %get3A_377 = tpu.vector_load %arg15[%get3A_375, %get3A_376] {strides = array<i32>} : memref<192x128xf32, #tpu.memory_space<vmem>>, vector<16xf32>,
        %sub3A_378 = arith.subf %get3A_374, %get3A_377 : vector<16xf32>
        %mul3A_379 = arith.mulf %sub3A_378, %sub3A_378 : vector<16xf32>
        %add3A_380 = arith.addf %add3A_363, %mul3A_379 : vector<16xf32>
        %scan3A_381 = arith.constant 7 : i32
        %scan3A_382 = arith.addi %scan3A_264, %scan3A_381 : i32
        %shift_right_arithmetic3A_383 = arith.constant 3 : i32
        %shift_right_arithmetic3A_384 = arith.shrsi %scan3A_382, %shift_right_arithmetic3A_383 : i32
        %and3A_385 = arith.constant 7 : i32
        %and3A_386 = arith.andi %scan3A_382, %and3A_385 : i32
        %shift_left3A_387 = arith.constant 4 : i32
        %shift_left3A_388 = arith.shli %and3A_386, %shift_left3A_387 : i32
        %get3A_389 = arith.index_cast %shift_right_arithmetic3A_384 : i32 to index
        %get3A_390 = arith.index_cast %shift_left3A_388 : i32 to index
        %get3A_391 = tpu.vector_load %arg13[%get3A_389, %get3A_390] {strides = array<i32>} : memref<192x128xf32, #tpu.memory_space<vmem>>, vector<16xf32>,
        %get3A_392 = arith.index_cast %shift_right_arithmetic3A_384 : i32 to index
        %get3A_393 = arith.index_cast %shift_left3A_388 : i32 to index
        %get3A_394 = tpu.vector_load %arg15[%get3A_392, %get3A_393] {strides = array<i32>} : memref<192x128xf32, #tpu.memory_space<vmem>>, vector<16xf32>,
        %sub3A_395 = arith.subf %get3A_391, %get3A_394 : vector<16xf32>
        %mul3A_396 = arith.mulf %sub3A_395, %sub3A_395 : vector<16xf32>
        %add3A_397 = arith.addf %add3A_380, %mul3A_396 : vector<16xf32>
        scf.yield %add3A_397 : vector<16xf32>
      }
      %scan3A_258 = arith.constant 1536 : i32
      %get3A_259 = arith.constant 0 : index
      %get3A_260 = tpu.vector_load %arg16[%get3A_259] {strides = array<i32>} : memref<16xf32, #tpu.memory_space<vmem>>, vector<16xf32>,
      %add3A_261 = arith.addf %get3A_260, %scan3A_257 : vector<16xf32>
      %swap3A_262 = arith.constant 0 : index
      %swap3A_263 = tpu.vector_load %arg16[%swap3A_262] {strides = array<i32>} : memref<16xf32, #tpu.memory_space<vmem>>, vector<16xf32>,
      tpu.vector_store %arg16[%swap3A_262], %add3A_261 {strides = array<i32>} : memref<16xf32, #tpu.memory_space<vmem>>, vector<16xf32>,
    }
    %scan3A_134 = arith.constant 7 : i32
    %dma_start3A_135 = arith.constant 2880 : i32
    %dma_start3A_136 = tpu.memref_slice %arg10[%dma_start3A_135] : memref<3072xi32, #tpu.memory_space<vmem>> -> memref<192xi32, #tpu.memory_space<vmem>>
    %dma_start3A_137 = arith.constant 0 : i32
    %dma_start3A_138 = arith.constant 0 : i32
    %dma_start3A_139 = tpu.memref_slice %arg2[%dma_start3A_137, %dma_start3A_138] : memref<1204224x128xf32, #tpu.memory_space<hbm>> -> memref<1204224x128xf32, #tpu.memory_space<hbm>>
    tpu.enqueue_indirect_dma source(%dma_start3A_139 : memref<1204224x128xf32, #tpu.memory_space<hbm>>) target(%arg13 : memref<192x128xf32, #tpu.memory_space<vmem>>) offsets(%dma_start3A_136 : memref<192xi32, #tpu.memory_space<vmem>>) semaphore(%arg17 : memref<!tpu.dma_semaphore, #tpu.memory_space<semaphore_mem>>)
    %dma_start3A_140 = arith.constant 2880 : i32
    %dma_start3A_141 = tpu.memref_slice %arg11[%dma_start3A_140] : memref<3072xi32, #tpu.memory_space<vmem>> -> memref<192xi32, #tpu.memory_space<vmem>>
    %dma_start3A_142 = arith.constant 0 : i32
    %dma_start3A_143 = arith.constant 0 : i32
    %dma_start3A_144 = tpu.memref_slice %arg3[%dma_start3A_142, %dma_start3A_143] : memref<1204224x128xf32, #tpu.memory_space<hbm>> -> memref<1204224x128xf32, #tpu.memory_space<hbm>>
    tpu.enqueue_indirect_dma source(%dma_start3A_144 : memref<1204224x128xf32, #tpu.memory_space<hbm>>) target(%arg15 : memref<192x128xf32, #tpu.memory_space<vmem>>) offsets(%dma_start3A_141 : memref<192xi32, #tpu.memory_space<vmem>>) semaphore(%arg18 : memref<!tpu.dma_semaphore, #tpu.memory_space<semaphore_mem>>)
    %dma_wait3A = arith.constant 2688 : i32
    %dma_wait3A_145 = tpu.memref_slice %arg10[%dma_wait3A] : memref<3072xi32, #tpu.memory_space<vmem>> -> memref<192xi32, #tpu.memory_space<vmem>>
    %dma_wait3A_146 = arith.constant 0 : i32
    %dma_wait3A_147 = arith.constant 0 : i32
    %dma_wait3A_148 = tpu.memref_slice %arg2[%dma_wait3A_146, %dma_wait3A_147] : memref<1204224x128xf32, #tpu.memory_space<hbm>> -> memref<1204224x128xf32, #tpu.memory_space<hbm>>
    tpu.wait_indirect_dma semaphore(%arg17 : memref<!tpu.dma_semaphore, #tpu.memory_space<semaphore_mem>>) src(%dma_wait3A_148 : memref<1204224x128xf32, #tpu.memory_space<hbm>>) dst(%arg12 : memref<192x128xf32, #tpu.memory_space<vmem>>)
    %dma_wait3A_149 = arith.constant 2688 : i32
    %dma_wait3A_150 = tpu.memref_slice %arg11[%dma_wait3A_149] : memref<3072xi32, #tpu.memory_space<vmem>> -> memref<192xi32, #tpu.memory_space<vmem>>
    %dma_wait3A_151 = arith.constant 0 : i32
    %dma_wait3A_152 = arith.constant 0 : i32
    %dma_wait3A_153 = tpu.memref_slice %arg3[%dma_wait3A_151, %dma_wait3A_152] : memref<1204224x128xf32, #tpu.memory_space<hbm>> -> memref<1204224x128xf32, #tpu.memory_space<hbm>>
    tpu.wait_indirect_dma semaphore(%arg18 : memref<!tpu.dma_semaphore, #tpu.memory_space<semaphore_mem>>) src(%dma_wait3A_153 : memref<1204224x128xf32, #tpu.memory_space<hbm>>) dst(%arg14 : memref<192x128xf32, #tpu.memory_space<vmem>>)
    %broadcast_in_dim3A_154 = arith.constant 0.000000e+00 : f32
    %broadcast_in_dim3A_155 = vector.broadcast %broadcast_in_dim3A_154 : f32 to vector<16xf32>
    %scan3A_156 = arith.constant 0 : i32
    %scan3A_157 = arith.constant 1536 : i32
    %scan3A_158 = arith.addi %scan3A_156, %scan3A_157 : i32
    %scan3A_159 = arith.constant 8 : i32
    %scan3A_160 = scf.for %scan3A_189 = %scan3A_156 to %scan3A_158 step %scan3A_159 iter_args(%scan3A_190 = %broadcast_in_dim3A_155) -> (vector<16xf32>)  : i32 {
      %shift_right_arithmetic3A = arith.constant 3 : i32
      %shift_right_arithmetic3A_191 = arith.shrsi %scan3A_189, %shift_right_arithmetic3A : i32
      %and3A_192 = arith.constant 7 : i32
      %and3A_193 = arith.andi %scan3A_189, %and3A_192 : i32
      %shift_left3A = arith.constant 4 : i32
      %shift_left3A_194 = arith.shli %and3A_193, %shift_left3A : i32
      %get3A_195 = arith.index_cast %shift_right_arithmetic3A_191 : i32 to index
      %get3A_196 = arith.index_cast %shift_left3A_194 : i32 to index
      %get3A_197 = tpu.vector_load %arg12[%get3A_195, %get3A_196] {strides = array<i32>} : memref<192x128xf32, #tpu.memory_space<vmem>>, vector<16xf32>,
      %get3A_198 = arith.index_cast %shift_right_arithmetic3A_191 : i32 to index
      %get3A_199 = arith.index_cast %shift_left3A_194 : i32 to index
      %get3A_200 = tpu.vector_load %arg14[%get3A_198, %get3A_199] {strides = array<i32>} : memref<192x128xf32, #tpu.memory_space<vmem>>, vector<16xf32>,
      %sub3A_201 = arith.subf %get3A_197, %get3A_200 : vector<16xf32>
      %mul3A_202 = arith.mulf %sub3A_201, %sub3A_201 : vector<16xf32>
      %add3A_203 = arith.addf %scan3A_190, %mul3A_202 : vector<16xf32>
      %scan3A_204 = arith.constant 1 : i32
      %scan3A_205 = arith.addi %scan3A_189, %scan3A_204 : i32
      %shift_right_arithmetic3A_206 = arith.constant 3 : i32
      %shift_right_arithmetic3A_207 = arith.shrsi %scan3A_205, %shift_right_arithmetic3A_206 : i32
      %and3A_208 = arith.constant 7 : i32
      %and3A_209 = arith.andi %scan3A_205, %and3A_208 : i32
      %shift_left3A_210 = arith.constant 4 : i32
      %shift_left3A_211 = arith.shli %and3A_209, %shift_left3A_210 : i32
      %get3A_212 = arith.index_cast %shift_right_arithmetic3A_207 : i32 to index
      %get3A_213 = arith.index_cast %shift_left3A_211 : i32 to index
      %get3A_214 = tpu.vector_load %arg12[%get3A_212, %get3A_213] {strides = array<i32>} : memref<192x128xf32, #tpu.memory_space<vmem>>, vector<16xf32>,
      %get3A_215 = arith.index_cast %shift_right_arithmetic3A_207 : i32 to index
      %get3A_216 = arith.index_cast %shift_left3A_211 : i32 to index
      %get3A_217 = tpu.vector_load %arg14[%get3A_215, %get3A_216] {strides = array<i32>} : memref<192x128xf32, #tpu.memory_space<vmem>>, vector<16xf32>,
      %sub3A_218 = arith.subf %get3A_214, %get3A_217 : vector<16xf32>
      %mul3A_219 = arith.mulf %sub3A_218, %sub3A_218 : vector<16xf32>
      %add3A_220 = arith.addf %add3A_203, %mul3A_219 : vector<16xf32>
      %scan3A_221 = arith.constant 2 : i32
      %scan3A_222 = arith.addi %scan3A_189, %scan3A_221 : i32
      %shift_right_arithmetic3A_223 = arith.constant 3 : i32
      %shift_right_arithmetic3A_224 = arith.shrsi %scan3A_222, %shift_right_arithmetic3A_223 : i32
      %and3A_225 = arith.constant 7 : i32
      %and3A_226 = arith.andi %scan3A_222, %and3A_225 : i32
      %shift_left3A_227 = arith.constant 4 : i32
      %shift_left3A_228 = arith.shli %and3A_226, %shift_left3A_227 : i32
      %get3A_229 = arith.index_cast %shift_right_arithmetic3A_224 : i32 to index
      %get3A_230 = arith.index_cast %shift_left3A_228 : i32 to index
      %get3A_231 = tpu.vector_load %arg12[%get3A_229, %get3A_230] {strides = array<i32>} : memref<192x128xf32, #tpu.memory_space<vmem>>, vector<16xf32>,
      %get3A_232 = arith.index_cast %shift_right_arithmetic3A_224 : i32 to index
      %get3A_233 = arith.index_cast %shift_left3A_228 : i32 to index
      %get3A_234 = tpu.vector_load %arg14[%get3A_232, %get3A_233] {strides = array<i32>} : memref<192x128xf32, #tpu.memory_space<vmem>>, vector<16xf32>,
      %sub3A_235 = arith.subf %get3A_231, %get3A_234 : vector<16xf32>
      %mul3A_236 = arith.mulf %sub3A_235, %sub3A_235 : vector<16xf32>
      %add3A_237 = arith.addf %add3A_220, %mul3A_236 : vector<16xf32>
      %scan3A_238 = arith.constant 3 : i32
      %scan3A_239 = arith.addi %scan3A_189, %scan3A_238 : i32
      %shift_right_arithmetic3A_240 = arith.constant 3 : i32
      %shift_right_arithmetic3A_241 = arith.shrsi %scan3A_239, %shift_right_arithmetic3A_240 : i32
      %and3A_242 = arith.constant 7 : i32
      %and3A_243 = arith.andi %scan3A_239, %and3A_242 : i32
      %shift_left3A_244 = arith.constant 4 : i32
      %shift_left3A_245 = arith.shli %and3A_243, %shift_left3A_244 : i32
      %get3A_246 = arith.index_cast %shift_right_arithmetic3A_241 : i32 to index
      %get3A_247 = arith.index_cast %shift_left3A_245 : i32 to index
      %get3A_248 = tpu.vector_load %arg12[%get3A_246, %get3A_247] {strides = array<i32>} : memref<192x128xf32, #tpu.memory_space<vmem>>, vector<16xf32>,
      %get3A_249 = arith.index_cast %shift_right_arithmetic3A_241 : i32 to index
      %get3A_250 = arith.index_cast %shift_left3A_245 : i32 to index
      %get3A_251 = tpu.vector_load %arg14[%get3A_249, %get3A_250] {strides = array<i32>} : memref<192x128xf32, #tpu.memory_space<vmem>>, vector<16xf32>,
      %sub3A_252 = arith.subf %get3A_248, %get3A_251 : vector<16xf32>
      %mul3A_253 = arith.mulf %sub3A_252, %sub3A_252 : vector<16xf32>
      %add3A_254 = arith.addf %add3A_237, %mul3A_253 : vector<16xf32>
      %scan3A_255 = arith.constant 4 : i32
      %scan3A_256 = arith.addi %scan3A_189, %scan3A_255 : i32
      %shift_right_arithmetic3A_257 = arith.constant 3 : i32
      %shift_right_arithmetic3A_258 = arith.shrsi %scan3A_256, %shift_right_arithmetic3A_257 : i32
      %and3A_259 = arith.constant 7 : i32
      %and3A_260 = arith.andi %scan3A_256, %and3A_259 : i32
      %shift_left3A_261 = arith.constant 4 : i32
      %shift_left3A_262 = arith.shli %and3A_260, %shift_left3A_261 : i32
      %get3A_263 = arith.index_cast %shift_right_arithmetic3A_258 : i32 to index
      %get3A_264 = arith.index_cast %shift_left3A_262 : i32 to index
      %get3A_265 = tpu.vector_load %arg12[%get3A_263, %get3A_264] {strides = array<i32>} : memref<192x128xf32, #tpu.memory_space<vmem>>, vector<16xf32>,
      %get3A_266 = arith.index_cast %shift_right_arithmetic3A_258 : i32 to index
      %get3A_267 = arith.index_cast %shift_left3A_262 : i32 to index
      %get3A_268 = tpu.vector_load %arg14[%get3A_266, %get3A_267] {strides = array<i32>} : memref<192x128xf32, #tpu.memory_space<vmem>>, vector<16xf32>,
      %sub3A_269 = arith.subf %get3A_265, %get3A_268 : vector<16xf32>
      %mul3A_270 = arith.mulf %sub3A_269, %sub3A_269 : vector<16xf32>
      %add3A_271 = arith.addf %add3A_254, %mul3A_270 : vector<16xf32>
      %scan3A_272 = arith.constant 5 : i32
      %scan3A_273 = arith.addi %scan3A_189, %scan3A_272 : i32
      %shift_right_arithmetic3A_274 = arith.constant 3 : i32
      %shift_right_arithmetic3A_275 = arith.shrsi %scan3A_273, %shift_right_arithmetic3A_274 : i32
      %and3A_276 = arith.constant 7 : i32
      %and3A_277 = arith.andi %scan3A_273, %and3A_276 : i32
      %shift_left3A_278 = arith.constant 4 : i32
      %shift_left3A_279 = arith.shli %and3A_277, %shift_left3A_278 : i32
      %get3A_280 = arith.index_cast %shift_right_arithmetic3A_275 : i32 to index
      %get3A_281 = arith.index_cast %shift_left3A_279 : i32 to index
      %get3A_282 = tpu.vector_load %arg12[%get3A_280, %get3A_281] {strides = array<i32>} : memref<192x128xf32, #tpu.memory_space<vmem>>, vector<16xf32>,
      %get3A_283 = arith.index_cast %shift_right_arithmetic3A_275 : i32 to index
      %get3A_284 = arith.index_cast %shift_left3A_279 : i32 to index
      %get3A_285 = tpu.vector_load %arg14[%get3A_283, %get3A_284] {strides = array<i32>} : memref<192x128xf32, #tpu.memory_space<vmem>>, vector<16xf32>,
      %sub3A_286 = arith.subf %get3A_282, %get3A_285 : vector<16xf32>
      %mul3A_287 = arith.mulf %sub3A_286, %sub3A_286 : vector<16xf32>
      %add3A_288 = arith.addf %add3A_271, %mul3A_287 : vector<16xf32>
      %scan3A_289 = arith.constant 6 : i32
      %scan3A_290 = arith.addi %scan3A_189, %scan3A_289 : i32
      %shift_right_arithmetic3A_291 = arith.constant 3 : i32
      %shift_right_arithmetic3A_292 = arith.shrsi %scan3A_290, %shift_right_arithmetic3A_291 : i32
      %and3A_293 = arith.constant 7 : i32
      %and3A_294 = arith.andi %scan3A_290, %and3A_293 : i32
      %shift_left3A_295 = arith.constant 4 : i32
      %shift_left3A_296 = arith.shli %and3A_294, %shift_left3A_295 : i32
      %get3A_297 = arith.index_cast %shift_right_arithmetic3A_292 : i32 to index
      %get3A_298 = arith.index_cast %shift_left3A_296 : i32 to index
      %get3A_299 = tpu.vector_load %arg12[%get3A_297, %get3A_298] {strides = array<i32>} : memref<192x128xf32, #tpu.memory_space<vmem>>, vector<16xf32>,
      %get3A_300 = arith.index_cast %shift_right_arithmetic3A_292 : i32 to index
      %get3A_301 = arith.index_cast %shift_left3A_296 : i32 to index
      %get3A_302 = tpu.vector_load %arg14[%get3A_300, %get3A_301] {strides = array<i32>} : memref<192x128xf32, #tpu.memory_space<vmem>>, vector<16xf32>,
      %sub3A_303 = arith.subf %get3A_299, %get3A_302 : vector<16xf32>
      %mul3A_304 = arith.mulf %sub3A_303, %sub3A_303 : vector<16xf32>
      %add3A_305 = arith.addf %add3A_288, %mul3A_304 : vector<16xf32>
      %scan3A_306 = arith.constant 7 : i32
      %scan3A_307 = arith.addi %scan3A_189, %scan3A_306 : i32
      %shift_right_arithmetic3A_308 = arith.constant 3 : i32
      %shift_right_arithmetic3A_309 = arith.shrsi %scan3A_307, %shift_right_arithmetic3A_308 : i32
      %and3A_310 = arith.constant 7 : i32
      %and3A_311 = arith.andi %scan3A_307, %and3A_310 : i32
      %shift_left3A_312 = arith.constant 4 : i32
      %shift_left3A_313 = arith.shli %and3A_311, %shift_left3A_312 : i32
      %get3A_314 = arith.index_cast %shift_right_arithmetic3A_309 : i32 to index
      %get3A_315 = arith.index_cast %shift_left3A_313 : i32 to index
      %get3A_316 = tpu.vector_load %arg12[%get3A_314, %get3A_315] {strides = array<i32>} : memref<192x128xf32, #tpu.memory_space<vmem>>, vector<16xf32>,
      %get3A_317 = arith.index_cast %shift_right_arithmetic3A_309 : i32 to index
      %get3A_318 = arith.index_cast %shift_left3A_313 : i32 to index
      %get3A_319 = tpu.vector_load %arg14[%get3A_317, %get3A_318] {strides = array<i32>} : memref<192x128xf32, #tpu.memory_space<vmem>>, vector<16xf32>,
      %sub3A_320 = arith.subf %get3A_316, %get3A_319 : vector<16xf32>
      %mul3A_321 = arith.mulf %sub3A_320, %sub3A_320 : vector<16xf32>
      %add3A_322 = arith.addf %add3A_305, %mul3A_321 : vector<16xf32>
      scf.yield %add3A_322 : vector<16xf32>
    }
    %scan3A_161 = arith.constant 1536 : i32
    %get3A = arith.constant 0 : index
    %get3A_162 = tpu.vector_load %arg16[%get3A] {strides = array<i32>} : memref<16xf32, #tpu.memory_space<vmem>>, vector<16xf32>,
    %add3A_163 = arith.addf %get3A_162, %scan3A_160 : vector<16xf32>
    %swap3A_164 = arith.constant 0 : index
    %swap3A_165 = tpu.vector_load %arg16[%swap3A_164] {strides = array<i32>} : memref<16xf32, #tpu.memory_space<vmem>>, vector<16xf32>,
    tpu.vector_store %arg16[%swap3A_164], %add3A_163 {strides = array<i32>} : memref<16xf32, #tpu.memory_space<vmem>>, vector<16xf32>,
    %dma_wait3A_166 = arith.constant 2880 : i32
    %dma_wait3A_167 = tpu.memref_slice %arg10[%dma_wait3A_166] : memref<3072xi32, #tpu.memory_space<vmem>> -> memref<192xi32, #tpu.memory_space<vmem>>
    %dma_wait3A_168 = arith.constant 0 : i32
    %dma_wait3A_169 = arith.constant 0 : i32
    %dma_wait3A_170 = tpu.memref_slice %arg2[%dma_wait3A_168, %dma_wait3A_169] : memref<1204224x128xf32, #tpu.memory_space<hbm>> -> memref<1204224x128xf32, #tpu.memory_space<hbm>>
    tpu.wait_indirect_dma semaphore(%arg17 : memref<!tpu.dma_semaphore, #tpu.memory_space<semaphore_mem>>) src(%dma_wait3A_170 : memref<1204224x128xf32, #tpu.memory_space<hbm>>) dst(%arg13 : memref<192x128xf32, #tpu.memory_space<vmem>>)
    %dma_wait3A_171 = arith.constant 2880 : i32
    %dma_wait3A_172 = tpu.memref_slice %arg11[%dma_wait3A_171] : memref<3072xi32, #tpu.memory_space<vmem>> -> memref<192xi32, #tpu.memory_space<vmem>>
    %dma_wait3A_173 = arith.constant 0 : i32
    %dma_wait3A_174 = arith.constant 0 : i32
    %dma_wait3A_175 = tpu.memref_slice %arg3[%dma_wait3A_173, %dma_wait3A_174] : memref<1204224x128xf32, #tpu.memory_space<hbm>> -> memref<1204224x128xf32, #tpu.memory_space<hbm>>
    tpu.wait_indirect_dma semaphore(%arg18 : memref<!tpu.dma_semaphore, #tpu.memory_space<semaphore_mem>>) src(%dma_wait3A_175 : memref<1204224x128xf32, #tpu.memory_space<hbm>>) dst(%arg15 : memref<192x128xf32, #tpu.memory_space<vmem>>)
    %broadcast_in_dim3A_176 = arith.constant 0.000000e+00 : f32
    %broadcast_in_dim3A_177 = vector.broadcast %broadcast_in_dim3A_176 : f32 to vector<16xf32>
    %scan3A_178 = arith.constant 0 : i32
    %scan3A_179 = arith.constant 1536 : i32
    %scan3A_180 = arith.addi %scan3A_178, %scan3A_179 : i32
    %scan3A_181 = arith.constant 8 : i32
    %scan3A_182 = scf.for %scan3A_189 = %scan3A_178 to %scan3A_180 step %scan3A_181 iter_args(%scan3A_190 = %broadcast_in_dim3A_177) -> (vector<16xf32>)  : i32 {
      %shift_right_arithmetic3A = arith.constant 3 : i32
      %shift_right_arithmetic3A_191 = arith.shrsi %scan3A_189, %shift_right_arithmetic3A : i32
      %and3A_192 = arith.constant 7 : i32
      %and3A_193 = arith.andi %scan3A_189, %and3A_192 : i32
      %shift_left3A = arith.constant 4 : i32
      %shift_left3A_194 = arith.shli %and3A_193, %shift_left3A : i32
      %get3A_195 = arith.index_cast %shift_right_arithmetic3A_191 : i32 to index
      %get3A_196 = arith.index_cast %shift_left3A_194 : i32 to index
      %get3A_197 = tpu.vector_load %arg13[%get3A_195, %get3A_196] {strides = array<i32>} : memref<192x128xf32, #tpu.memory_space<vmem>>, vector<16xf32>,
      %get3A_198 = arith.index_cast %shift_right_arithmetic3A_191 : i32 to index
      %get3A_199 = arith.index_cast %shift_left3A_194 : i32 to index
      %get3A_200 = tpu.vector_load %arg15[%get3A_198, %get3A_199] {strides = array<i32>} : memref<192x128xf32, #tpu.memory_space<vmem>>, vector<16xf32>,
      %sub3A_201 = arith.subf %get3A_197, %get3A_200 : vector<16xf32>
      %mul3A_202 = arith.mulf %sub3A_201, %sub3A_201 : vector<16xf32>
      %add3A_203 = arith.addf %scan3A_190, %mul3A_202 : vector<16xf32>
      %scan3A_204 = arith.constant 1 : i32
      %scan3A_205 = arith.addi %scan3A_189, %scan3A_204 : i32
      %shift_right_arithmetic3A_206 = arith.constant 3 : i32
      %shift_right_arithmetic3A_207 = arith.shrsi %scan3A_205, %shift_right_arithmetic3A_206 : i32
      %and3A_208 = arith.constant 7 : i32
      %and3A_209 = arith.andi %scan3A_205, %and3A_208 : i32
      %shift_left3A_210 = arith.constant 4 : i32
      %shift_left3A_211 = arith.shli %and3A_209, %shift_left3A_210 : i32
      %get3A_212 = arith.index_cast %shift_right_arithmetic3A_207 : i32 to index
      %get3A_213 = arith.index_cast %shift_left3A_211 : i32 to index
      %get3A_214 = tpu.vector_load %arg13[%get3A_212, %get3A_213] {strides = array<i32>} : memref<192x128xf32, #tpu.memory_space<vmem>>, vector<16xf32>,
      %get3A_215 = arith.index_cast %shift_right_arithmetic3A_207 : i32 to index
      %get3A_216 = arith.index_cast %shift_left3A_211 : i32 to index
      %get3A_217 = tpu.vector_load %arg15[%get3A_215, %get3A_216] {strides = array<i32>} : memref<192x128xf32, #tpu.memory_space<vmem>>, vector<16xf32>,
      %sub3A_218 = arith.subf %get3A_214, %get3A_217 : vector<16xf32>
      %mul3A_219 = arith.mulf %sub3A_218, %sub3A_218 : vector<16xf32>
      %add3A_220 = arith.addf %add3A_203, %mul3A_219 : vector<16xf32>
      %scan3A_221 = arith.constant 2 : i32
      %scan3A_222 = arith.addi %scan3A_189, %scan3A_221 : i32
      %shift_right_arithmetic3A_223 = arith.constant 3 : i32
      %shift_right_arithmetic3A_224 = arith.shrsi %scan3A_222, %shift_right_arithmetic3A_223 : i32
      %and3A_225 = arith.constant 7 : i32
      %and3A_226 = arith.andi %scan3A_222, %and3A_225 : i32
      %shift_left3A_227 = arith.constant 4 : i32
      %shift_left3A_228 = arith.shli %and3A_226, %shift_left3A_227 : i32
      %get3A_229 = arith.index_cast %shift_right_arithmetic3A_224 : i32 to index
      %get3A_230 = arith.index_cast %shift_left3A_228 : i32 to index
      %get3A_231 = tpu.vector_load %arg13[%get3A_229, %get3A_230] {strides = array<i32>} : memref<192x128xf32, #tpu.memory_space<vmem>>, vector<16xf32>,
      %get3A_232 = arith.index_cast %shift_right_arithmetic3A_224 : i32 to index
      %get3A_233 = arith.index_cast %shift_left3A_228 : i32 to index
      %get3A_234 = tpu.vector_load %arg15[%get3A_232, %get3A_233] {strides = array<i32>} : memref<192x128xf32, #tpu.memory_space<vmem>>, vector<16xf32>,
      %sub3A_235 = arith.subf %get3A_231, %get3A_234 : vector<16xf32>
      %mul3A_236 = arith.mulf %sub3A_235, %sub3A_235 : vector<16xf32>
      %add3A_237 = arith.addf %add3A_220, %mul3A_236 : vector<16xf32>
      %scan3A_238 = arith.constant 3 : i32
      %scan3A_239 = arith.addi %scan3A_189, %scan3A_238 : i32
      %shift_right_arithmetic3A_240 = arith.constant 3 : i32
      %shift_right_arithmetic3A_241 = arith.shrsi %scan3A_239, %shift_right_arithmetic3A_240 : i32
      %and3A_242 = arith.constant 7 : i32
      %and3A_243 = arith.andi %scan3A_239, %and3A_242 : i32
      %shift_left3A_244 = arith.constant 4 : i32
      %shift_left3A_245 = arith.shli %and3A_243, %shift_left3A_244 : i32
      %get3A_246 = arith.index_cast %shift_right_arithmetic3A_241 : i32 to index
      %get3A_247 = arith.index_cast %shift_left3A_245 : i32 to index
      %get3A_248 = tpu.vector_load %arg13[%get3A_246, %get3A_247] {strides = array<i32>} : memref<192x128xf32, #tpu.memory_space<vmem>>, vector<16xf32>,
      %get3A_249 = arith.index_cast %shift_right_arithmetic3A_241 : i32 to index
      %get3A_250 = arith.index_cast %shift_left3A_245 : i32 to index
      %get3A_251 = tpu.vector_load %arg15[%get3A_249, %get3A_250] {strides = array<i32>} : memref<192x128xf32, #tpu.memory_space<vmem>>, vector<16xf32>,
      %sub3A_252 = arith.subf %get3A_248, %get3A_251 : vector<16xf32>
      %mul3A_253 = arith.mulf %sub3A_252, %sub3A_252 : vector<16xf32>
      %add3A_254 = arith.addf %add3A_237, %mul3A_253 : vector<16xf32>
      %scan3A_255 = arith.constant 4 : i32
      %scan3A_256 = arith.addi %scan3A_189, %scan3A_255 : i32
      %shift_right_arithmetic3A_257 = arith.constant 3 : i32
      %shift_right_arithmetic3A_258 = arith.shrsi %scan3A_256, %shift_right_arithmetic3A_257 : i32
      %and3A_259 = arith.constant 7 : i32
      %and3A_260 = arith.andi %scan3A_256, %and3A_259 : i32
      %shift_left3A_261 = arith.constant 4 : i32
      %shift_left3A_262 = arith.shli %and3A_260, %shift_left3A_261 : i32
      %get3A_263 = arith.index_cast %shift_right_arithmetic3A_258 : i32 to index
      %get3A_264 = arith.index_cast %shift_left3A_262 : i32 to index
      %get3A_265 = tpu.vector_load %arg13[%get3A_263, %get3A_264] {strides = array<i32>} : memref<192x128xf32, #tpu.memory_space<vmem>>, vector<16xf32>,
      %get3A_266 = arith.index_cast %shift_right_arithmetic3A_258 : i32 to index
      %get3A_267 = arith.index_cast %shift_left3A_262 : i32 to index
      %get3A_268 = tpu.vector_load %arg15[%get3A_266, %get3A_267] {strides = array<i32>} : memref<192x128xf32, #tpu.memory_space<vmem>>, vector<16xf32>,
      %sub3A_269 = arith.subf %get3A_265, %get3A_268 : vector<16xf32>
      %mul3A_270 = arith.mulf %sub3A_269, %sub3A_269 : vector<16xf32>
      %add3A_271 = arith.addf %add3A_254, %mul3A_270 : vector<16xf32>
      %scan3A_272 = arith.constant 5 : i32
      %scan3A_273 = arith.addi %scan3A_189, %scan3A_272 : i32
      %shift_right_arithmetic3A_274 = arith.constant 3 : i32
      %shift_right_arithmetic3A_275 = arith.shrsi %scan3A_273, %shift_right_arithmetic3A_274 : i32
      %and3A_276 = arith.constant 7 : i32
      %and3A_277 = arith.andi %scan3A_273, %and3A_276 : i32
      %shift_left3A_278 = arith.constant 4 : i32
      %shift_left3A_279 = arith.shli %and3A_277, %shift_left3A_278 : i32
      %get3A_280 = arith.index_cast %shift_right_arithmetic3A_275 : i32 to index
      %get3A_281 = arith.index_cast %shift_left3A_279 : i32 to index
      %get3A_282 = tpu.vector_load %arg13[%get3A_280, %get3A_281] {strides = array<i32>} : memref<192x128xf32, #tpu.memory_space<vmem>>, vector<16xf32>,
      %get3A_283 = arith.index_cast %shift_right_arithmetic3A_275 : i32 to index
      %get3A_284 = arith.index_cast %shift_left3A_279 : i32 to index
      %get3A_285 = tpu.vector_load %arg15[%get3A_283, %get3A_284] {strides = array<i32>} : memref<192x128xf32, #tpu.memory_space<vmem>>, vector<16xf32>,
      %sub3A_286 = arith.subf %get3A_282, %get3A_285 : vector<16xf32>
      %mul3A_287 = arith.mulf %sub3A_286, %sub3A_286 : vector<16xf32>
      %add3A_288 = arith.addf %add3A_271, %mul3A_287 : vector<16xf32>
      %scan3A_289 = arith.constant 6 : i32
      %scan3A_290 = arith.addi %scan3A_189, %scan3A_289 : i32
      %shift_right_arithmetic3A_291 = arith.constant 3 : i32
      %shift_right_arithmetic3A_292 = arith.shrsi %scan3A_290, %shift_right_arithmetic3A_291 : i32
      %and3A_293 = arith.constant 7 : i32
      %and3A_294 = arith.andi %scan3A_290, %and3A_293 : i32
      %shift_left3A_295 = arith.constant 4 : i32
      %shift_left3A_296 = arith.shli %and3A_294, %shift_left3A_295 : i32
      %get3A_297 = arith.index_cast %shift_right_arithmetic3A_292 : i32 to index
      %get3A_298 = arith.index_cast %shift_left3A_296 : i32 to index
      %get3A_299 = tpu.vector_load %arg13[%get3A_297, %get3A_298] {strides = array<i32>} : memref<192x128xf32, #tpu.memory_space<vmem>>, vector<16xf32>,
      %get3A_300 = arith.index_cast %shift_right_arithmetic3A_292 : i32 to index
      %get3A_301 = arith.index_cast %shift_left3A_296 : i32 to index
      %get3A_302 = tpu.vector_load %arg15[%get3A_300, %get3A_301] {strides = array<i32>} : memref<192x128xf32, #tpu.memory_space<vmem>>, vector<16xf32>,
      %sub3A_303 = arith.subf %get3A_299, %get3A_302 : vector<16xf32>
      %mul3A_304 = arith.mulf %sub3A_303, %sub3A_303 : vector<16xf32>
      %add3A_305 = arith.addf %add3A_288, %mul3A_304 : vector<16xf32>
      %scan3A_306 = arith.constant 7 : i32
      %scan3A_307 = arith.addi %scan3A_189, %scan3A_306 : i32
      %shift_right_arithmetic3A_308 = arith.constant 3 : i32
      %shift_right_arithmetic3A_309 = arith.shrsi %scan3A_307, %shift_right_arithmetic3A_308 : i32
      %and3A_310 = arith.constant 7 : i32
      %and3A_311 = arith.andi %scan3A_307, %and3A_310 : i32
      %shift_left3A_312 = arith.constant 4 : i32
      %shift_left3A_313 = arith.shli %and3A_311, %shift_left3A_312 : i32
      %get3A_314 = arith.index_cast %shift_right_arithmetic3A_309 : i32 to index
      %get3A_315 = arith.index_cast %shift_left3A_313 : i32 to index
      %get3A_316 = tpu.vector_load %arg13[%get3A_314, %get3A_315] {strides = array<i32>} : memref<192x128xf32, #tpu.memory_space<vmem>>, vector<16xf32>,
      %get3A_317 = arith.index_cast %shift_right_arithmetic3A_309 : i32 to index
      %get3A_318 = arith.index_cast %shift_left3A_313 : i32 to index
      %get3A_319 = tpu.vector_load %arg15[%get3A_317, %get3A_318] {strides = array<i32>} : memref<192x128xf32, #tpu.memory_space<vmem>>, vector<16xf32>,
      %sub3A_320 = arith.subf %get3A_316, %get3A_319 : vector<16xf32>
      %mul3A_321 = arith.mulf %sub3A_320, %sub3A_320 : vector<16xf32>
      %add3A_322 = arith.addf %add3A_305, %mul3A_321 : vector<16xf32>
      scf.yield %add3A_322 : vector<16xf32>
    }
    %scan3A_183 = arith.constant 1536 : i32
    %get3A_184 = arith.constant 0 : index
    %get3A_185 = tpu.vector_load %arg16[%get3A_184] {strides = array<i32>} : memref<16xf32, #tpu.memory_space<vmem>>, vector<16xf32>,
    %add3A_186 = arith.addf %get3A_185, %scan3A_182 : vector<16xf32>
    %swap3A_187 = arith.constant 0 : index
    %swap3A_188 = tpu.vector_load %arg16[%swap3A_187] {strides = array<i32>} : memref<16xf32, #tpu.memory_space<vmem>>, vector<16xf32>,
    tpu.vector_store %arg16[%swap3A_187], %add3A_186 {strides = array<i32>} : memref<16xf32, #tpu.memory_space<vmem>>, vector<16xf32>,
    "tpu.region"() ({
      %run_scoped3A = tpu.sem_alloc : memref<!tpu.dma_semaphore, #tpu.memory_space<semaphore_mem>>
      %dma_start3A_189 = arith.constant 0 : i32
      %dma_start3A_190 = tpu.memref_slice %arg6[%add3A, %dma_start3A_189] : memref<32x16xf32, #tpu.memory_space<hbm>> -> memref<1x16xf32, #tpu.memory_space<hbm>>
      %dma_start3A_191 = tpu.memref_squeeze %dma_start3A_190 : memref<1x16xf32, #tpu.memory_space<hbm>> -> memref<16xf32, #tpu.memory_space<hbm>>
      %dma_start3A_192 = arith.constant 0 : i32
      %dma_start3A_193 = tpu.memref_slice %arg6[%add3A, %dma_start3A_192] : memref<32x16xf32, #tpu.memory_space<hbm>> -> memref<1x16xf32, #tpu.memory_space<hbm>>
      %dma_start3A_194 = tpu.memref_squeeze %dma_start3A_193 : memref<1x16xf32, #tpu.memory_space<hbm>> -> memref<16xf32, #tpu.memory_space<hbm>>
      tpu.enqueue_dma source(%arg16 : memref<16xf32, #tpu.memory_space<vmem>>) target(%dma_start3A_194 : memref<16xf32, #tpu.memory_space<hbm>>) target_semaphore(%run_scoped3A : memref<!tpu.dma_semaphore, #tpu.memory_space<semaphore_mem>>)
      %dma_wait3A_195 = arith.constant 0 : i32
      %dma_wait3A_196 = tpu.memref_slice %arg6[%add3A, %dma_wait3A_195] : memref<32x16xf32, #tpu.memory_space<hbm>> -> memref<1x16xf32, #tpu.memory_space<hbm>>
      %dma_wait3A_197 = tpu.memref_squeeze %dma_wait3A_196 : memref<1x16xf32, #tpu.memory_space<hbm>> -> memref<16xf32, #tpu.memory_space<hbm>>
      %dma_wait3A_198 = arith.constant 0 : i32
      %dma_wait3A_199 = tpu.memref_slice %arg6[%add3A, %dma_wait3A_198] : memref<32x16xf32, #tpu.memory_space<hbm>> -> memref<1x16xf32, #tpu.memory_space<hbm>>
      %dma_wait3A_200 = tpu.memref_squeeze %dma_wait3A_199 : memref<1x16xf32, #tpu.memory_space<hbm>> -> memref<16xf32, #tpu.memory_space<hbm>>
      tpu.wait_dma2 semaphore(%run_scoped3A : memref<!tpu.dma_semaphore, #tpu.memory_space<semaphore_mem>>) src(%arg16 : memref<16xf32, #tpu.memory_space<vmem>>) dst(%dma_wait3A_200 : memref<16xf32, #tpu.memory_space<hbm>>)
      tpu.yield
    }) : () -> ()
    return
  }
}

</mosaic_0001>

<sc_bundles>
// kernel: _sc_loss.3.cloned.1.call-start
scs
__scs_entry_jumppad:
0x0: {  	(pc) =	sbr.rel $0x88, $3  }
0x1: {  	(tag) =	ssettag $0x0;
	lr =	simm.s32 $0x1  }
0x2: {  	[smem:$0x3F9D] =	sst lr;
	_ =	strace $0xD0000000  }
0x3: {  	_ = 	snop  }
0x4: {  	_ = 	snop  }
0x5: {  	_ = 	snop  }
0x6: {  	_ = 	snop  }
0x7: {  	_ = 	snop  }
__scs_overlays_trampoline_lowered:
0x8: {  	[smem:$0x3FAC] =	sst s0  }
0x9: {  	[smem:$0x3FAD] =	sst s1  }
0xa: {  	[smem:$0x3FAE] =	sst s2  }
0xb: {  	[smem:$0x3FAF] =	sst s3  }
0xc: {  	[smem:$0x3FB0] =	sst s4  }
0xd: {  	[smem:$0x3FB1] =	sst s5  }
0xe: {  	[smem:$0x3FB2] =	sst s6  }
0xf: {  	[smem:$0x3FB3] =	sst s7  }
0x10: {  	[smem:$0x3FB4] =	sst s8  }
0x11: {  	[smem:$0x3FB5] =	sst s9;
	s0 =	simm.s32 @!p0 $0x0  }
0x12: {  	s1 =	sld [smem:$0x3F9B];
	s0 =	simm.s32 @p0 $0x1  }
0x13: {  	[smem:$0x3FB6] =	sst s0;
	s0 =	simm.s32 @!p1 $0x0  }
0x14: {  	s2 =	sld [smem:$0x3F9A];
	s0 =	simm.s32 @p1 $0x1  }
0x15: {  	[smem:$0x3FB7] =	sst s0;
	s0 =	simm.s32 @!p2 $0x0  }
0x16: {  	s3 =	sld [smem:$0x3FDB];
	s0 =	simm.s32 @p2 $0x1  }
0x17: {  	s4 =	simm.s32 $0x1BF5;
	[smem:$0x3FB9] =	sst s0  }
0x18: {  	s0 =	sld [smem:$0x3F9C];
	_ =	swait.ge [sflag:s4], $0x0  }
0x19: {  	s7 =	sld [smem:$0x3F9D]  }
0x1a: {  	s8 =	sadd.s32 $0xFFFFE003, lr  }
0x1b: {  	s9 =	sadd.s32 $0xFFFFFEF7, lr;
	s5 =	simm.s32 $0xFFFFFFFF;
	p2 =	slt.u32 s8, $0xFFFFF086  }
0x1c: {  	p1 =	slt.u32 s9, $0xF7A;
	s5 =	simm.s32 @!p2 $0x0  }
0x1d: {  	s5 =	simm.s32 @p1 $0x1;
	p0 =	seq.s32 s7, s2  }
0x1e: {  	s7 =	smul.u32 @!p0 $0xF7A, s2;
	p2 =	seq.s32 @!p0 s5, $0x0  }
0x1f: {  	s9 =	smul.u32 $0xF7A, s1;
	s8 =	simm.s32 @!p0 $0x1BF5;
	p2 =	por !p2, p0  }
0x20: {  	[sflag:s8] =	ssyncset.s32 @!p0 $0xFFFFF086;
	s6 =	sadd.s32 @!p0 s3, s7;
	s7 =	simm.s32 @!p0 $0x108  }
0x21: {  	s3 =	sadd.s32 s3, s9;
	s6 =	sadd.s32 @!p0 $0x88, s6;
	s7 =	simm.s32 @p2 $0x1082  }
0x22: {  	[simem:s7], [sflag:s8] =	dma.local @!p0 [hbm:s6], $0xF7A  }
0x23: {  	s9 =	sor.u32 $0xD0000000, s2;
	s6 =	simm.s32 $0x108;
	_ =	swait.ge @!p0 [sflag:s8], $0x0  }
0x24: {  	s3 =	sadd.s32 $0x88, s3;
	s6 =	simm.s32 @!p1 $0x1082;
	[sflag:s4] =	ssyncset.s32 $0xFFFFF086  }
0x25: {  	[simem:s6], [sflag:s4] =	dma.local [hbm:s3], $0xF7A  }
0x26: {  	[smem:$0x3F9D] =	sst s1;
	(tag) =	ssettag s2;
	_ =	strace s9  }
0x27: {  	s1 =	sld [smem:$0x3FAD]  }
0x28: {  	s2 =	sld [smem:$0x3FAE]  }
0x29: {  	s4 =	sld [smem:$0x3FB0]  }
0x2a: {  	p0 =	seq.s32 s5, $0x0;
	s5 =	sld [smem:$0x3FB1]  }
0x2b: {  	s6 =	sld [smem:$0x3FB2]  }
0x2c: {  	s7 =	sld [smem:$0x3FB3]  }
0x2d: {  	s3 =	simm.s32 $0x108;
	s8 =	sld [smem:$0x3FB4]  }
0x2e: {  	s3 =	simm.s32 @!p0 $0x1082;
	s9 =	sld [smem:$0x3FB5]  }
0x2f: {  	lr =	sadd.s32 s0, s3;
	s0 =	sld [smem:$0x3FAC]  }
0x30: {  	s3 =	sld [smem:$0x3FAF]  }
0x31: {  	[smem:$0x3FB8] =	sst s10  }
0x32: {  	s10 =	sld [smem:$0x3FB6];
	_ =	sdelay $0x3  }
0x33: {  	p0 =	seq.s32 s10, $0x1;
	s10 =	sld [smem:$0x3FB8];
	_ =	sdelay $0x3  }
0x34: {  	[smem:$0x3FB8] =	sst s10  }
0x35: {  	s10 =	sld [smem:$0x3FB7];
	_ =	sdelay $0x3  }
0x36: {  	p1 =	seq.s32 s10, $0x1;
	s10 =	sld [smem:$0x3FB8];
	_ =	sdelay $0x3  }
0x37: {  	[smem:$0x3FB8] =	sst s10  }
0x38: {  	s10 =	sld [smem:$0x3FB9]  }
0x39: {  	_ = 	snop;
	(pc) =	sbr.ind lr, $3  }
0x3a: {  	_ = 	snop  }
0x3b: {  	_ = 	snop  }
0x3c: {  	p2 =	seq.s32 s10, $0x1;
	s10 =	sld [smem:$0x3FB8]  }
0x3d: {  	_ =	shalt  }
0x3e: {  	_ =	shalt  }
0x3f: {  	_ =	shalt  }
0x40: {  	_ =	shalt  }
0x41: {  	_ =	shalt  }
0x42: {  	_ =	shalt  }
0x43: {  	_ =	shalt  }
0x44: {  	_ =	shalt  }
0x45: {  	_ =	shalt  }
0x46: {  	_ =	shalt  }
0x47: {  	_ =	shalt  }
0x48: {  	_ =	shalt  }
0x49: {  	_ =	shalt  }
0x4a: {  	_ =	shalt  }
0x4b: {  	_ =	shalt  }
0x4c: {  	_ =	shalt  }
0x4d: {  	_ =	shalt  }
0x4e: {  	_ =	shalt  }
0x4f: {  	_ =	shalt  }
0x50: {  	_ =	shalt  }
0x51: {  	_ =	shalt  }
0x52: {  	_ =	shalt  }
0x53: {  	_ =	shalt  }
0x54: {  	_ =	shalt  }
0x55: {  	_ =	shalt  }
0x56: {  	_ =	shalt  }
0x57: {  	_ =	shalt  }
0x58: {  	_ =	shalt  }
0x59: {  	_ =	shalt  }
0x5a: {  	_ =	shalt  }
0x5b: {  	_ =	shalt  }
0x5c: {  	_ =	shalt  }
0x5d: {  	_ =	shalt  }
0x5e: {  	_ =	shalt  }
0x5f: {  	_ =	shalt  }
0x60: {  	_ =	shalt  }
0x61: {  	_ =	shalt  }
0x62: {  	_ =	shalt  }
0x63: {  	_ =	shalt  }
0x64: {  	_ =	shalt  }
0x65: {  	_ =	shalt  }
0x66: {  	_ =	shalt  }
0x67: {  	_ =	shalt  }
0x68: {  	_ =	shalt  }
0x69: {  	_ =	shalt  }
0x6a: {  	_ =	shalt  }
0x6b: {  	_ =	shalt  }
0x6c: {  	_ =	shalt  }
0x6d: {  	_ =	shalt  }
0x6e: {  	_ =	shalt  }
0x6f: {  	_ =	shalt  }
0x70: {  	_ =	shalt  }
0x71: {  	_ =	shalt  }
0x72: {  	_ =	shalt  }
0x73: {  	_ =	shalt  }
0x74: {  	_ =	shalt  }
0x75: {  	_ =	shalt  }
0x76: {  	_ =	shalt  }
0x77: {  	_ =	shalt  }
0x78: {  	_ =	shalt  }
0x79: {  	_ =	shalt  }
0x7a: {  	_ =	shalt  }
0x7b: {  	_ =	shalt  }
0x7c: {  	_ =	shalt  }
0x7d: {  	_ =	shalt  }
0x7e: {  	_ =	shalt  }
0x7f: {  	_ =	shalt  }
0x80: {  	_ =	shalt  }
0x81: {  	_ =	shalt  }
0x82: {  	_ =	shalt  }
0x83: {  	_ =	shalt  }
0x84: {  	_ =	shalt  }
0x85: {  	_ =	shalt  }
0x86: {  	_ =	shalt  }
0x87: {  	_ =	shalt  }
.Lfunc_end0:
.L_simem_size_0:
called_computation_lowered:
.L_overlay_start_0:
0x88: {  	s2 =	sld [smem:$0x3FD9]  }
0x89: {  	s3 =	sld [smem:$0x3FFE];
	_ =	sdelay $0x1  }
0x8a: {  	s1 =	srdreg.scid  }
0x8b: {  	s0 =	sand.u32 $0x1, s1  }
0x8c: {  	s17 =	sshll.u32 s0, $0xA;
	s2 =	sadd.s32 s3, s2  }
0x8d: {  	s2 =	sadd.s32 s2, s17  }
0x8e: {  	[smem:$0x3FC4] =	sst s2  }
0x8f: {  	_ = 	snop  }
0x90: {  	s2 =	sld [smem:$0x3FC9]  }
0x91: {  	s18 =	sld [smem:$0x3FC8]  }
0x92: {  	s4 =	sld [smem:$0x3FC7]  }
0x93: {  	s5 =	sld [smem:$0x3FC6];
	(tm) =	ssettm $0x1  }
0x94: {  	s6 =	sld [smem:$0x3FFB];
	_ =	sdelay $0x3  }
0x95: {  	_ =	strace s6  }
0x96: {  	s6 =	sld [smem:$0x3FFC];
	_ =	sdelay $0x3  }
0x97: {  	_ =	strace s6  }
0x98: {  	s6 =	sld [smem:$0x3FFD];
	_ =	sdelay $0x3  }
0x99: {  	_ =	strace s6  }
0x9a: {  	_ =	strace $0x8FFFFFFF  }
0x9b: {  	s19 =	sld [smem:$0x3FDB];
	_ =	sdelay $0x1  }
0x9c: {  	s7 =	simm.s32 $_scs_section_size  }
0x9d: {  	s8 =	simm.s32 $_size__tile_overlayer_lowered;
	s9 =	simm.s32 $_tile_overlayer_lowered  }
0x9e: {  	s22 =	simm.s32 $0x1BFF;
	s21 =	sshll.u32 s9, $0x1;
	s6 =	sadd.s32 s7, s19  }
0x9f: {  	s10 =	simm.s32 $0x0;
	s20 =	sshll.u32 s8, $0x1;
	s8 =	sadd.s32 s21, s6  }
0xa0: {  	[timem:s10], [sflag:s22] =	dma.local [hbm:s8], s20  }
0xa1: {  	_ =	swait.ge [sflag:s22], s20  }
0xa2: {  	s7 =	ssub.s32 $0x0, s20;
	[sflag:s22] =	ssyncset.done $0x0  }
0xa3: {  	[sflag:s22] =	ssyncadd.s32 s7;
	_ =	sdelay $0x1  }
0xa4: {  	s23 =	simm.s32 $0x1B8B  }
0xa5: {  	_ =	swait.ge [sflag:s23], $0x1  }
0xa6: {  	[sflag:s23] =	ssyncset.done $0x0  }
0xa7: {  	s25 =	simm.s32 $0x1B8E;
	s24 =	sld [smem:$0x3FFE];
	[sflag:s23] =	ssyncadd.s32 $0xFFFFFFFF  }
0xa8: {  	s26 =	simm.s32 $execute0_lowered;
	[smem:$0x3FD2] =	sst s25  }
0xa9: {  	s8 =	sshll.u32 s26, $0x1;
	_ =	strace $0x80000046;
	[dreg:$0x1] =	wrdreg $0xFFFFFFFF  }
0xaa: {  	s28 =	simm.s32 $_size_execute0_lowered;
	s6 =	sadd.s32 s6, s8;
	[dreg:$0x0] =	wrdreg $0x0  }
0xab: {  	s8 =	sshll.u32 s28, $0x1;
	[dreg:$0x2] =	wrdreg s6  }
0xac: {  	[dreg:$0x3] =	wrdreg s8  }
0xad: {  	[dreg:$0x4] =	wrdreg $0xC0  }
0xae: {  	_ =	task [dreg:s10], $0x5FFFF  }
0xaf: {  	[dreg:$0x1] =	wrdreg $0xFFFFFFFF  }
0xb0: {  	[dreg:$0x0] =	wrdreg $0x60  }
0xb1: {  	[dreg:$0x2] =	wrdreg s2  }
0xb2: {  	[dreg:$0x3] =	wrdreg s18  }
0xb3: {  	[dreg:$0x4] =	wrdreg s4  }
0xb4: {  	[dreg:$0x5] =	wrdreg s5  }
0xb5: {  	[dreg:$0x6] =	wrdreg s24  }
0xb6: {  	[dreg:$0x7] =	wrdreg $0x9  }
0xb7: {  	_ =	task.clear_ibuf [dreg:s10], $0x8FFFF;
	_ =	strace $0x90000046  }
0xb8: {  	s29 =	simm.s32 $0x9;
	_ =	strace $0x80000048  }
0xb9: {  	_ =	swait.ge [sflag:s29], $0x1  }
0xba: {  	[sflag:s29] =	ssyncadd.s32 $0xFFFFFFFF  }
0xbb: {  	_ =	strace $0x90000048  }
0xbc: {  	_ =	sfence  }
0xbd: {  	s30 =	sld [smem:$0x0];
	_ =	sdelay $0x2  }
0xbe: {  	s31 =	sshll.u32 s1, $0xD;
	s1 =	sshrl.u32 s1, $0x2  }
0xbf: {  	s3 =	sand.u32 $0x4000, s31;
	s1 =	sadd.s32 s1, s30  }
0xc0: {  	s0 =	sor.u32 s3, s0;
	s1 =	sshll.u32 s1, $0x11  }
0xc1: {  	s0 =	sor.u32 s1, s0  }
0xc2: {  	s0 =	sadd.s32 $0x8F2B, s0  }
0xc3: {  	[sflag:s0] =	ssyncadd.remote.s32 $0x1  }
0xc4: {  	_ =	sfence.sel $0xFFFF  }
0xc5: {  	[dreg:$0x0] =	wrdreg $0xFFFFFFFF;
	(pc) =	sbr.abs _section_cstart, $3  }
0xc6: {  	[dreg:$0x1] =	wrdreg $0xFFFFFFFF  }
0xc7: {  	_ =	task.clear_ibuf [dreg:s10], $0x2FFFF;
	_ =	strace $0x9FFFFFFF  }
0xc8: {  	(tm) =	ssettm $0x7FFFFFFF  }
0xc9: {  	_ =	shalt  }
tec
execute0_lowered:
.L_overlay_start_1:
0x0: {  	(tag) =	ssettag $0x1  }
0x1: {  	s0 =	rddreg [dreg:$0x0]  }
0x2: {  	s2 =	rddreg [dreg:$0x1]  }
0x3: {  	s5 =	rddreg [dreg:$0x2]  }
0x4: {  	s6 =	rddreg [dreg:$0x3];
	s3 =	srdreg.scid  }
0x5: {  	s1 =	stileid.u32;
	s7 =	rddreg [dreg:$0x4];
	s14 =	simm.s32 $0x1E00  }
0x6: {  	s15 =	simm.s32 $0x1200;
	s16 =	simm.s32 $0xDE00;
	s17 =	simm.s32 $0x7E00  }
0x7: {  	s18 =	simm.s32 $0x13E00;
	s19 =	simm.s32 $0x1;
	s20 =	simm.s32 $0x2  }
0x8: {  	s21 =	simm.s32 $0x1140;
	s23 =	simm.s32 $0x19E00;
	s24 =	simm.s32 $0x0  }
0x9: {  	s8 =	sand.u32 $0x1, s3;
	s4 =	sshll.u32 s1, $0x1;
	s3 =	rddreg [dreg:$0x5]  }
0xa: {  	s10 =	sshrl.u32 s1, $0x2;
	s9 =	sor.u32 s8, s4;
	s4 =	simm.s32 $0x0  }
0xb: {  	s8 =	ssub.s32 $0x2, s8;
	s12 =	sshll.u32 s10, $0x4;
	s22 =	smul.u32 $0xE0, s10  }
0xc: {  	s10 =	simm.s32 $0x200;
	s11 =	sshll.u32 s9, $0x8;
	[smem:$0x7FF] =	sst s4  }
0xd: {  	s13 =	sshrl.u32 s8, $0x1;
	s9 =	sshll.u32 s9, $0x4;
	s11 =	sand.u32 $0x700, s11  }
0xe: {  	_ =	strace $0x80000047;
	s8 =	ssub.s32 s8, s13;
	s7 =	sadd.s32 s7, s9  }
0xf: {  	s9 =	simm.s32 $0x80;
	s13 =	simm.s32 $0x600;
	v0 =	vmov s22;
	s22 =	simm.s32 $0x1D40  }
0x10: {  	s11 =	sor.u32 s12, s11;
	s8 =	smax.u32 s8, $0x1;
	s12 =	simm.s32 $0xC0  }
0x11: {  	v1 =	vimm.f32 $0.0e+00;
	s5 =	sadd.s32 s5, s11;
	s6 =	sadd.s32 s6, s11;
	s11 =	simm.s32 $0x3  }
.LBB2_1:
0x12: {  	[tilespmem:s4], [sflag:$0x3] =	stream.strided.gather [hbm4b:s5+s9], $0x200, s10, s9, $0x38;
	[tilespmem:$0x19E80] =	vst v63  }
0x13: {  	_ =	swait.ge [sflag:s11], $0x200  }
0x14: {  	[sflag:s11] =	ssyncset.done $0x0  }
0x15: {  	[sflag:s11] =	ssyncadd.s32 $0xFFFFFE00  }
0x16: {  	[tilespmem:s10], [sflag:$0x3] =	stream.strided.gather [hbm4b:s6+s9], $0x200, s10, s9, $0x38;
	[tilespmem:$0x19E80] =	vst v63  }
0x17: {  	_ =	swait.ge [sflag:s11], $0x200  }
0x18: {  	[sflag:s11] =	ssyncset.done $0x0  }
0x19: {  	s26 =	simm.s32 $0x20;
	[sflag:s11] =	ssyncadd.s32 $0xFFFFFE00  }
0x1a: {  	v2 =	vld [tilespmem:s26+$0xFFFFFFE0];
	_ =	sdelay $0x4  }
0x1b: {  	v3 =	vshra.s32 v2, $0x10  }
0x1c: {  	v3 =	vadd.s32 v0, v3  }
0x1d: {  	v4 =	vshrl.u32 v2, $0x3;
	v3 =	vmul.u32 $0x1C, v3  }
0x1e: {  	v4 =	vand.u32 $0x1FFF, v4  }
0x1f: {  	v3 =	vadd.s32 v4, v3  }
0x20: {  	v3 =	vmul.u32 $0x30, v3  }
0x21: {  	v2 =	vand.u32 $0x7, v2  }
0x22: {  	s25 =	simm.s32 $0x420;
	v2 =	vor.u32 v2, v3  }
0x23: {  	[tilespmem:s25+$0xFFFFFFE0] =	vst v2  }
0x24: {  	v2 =	vld [tilespmem:s26+$0xFFFFFFF0];
	_ =	sdelay $0x4  }
0x25: {  	v3 =	vshra.s32 v2, $0x10  }
0x26: {  	v3 =	vadd.s32 v0, v3  }
0x27: {  	v61 =	vshrl.u32 v2, $0x3;
	v3 =	vmul.u32 $0x1C, v3  }
0x28: {  	v4 =	vand.u32 $0x1FFF, v61  }
0x29: {  	v3 =	vadd.s32 v4, v3  }
0x2a: {  	v3 =	vmul.u32 $0x30, v3  }
0x2b: {  	v2 =	vand.u32 $0x7, v2  }
0x2c: {  	v2 =	vor.u32 v2, v3  }
0x2d: {  	[tilespmem:s25+$0xFFFFFFF0] =	vst v2  }
0x2e: {  	v2 =	vld [tilespmem:s26+$0x0];
	_ =	sdelay $0x4  }
0x2f: {  	v3 =	vshra.s32 v2, $0x10  }
0x30: {  	v3 =	vadd.s32 v0, v3  }
0x31: {  	v62 =	vshrl.u32 v2, $0x3;
	v3 =	vmul.u32 $0x1C, v3  }
0x32: {  	v4 =	vand.u32 $0x1FFF, v62  }
0x33: {  	v3 =	vadd.s32 v4, v3  }
0x34: {  	v3 =	vmul.u32 $0x30, v3  }
0x35: {  	v2 =	vand.u32 $0x7, v2  }
0x36: {  	v2 =	vor.u32 v2, v3  }
0x37: {  	[tilespmem:s25+$0x0] =	vst v2  }
0x38: {  	v2 =	vld [tilespmem:s26+$0x10];
	_ =	sdelay $0x4  }
0x39: {  	v3 =	vshra.s32 v2, $0x10  }
0x3a: {  	v3 =	vadd.s32 v0, v3  }
0x3b: {  	v63 =	vshrl.u32 v2, $0x3;
	v3 =	vmul.u32 $0x1C, v3  }
0x3c: {  	v4 =	vand.u32 $0x1FFF, v63  }
0x3d: {  	v3 =	vadd.s32 v4, v3  }
0x3e: {  	v3 =	vmul.u32 $0x30, v3  }
0x3f: {  	v2 =	vand.u32 $0x7, v2  }
0x40: {  	v2 =	vor.u32 v2, v3  }
0x41: {  	s28 =	simm.s32 $0x60;
	s26 =	simm.s32 $0x0;
	[tilespmem:s25+$0x10] =	vst v2  }
.LBB2_2:
0x42: {  	v2 =	vld [tilespmem:s28+$0xFFFFFFE0];
	s26 =	sadd.s32 $0x4, s26  }
0x43: {  	p0 =	slt.u32 s26, $0x1C;
	_ =	sdelay $0x3  }
0x44: {  	v3 =	vshra.s32 v2, $0x10  }
0x45: {  	v3 =	vadd.s32 v0, v3  }
0x46: {  	v4 =	vshrl.u32 v2, $0x3;
	v3 =	vmul.u32 $0x1C, v3  }
0x47: {  	v4 =	vand.u32 $0x1FFF, v4  }
0x48: {  	v3 =	vadd.s32 v4, v3  }
0x49: {  	v3 =	vmul.u32 $0x30, v3  }
0x4a: {  	v2 =	vand.u32 $0x7, v2  }
0x4b: {  	s25 =	sadd.s32 $0x40, s25;
	v2 =	vor.u32 v2, v3  }
0x4c: {  	[tilespmem:s25+$0xFFFFFFE0] =	vst v2  }
0x4d: {  	v2 =	vld [tilespmem:s28+$0xFFFFFFF0];
	_ =	sdelay $0x4  }
0x4e: {  	v3 =	vshra.s32 v2, $0x10  }
0x4f: {  	v3 =	vadd.s32 v0, v3  }
0x50: {  	v4 =	vshrl.u32 v2, $0x3;
	v3 =	vmul.u32 $0x1C, v3  }
0x51: {  	v4 =	vand.u32 $0x1FFF, v4  }
0x52: {  	v3 =	vadd.s32 v4, v3  }
0x53: {  	v3 =	vmul.u32 $0x30, v3  }
0x54: {  	v2 =	vand.u32 $0x7, v2  }
0x55: {  	v2 =	vor.u32 v2, v3  }
0x56: {  	[tilespmem:s25+$0xFFFFFFF0] =	vst v2  }
0x57: {  	v2 =	vld [tilespmem:s28+$0x0];
	_ =	sdelay $0x4  }
0x58: {  	v3 =	vshra.s32 v2, $0x10  }
0x59: {  	v3 =	vadd.s32 v0, v3  }
0x5a: {  	v4 =	vshrl.u32 v2, $0x3;
	v3 =	vmul.u32 $0x1C, v3  }
0x5b: {  	v4 =	vand.u32 $0x1FFF, v4  }
0x5c: {  	v3 =	vadd.s32 v4, v3  }
0x5d: {  	v3 =	vmul.u32 $0x30, v3  }
0x5e: {  	v2 =	vand.u32 $0x7, v2  }
0x5f: {  	v2 =	vor.u32 v2, v3  }
0x60: {  	[tilespmem:s25+$0x0] =	vst v2  }
0x61: {  	v2 =	vld [tilespmem:s28+$0x10];
	_ =	sdelay $0x4  }
0x62: {  	v3 =	vshra.s32 v2, $0x10  }
0x63: {  	v3 =	vadd.s32 v0, v3  }
0x64: {  	v4 =	vshrl.u32 v2, $0x3;
	v3 =	vmul.u32 $0x1C, v3  }
0x65: {  	v4 =	vand.u32 $0x1FFF, v4  }
.Ltmp0:
0x66: {  	v3 =	vadd.s32 v4, v3;
	(pc) =	sbr.rel @p0 .LBB2_2-.Ltmp0, $4  }
0x67: {  	v3 =	vmul.u32 $0x30, v3  }
0x68: {  	v2 =	vand.u32 $0x7, v2  }
0x69: {  	v2 =	vor.u32 v2, v3  }
0x6a: {  	s28 =	sadd.s32 $0x40, s28;
	[tilespmem:s25+$0x10] =	vst v2  }
0x6b: {  	v2 =	vld [tilespmem:$0x400]  }
0x6c: {  	v3 =	vld [tilespmem:$0x410]  }
0x6d: {  	v4 =	vld [tilespmem:$0x420]  }
0x6e: {  	v5 =	vld [tilespmem:$0x430]  }
0x6f: {  	v6 =	vld [tilespmem:$0x440]  }
0x70: {  	v7 =	vld [tilespmem:$0x450]  }
0x71: {  	v26 =	vld [tilespmem:$0x480];
	[tilespmem:$0x600] =	vst v2  }
0x72: {  	v27 =	vld [tilespmem:$0x490];
	[tilespmem:$0x610] =	vst v3  }
0x73: {  	v28 =	vld [tilespmem:$0x4A0];
	[tilespmem:$0x6C0] =	vst v4  }
0x74: {  	v29 =	vld [tilespmem:$0x4B0];
	[tilespmem:$0x6D0] =	vst v5  }
0x75: {  	v30 =	vld [tilespmem:$0x4E0];
	[tilespmem:$0x780] =	vst v6  }
0x76: {  	v2 =	vld [tilespmem:$0x460];
	[tilespmem:$0x790] =	vst v7  }
0x77: {  	v3 =	vld [tilespmem:$0x470];
	[tilespmem:$0x900] =	vst v26  }
0x78: {  	v31 =	vld [tilespmem:$0x4F0];
	[tilespmem:$0x910] =	vst v27  }
0x79: {  	v32 =	vld [tilespmem:$0x500];
	[tilespmem:$0x9C0] =	vst v28  }
0x7a: {  	v33 =	vld [tilespmem:$0x510];
	[tilespmem:$0x9D0] =	vst v29  }
0x7b: {  	[tilespmem:$0x840] =	vst v2;
	v2 =	vld [tilespmem:$0x4C0]  }
0x7c: {  	[tilespmem:$0x850] =	vst v3;
	v3 =	vld [tilespmem:$0x4D0]  }
0x7d: {  	v34 =	vld [tilespmem:$0x540];
	[tilespmem:$0xB40] =	vst v30  }
0x7e: {  	v35 =	vld [tilespmem:$0x550];
	[tilespmem:$0xB50] =	vst v31  }
0x7f: {  	v36 =	vld [tilespmem:$0x560];
	[tilespmem:$0xC00] =	vst v32  }
0x80: {  	[tilespmem:$0xA80] =	vst v2;
	v2 =	vld [tilespmem:$0x520]  }
0x81: {  	[tilespmem:$0xA90] =	vst v3;
	v3 =	vld [tilespmem:$0x530]  }
0x82: {  	v37 =	vld [tilespmem:$0x570];
	[tilespmem:$0xC10] =	vst v33  }
0x83: {  	v38 =	vld [tilespmem:$0x5A0];
	[tilespmem:$0xD80] =	vst v34  }
0x84: {  	v39 =	vld [tilespmem:$0x5B0];
	[tilespmem:$0xD90] =	vst v35  }
0x85: {  	[tilespmem:$0xCC0] =	vst v2;
	v2 =	vld [tilespmem:$0x580]  }
0x86: {  	[tilespmem:$0xCD0] =	vst v3;
	v3 =	vld [tilespmem:$0x590]  }
0x87: {  	v40 =	vld [tilespmem:$0x5C0];
	[tilespmem:$0xE40] =	vst v36  }
0x88: {  	v41 =	vld [tilespmem:$0x5D0];
	[tilespmem:$0xE50] =	vst v37  }
0x89: {  	v42 =	vld [tilespmem:$0x400];
	[tilespmem:$0xFC0] =	vst v38  }
0x8a: {  	[tilespmem:$0xF00] =	vst v2;
	v2 =	vld [tilespmem:$0x5E0]  }
0x8b: {  	[tilespmem:$0xF10] =	vst v3;
	v3 =	vld [tilespmem:$0x5F0]  }
0x8c: {  	v43 =	vld [tilespmem:$0x410];
	[tilespmem:$0xFD0] =	vst v39  }
0x8d: {  	v44 =	vld [tilespmem:$0x420];
	[tilespmem:$0x1080] =	vst v40  }
0x8e: {  	v45 =	vld [tilespmem:$0x430];
	[tilespmem:$0x1090] =	vst v41  }
0x8f: {  	[tilespmem:$0x1140] =	vst v2;
	v2 =	vld [tilespmem:$0x440]  }
0x90: {  	v46 =	vld [tilespmem:$0x450];
	[tilespmem:$0x1150] =	vst v3;
	v3 =	vadd.s32 $0x8, v42  }
0x91: {  	v47 =	vld [tilespmem:$0x460];
	[tilespmem:$0x620] =	vst v3;
	v3 =	vadd.s32 $0x8, v43  }
0x92: {  	v48 =	vld [tilespmem:$0x470];
	[tilespmem:$0x630] =	vst v3;
	v3 =	vadd.s32 $0x8, v44  }
0x93: {  	v49 =	vld [tilespmem:$0x480];
	[tilespmem:$0x6E0] =	vst v3;
	v3 =	vadd.s32 $0x8, v45  }
0x94: {  	[tilespmem:$0x6F0] =	vst v3;
	v3 =	vld [tilespmem:$0x490];
	v2 =	vadd.s32 $0x8, v2  }
0x95: {  	v50 =	vld [tilespmem:$0x4A0];
	[tilespmem:$0x7A0] =	vst v2;
	v2 =	vadd.s32 $0x8, v46  }
0x96: {  	v51 =	vld [tilespmem:$0x4B0];
	[tilespmem:$0x7B0] =	vst v2;
	v2 =	vadd.s32 $0x8, v47  }
0x97: {  	v52 =	vld [tilespmem:$0x4C0];
	[tilespmem:$0x860] =	vst v2;
	v2 =	vadd.s32 $0x8, v48  }
0x98: {  	v53 =	vld [tilespmem:$0x4D0];
	[tilespmem:$0x870] =	vst v2;
	v2 =	vadd.s32 $0x8, v49  }
0x99: {  	[tilespmem:$0x920] =	vst v2;
	v2 =	vadd.s32 $0x8, v3;
	v3 =	vld [tilespmem:$0x4E0]  }
0x9a: {  	v54 =	vld [tilespmem:$0x4F0];
	[tilespmem:$0x930] =	vst v2;
	v2 =	vadd.s32 $0x8, v50  }
0x9b: {  	v55 =	vld [tilespmem:$0x500];
	[tilespmem:$0x9E0] =	vst v2;
	v2 =	vadd.s32 $0x8, v51  }
0x9c: {  	v56 =	vld [tilespmem:$0x510];
	[tilespmem:$0x9F0] =	vst v2;
	v2 =	vadd.s32 $0x8, v52  }
0x9d: {  	v57 =	vld [tilespmem:$0x520];
	[tilespmem:$0xAA0] =	vst v2;
	v2 =	vadd.s32 $0x8, v53  }
0x9e: {  	[tilespmem:$0xAB0] =	vst v2;
	v2 =	vadd.s32 $0x8, v3;
	v3 =	vld [tilespmem:$0x530]  }
0x9f: {  	v58 =	vld [tilespmem:$0x540];
	[tilespmem:$0xB60] =	vst v2;
	v2 =	vadd.s32 $0x8, v54  }
0xa0: {  	v59 =	vld [tilespmem:$0x550];
	[tilespmem:$0xB70] =	vst v2;
	v2 =	vadd.s32 $0x8, v55  }
0xa1: {  	v60 =	vld [tilespmem:$0x560];
	[tilespmem:$0xC20] =	vst v2;
	v2 =	vadd.s32 $0x8, v56  }
0xa2: {  	v61 =	vld [tilespmem:$0x570];
	[tilespmem:$0xC30] =	vst v2;
	v2 =	vadd.s32 $0x8, v57  }
0xa3: {  	[tilespmem:$0xCE0] =	vst v2;
	v2 =	vadd.s32 $0x8, v3;
	v3 =	vld [tilespmem:$0x580]  }
0xa4: {  	v62 =	vld [tilespmem:$0x590];
	[tilespmem:$0xCF0] =	vst v2;
	v2 =	vadd.s32 $0x8, v58  }
0xa5: {  	v63 =	vld [tilespmem:$0x5A0];
	[tilespmem:$0xDA0] =	vst v2;
	v2 =	vadd.s32 $0x8, v59  }
0xa6: {  	v9 =	vld [tilespmem:$0x5B0];
	[tilespmem:$0xDB0] =	vst v2;
	v2 =	vadd.s32 $0x8, v60  }
0xa7: {  	v10 =	vld [tilespmem:$0x5C0];
	[tilespmem:$0xE60] =	vst v2;
	v2 =	vadd.s32 $0x8, v61  }
0xa8: {  	[tilespmem:$0xE70] =	vst v2;
	v2 =	vadd.s32 $0x8, v3;
	v3 =	vld [tilespmem:$0x5D0]  }
0xa9: {  	v11 =	vld [tilespmem:$0x5E0];
	[tilespmem:$0xF20] =	vst v2;
	v2 =	vadd.s32 $0x8, v62  }
0xaa: {  	v12 =	vld [tilespmem:$0x5F0];
	[tilespmem:$0xF30] =	vst v2;
	v2 =	vadd.s32 $0x8, v63  }
0xab: {  	v13 =	vld [tilespmem:$0x400];
	[tilespmem:$0xFE0] =	vst v2;
	v2 =	vadd.s32 $0x8, v9  }
0xac: {  	v14 =	vld [tilespmem:$0x410];
	[tilespmem:$0xFF0] =	vst v2;
	v2 =	vadd.s32 $0x8, v10  }
0xad: {  	[tilespmem:$0x10A0] =	vst v2;
	v2 =	vadd.s32 $0x8, v3;
	v3 =	vld [tilespmem:$0x420]  }
0xae: {  	v15 =	vld [tilespmem:$0x430];
	[tilespmem:$0x10B0] =	vst v2;
	v2 =	vadd.s32 $0x8, v11  }
0xaf: {  	v16 =	vld [tilespmem:$0x440];
	[tilespmem:$0x1160] =	vst v2;
	v2 =	vadd.s32 $0x8, v12  }
0xb0: {  	v17 =	vld [tilespmem:$0x450];
	[tilespmem:$0x1170] =	vst v2;
	v2 =	vadd.s32 $0x10, v13  }
0xb1: {  	v18 =	vld [tilespmem:$0x460];
	[tilespmem:$0x640] =	vst v2;
	v2 =	vadd.s32 $0x10, v14  }
0xb2: {  	[tilespmem:$0x650] =	vst v2;
	v2 =	vadd.s32 $0x10, v3;
	v3 =	vld [tilespmem:$0x470]  }
0xb3: {  	v19 =	vld [tilespmem:$0x480];
	[tilespmem:$0x700] =	vst v2;
	v2 =	vadd.s32 $0x10, v15  }
0xb4: {  	v20 =	vld [tilespmem:$0x490];
	[tilespmem:$0x710] =	vst v2;
	v2 =	vadd.s32 $0x10, v16  }
0xb5: {  	v21 =	vld [tilespmem:$0x4A0];
	[tilespmem:$0x7C0] =	vst v2;
	v2 =	vadd.s32 $0x10, v17  }
0xb6: {  	v22 =	vld [tilespmem:$0x4B0];
	[tilespmem:$0x7D0] =	vst v2;
	v2 =	vadd.s32 $0x10, v18  }
0xb7: {  	[tilespmem:$0x880] =	vst v2;
	v2 =	vadd.s32 $0x10, v3;
	v3 =	vld [tilespmem:$0x4C0]  }
0xb8: {  	v23 =	vld [tilespmem:$0x4D0];
	[tilespmem:$0x890] =	vst v2;
	v2 =	vadd.s32 $0x10, v19  }
0xb9: {  	v24 =	vld [tilespmem:$0x4E0];
	[tilespmem:$0x940] =	vst v2;
	v2 =	vadd.s32 $0x10, v20  }
0xba: {  	v25 =	vld [tilespmem:$0x4F0];
	[tilespmem:$0x950] =	vst v2;
	v2 =	vadd.s32 $0x10, v21  }
0xbb: {  	v26 =	vld [tilespmem:$0x500];
	[tilespmem:$0xA00] =	vst v2;
	v2 =	vadd.s32 $0x10, v22  }
0xbc: {  	[tilespmem:$0xA10] =	vst v2;
	v2 =	vadd.s32 $0x10, v3;
	v3 =	vld [tilespmem:$0x510]  }
0xbd: {  	v27 =	vld [tilespmem:$0x520];
	[tilespmem:$0xAC0] =	vst v2;
	v2 =	vadd.s32 $0x10, v23  }
0xbe: {  	v28 =	vld [tilespmem:$0x530];
	[tilespmem:$0xAD0] =	vst v2;
	v2 =	vadd.s32 $0x10, v24  }
0xbf: {  	v29 =	vld [tilespmem:$0x540];
	[tilespmem:$0xB80] =	vst v2;
	v2 =	vadd.s32 $0x10, v25  }
0xc0: {  	v30 =	vld [tilespmem:$0x550];
	[tilespmem:$0xB90] =	vst v2;
	v2 =	vadd.s32 $0x10, v26  }
0xc1: {  	[tilespmem:$0xC40] =	vst v2;
	v2 =	vadd.s32 $0x10, v3;
	v3 =	vld [tilespmem:$0x560]  }
0xc2: {  	v31 =	vld [tilespmem:$0x570];
	[tilespmem:$0xC50] =	vst v2;
	v2 =	vadd.s32 $0x10, v27  }
0xc3: {  	v32 =	vld [tilespmem:$0x580];
	[tilespmem:$0xD00] =	vst v2;
	v2 =	vadd.s32 $0x10, v28  }
0xc4: {  	v33 =	vld [tilespmem:$0x590];
	[tilespmem:$0xD10] =	vst v2;
	v2 =	vadd.s32 $0x10, v29  }
0xc5: {  	v34 =	vld [tilespmem:$0x5A0];
	[tilespmem:$0xDC0] =	vst v2;
	v2 =	vadd.s32 $0x10, v30  }
0xc6: {  	[tilespmem:$0xDD0] =	vst v2;
	v2 =	vadd.s32 $0x10, v3;
	v3 =	vld [tilespmem:$0x5B0]  }
0xc7: {  	v35 =	vld [tilespmem:$0x5C0];
	[tilespmem:$0xE80] =	vst v2;
	v2 =	vadd.s32 $0x10, v31  }
0xc8: {  	v36 =	vld [tilespmem:$0x5D0];
	[tilespmem:$0xE90] =	vst v2;
	v2 =	vadd.s32 $0x10, v32  }
0xc9: {  	v37 =	vld [tilespmem:$0x5E0];
	[tilespmem:$0xF40] =	vst v2;
	v2 =	vadd.s32 $0x10, v33  }
0xca: {  	v38 =	vld [tilespmem:$0x5F0];
	[tilespmem:$0xF50] =	vst v2;
	v2 =	vadd.s32 $0x10, v34  }
0xcb: {  	[tilespmem:$0x1000] =	vst v2;
	v2 =	vadd.s32 $0x10, v3;
	v3 =	vld [tilespmem:$0x400]  }
0xcc: {  	v39 =	vld [tilespmem:$0x410];
	[tilespmem:$0x1010] =	vst v2;
	v2 =	vadd.s32 $0x10, v35  }
0xcd: {  	v40 =	vld [tilespmem:$0x420];
	[tilespmem:$0x10C0] =	vst v2;
	v2 =	vadd.s32 $0x10, v36  }
0xce: {  	v41 =	vld [tilespmem:$0x430];
	[tilespmem:$0x10D0] =	vst v2;
	v2 =	vadd.s32 $0x10, v37  }
0xcf: {  	v42 =	vld [tilespmem:$0x440];
	[tilespmem:$0x1180] =	vst v2;
	v2 =	vadd.s32 $0x10, v38  }
0xd0: {  	[tilespmem:$0x1190] =	vst v2;
	v2 =	vadd.s32 $0x18, v3;
	v3 =	vld [tilespmem:$0x450]  }
0xd1: {  	v43 =	vld [tilespmem:$0x460];
	[tilespmem:$0x660] =	vst v2;
	v2 =	vadd.s32 $0x18, v39  }
0xd2: {  	v44 =	vld [tilespmem:$0x470];
	[tilespmem:$0x670] =	vst v2;
	v2 =	vadd.s32 $0x18, v40  }
0xd3: {  	v45 =	vld [tilespmem:$0x480];
	[tilespmem:$0x720] =	vst v2;
	v2 =	vadd.s32 $0x18, v41  }
0xd4: {  	v46 =	vld [tilespmem:$0x490];
	[tilespmem:$0x730] =	vst v2;
	v2 =	vadd.s32 $0x18, v42  }
0xd5: {  	[tilespmem:$0x7E0] =	vst v2;
	v2 =	vadd.s32 $0x18, v3;
	v3 =	vld [tilespmem:$0x4A0]  }
0xd6: {  	v47 =	vld [tilespmem:$0x4B0];
	[tilespmem:$0x7F0] =	vst v2;
	v2 =	vadd.s32 $0x18, v43  }
0xd7: {  	v48 =	vld [tilespmem:$0x4C0];
	[tilespmem:$0x8A0] =	vst v2;
	v2 =	vadd.s32 $0x18, v44  }
0xd8: {  	v49 =	vld [tilespmem:$0x4D0];
	[tilespmem:$0x8B0] =	vst v2;
	v2 =	vadd.s32 $0x18, v45  }
0xd9: {  	v50 =	vld [tilespmem:$0x4E0];
	[tilespmem:$0x960] =	vst v2;
	v2 =	vadd.s32 $0x18, v46  }
0xda: {  	[tilespmem:$0x970] =	vst v2;
	v2 =	vadd.s32 $0x18, v3;
	v3 =	vld [tilespmem:$0x4F0]  }
0xdb: {  	v51 =	vld [tilespmem:$0x500];
	[tilespmem:$0xA20] =	vst v2;
	v2 =	vadd.s32 $0x18, v47  }
0xdc: {  	v52 =	vld [tilespmem:$0x510];
	[tilespmem:$0xA30] =	vst v2;
	v2 =	vadd.s32 $0x18, v48  }
0xdd: {  	v53 =	vld [tilespmem:$0x520];
	[tilespmem:$0xAE0] =	vst v2;
	v2 =	vadd.s32 $0x18, v49  }
0xde: {  	v54 =	vld [tilespmem:$0x530];
	[tilespmem:$0xAF0] =	vst v2;
	v2 =	vadd.s32 $0x18, v50  }
0xdf: {  	[tilespmem:$0xBA0] =	vst v2;
	v2 =	vadd.s32 $0x18, v3;
	v3 =	vld [tilespmem:$0x540]  }
0xe0: {  	v55 =	vld [tilespmem:$0x550];
	[tilespmem:$0xBB0] =	vst v2;
	v2 =	vadd.s32 $0x18, v51  }
0xe1: {  	v56 =	vld [tilespmem:$0x560];
	[tilespmem:$0xC60] =	vst v2;
	v2 =	vadd.s32 $0x18, v52  }
0xe2: {  	v57 =	vld [tilespmem:$0x570];
	[tilespmem:$0xC70] =	vst v2;
	v2 =	vadd.s32 $0x18, v53  }
0xe3: {  	v58 =	vld [tilespmem:$0x580];
	[tilespmem:$0xD20] =	vst v2;
	v2 =	vadd.s32 $0x18, v54  }
0xe4: {  	[tilespmem:$0xD30] =	vst v2;
	v2 =	vadd.s32 $0x18, v3;
	v3 =	vld [tilespmem:$0x590]  }
0xe5: {  	v59 =	vld [tilespmem:$0x5A0];
	[tilespmem:$0xDE0] =	vst v2;
	v2 =	vadd.s32 $0x18, v55  }
0xe6: {  	v60 =	vld [tilespmem:$0x5B0];
	[tilespmem:$0xDF0] =	vst v2;
	v2 =	vadd.s32 $0x18, v56  }
0xe7: {  	v61 =	vld [tilespmem:$0x5C0];
	[tilespmem:$0xEA0] =	vst v2;
	v2 =	vadd.s32 $0x18, v57  }
0xe8: {  	v62 =	vld [tilespmem:$0x5D0];
	[tilespmem:$0xEB0] =	vst v2;
	v2 =	vadd.s32 $0x18, v58  }
0xe9: {  	[tilespmem:$0xF60] =	vst v2;
	v2 =	vadd.s32 $0x18, v3;
	v3 =	vld [tilespmem:$0x5E0]  }
0xea: {  	v63 =	vld [tilespmem:$0x5F0];
	[tilespmem:$0xF70] =	vst v2;
	v2 =	vadd.s32 $0x18, v59  }
0xeb: {  	v9 =	vld [tilespmem:$0x400];
	[tilespmem:$0x1020] =	vst v2;
	v2 =	vadd.s32 $0x18, v60  }
0xec: {  	v10 =	vld [tilespmem:$0x410];
	[tilespmem:$0x1030] =	vst v2;
	v2 =	vadd.s32 $0x18, v61  }
0xed: {  	v11 =	vld [tilespmem:$0x420];
	[tilespmem:$0x10E0] =	vst v2;
	v2 =	vadd.s32 $0x18, v62  }
0xee: {  	[tilespmem:$0x10F0] =	vst v2;
	v2 =	vadd.s32 $0x18, v3;
	v3 =	vld [tilespmem:$0x430]  }
0xef: {  	v12 =	vld [tilespmem:$0x440];
	[tilespmem:$0x11A0] =	vst v2;
	v2 =	vadd.s32 $0x18, v63  }
0xf0: {  	v13 =	vld [tilespmem:$0x450];
	[tilespmem:$0x11B0] =	vst v2;
	v2 =	vadd.s32 $0x20, v9  }
0xf1: {  	v14 =	vld [tilespmem:$0x460];
	[tilespmem:$0x680] =	vst v2;
	v2 =	vadd.s32 $0x20, v10  }
0xf2: {  	v15 =	vld [tilespmem:$0x470];
	[tilespmem:$0x690] =	vst v2;
	v2 =	vadd.s32 $0x20, v11  }
0xf3: {  	[tilespmem:$0x740] =	vst v2;
	v2 =	vadd.s32 $0x20, v3;
	v3 =	vld [tilespmem:$0x480]  }
0xf4: {  	v16 =	vld [tilespmem:$0x490];
	[tilespmem:$0x750] =	vst v2;
	v2 =	vadd.s32 $0x20, v12  }
0xf5: {  	v17 =	vld [tilespmem:$0x4A0];
	[tilespmem:$0x800] =	vst v2;
	v2 =	vadd.s32 $0x20, v13  }
0xf6: {  	v18 =	vld [tilespmem:$0x4B0];
	[tilespmem:$0x810] =	vst v2;
	v2 =	vadd.s32 $0x20, v14  }
0xf7: {  	v19 =	vld [tilespmem:$0x4C0];
	[tilespmem:$0x8C0] =	vst v2;
	v2 =	vadd.s32 $0x20, v15  }
0xf8: {  	[tilespmem:$0x8D0] =	vst v2;
	v2 =	vadd.s32 $0x20, v3;
	v3 =	vld [tilespmem:$0x4D0]  }
0xf9: {  	v20 =	vld [tilespmem:$0x4E0];
	[tilespmem:$0x980] =	vst v2;
	v2 =	vadd.s32 $0x20, v16  }
0xfa: {  	v21 =	vld [tilespmem:$0x4F0];
	[tilespmem:$0x990] =	vst v2;
	v2 =	vadd.s32 $0x20, v17  }
0xfb: {  	v22 =	vld [tilespmem:$0x500];
	[tilespmem:$0xA40] =	vst v2;
	v2 =	vadd.s32 $0x20, v18  }
0xfc: {  	v23 =	vld [tilespmem:$0x510];
	[tilespmem:$0xA50] =	vst v2;
	v2 =	vadd.s32 $0x20, v19  }
0xfd: {  	[tilespmem:$0xB00] =	vst v2;
	v2 =	vadd.s32 $0x20, v3;
	v3 =	vld [tilespmem:$0x520]  }
0xfe: {  	v24 =	vld [tilespmem:$0x530];
	[tilespmem:$0xB10] =	vst v2;
	v2 =	vadd.s32 $0x20, v20  }
0xff: {  	v25 =	vld [tilespmem:$0x540];
	[tilespmem:$0xBC0] =	vst v2;
	v2 =	vadd.s32 $0x20, v21  }
0x100: {  	v26 =	vld [tilespmem:$0x550];
	[tilespmem:$0xBD0] =	vst v2;
	v2 =	vadd.s32 $0x20, v22  }
0x101: {  	v27 =	vld [tilespmem:$0x560];
	[tilespmem:$0xC80] =	vst v2;
	v2 =	vadd.s32 $0x20, v23  }
0x102: {  	[tilespmem:$0xC90] =	vst v2;
	v2 =	vadd.s32 $0x20, v3;
	v3 =	vld [tilespmem:$0x570]  }
0x103: {  	v28 =	vld [tilespmem:$0x580];
	[tilespmem:$0xD40] =	vst v2;
	v2 =	vadd.s32 $0x20, v24  }
0x104: {  	v29 =	vld [tilespmem:$0x590];
	[tilespmem:$0xD50] =	vst v2;
	v2 =	vadd.s32 $0x20, v25  }
0x105: {  	v30 =	vld [tilespmem:$0x5A0];
	[tilespmem:$0xE00] =	vst v2;
	v2 =	vadd.s32 $0x20, v26  }
0x106: {  	v31 =	vld [tilespmem:$0x5B0];
	[tilespmem:$0xE10] =	vst v2;
	v2 =	vadd.s32 $0x20, v27  }
0x107: {  	[tilespmem:$0xEC0] =	vst v2;
	v2 =	vadd.s32 $0x20, v3;
	v3 =	vld [tilespmem:$0x5C0]  }
0x108: {  	v32 =	vld [tilespmem:$0x5D0];
	[tilespmem:$0xED0] =	vst v2;
	v2 =	vadd.s32 $0x20, v28  }
0x109: {  	v33 =	vld [tilespmem:$0x5E0];
	[tilespmem:$0xF80] =	vst v2;
	v2 =	vadd.s32 $0x20, v29  }
0x10a: {  	v34 =	vld [tilespmem:$0x5F0];
	[tilespmem:$0xF90] =	vst v2;
	v2 =	vadd.s32 $0x20, v30  }
0x10b: {  	v35 =	vld [tilespmem:$0x400];
	[tilespmem:$0x1040] =	vst v2;
	v2 =	vadd.s32 $0x20, v31  }
0x10c: {  	[tilespmem:$0x1050] =	vst v2;
	v2 =	vadd.s32 $0x20, v3;
	v3 =	vld [tilespmem:$0x410]  }
0x10d: {  	v36 =	vld [tilespmem:$0x420];
	[tilespmem:$0x1100] =	vst v2;
	v2 =	vadd.s32 $0x20, v32  }
0x10e: {  	v37 =	vld [tilespmem:$0x430];
	[tilespmem:$0x1110] =	vst v2;
	v2 =	vadd.s32 $0x20, v33  }
0x10f: {  	v38 =	vld [tilespmem:$0x440];
	[tilespmem:$0x11C0] =	vst v2;
	v2 =	vadd.s32 $0x20, v34  }
0x110: {  	v39 =	vld [tilespmem:$0x450];
	[tilespmem:$0x11D0] =	vst v2;
	v2 =	vadd.s32 $0x28, v35  }
0x111: {  	[tilespmem:$0x6A0] =	vst v2;
	v2 =	vadd.s32 $0x28, v3;
	v3 =	vld [tilespmem:$0x460]  }
0x112: {  	v40 =	vld [tilespmem:$0x470];
	[tilespmem:$0x6B0] =	vst v2;
	v2 =	vadd.s32 $0x28, v36  }
0x113: {  	v41 =	vld [tilespmem:$0x480];
	[tilespmem:$0x760] =	vst v2;
	v2 =	vadd.s32 $0x28, v37  }
0x114: {  	v42 =	vld [tilespmem:$0x490];
	[tilespmem:$0x770] =	vst v2;
	v2 =	vadd.s32 $0x28, v38  }
0x115: {  	v43 =	vld [tilespmem:$0x4A0];
	[tilespmem:$0x820] =	vst v2;
	v2 =	vadd.s32 $0x28, v39  }
0x116: {  	[tilespmem:$0x830] =	vst v2;
	v2 =	vadd.s32 $0x28, v3;
	v3 =	vld [tilespmem:$0x4B0]  }
0x117: {  	v44 =	vld [tilespmem:$0x4C0];
	[tilespmem:$0x8E0] =	vst v2;
	v2 =	vadd.s32 $0x28, v40  }
0x118: {  	v45 =	vld [tilespmem:$0x4D0];
	[tilespmem:$0x8F0] =	vst v2;
	v2 =	vadd.s32 $0x28, v41  }
0x119: {  	v46 =	vld [tilespmem:$0x4E0];
	[tilespmem:$0x9A0] =	vst v2;
	v2 =	vadd.s32 $0x28, v42  }
0x11a: {  	v47 =	vld [tilespmem:$0x4F0];
	[tilespmem:$0x9B0] =	vst v2;
	v2 =	vadd.s32 $0x28, v43  }
0x11b: {  	[tilespmem:$0xA60] =	vst v2;
	v2 =	vadd.s32 $0x28, v3;
	v3 =	vld [tilespmem:$0x500]  }
0x11c: {  	v48 =	vld [tilespmem:$0x510];
	[tilespmem:$0xA70] =	vst v2;
	v2 =	vadd.s32 $0x28, v44  }
0x11d: {  	v49 =	vld [tilespmem:$0x520];
	[tilespmem:$0xB20] =	vst v2;
	v2 =	vadd.s32 $0x28, v45  }
0x11e: {  	v50 =	vld [tilespmem:$0x530];
	[tilespmem:$0xB30] =	vst v2;
	v2 =	vadd.s32 $0x28, v46  }
0x11f: {  	v51 =	vld [tilespmem:$0x540];
	[tilespmem:$0xBE0] =	vst v2;
	v2 =	vadd.s32 $0x28, v47  }
0x120: {  	[tilespmem:$0xBF0] =	vst v2;
	v2 =	vadd.s32 $0x28, v3;
	v3 =	vld [tilespmem:$0x550]  }
0x121: {  	v52 =	vld [tilespmem:$0x560];
	[tilespmem:$0xCA0] =	vst v2;
	v2 =	vadd.s32 $0x28, v48  }
0x122: {  	v53 =	vld [tilespmem:$0x570];
	[tilespmem:$0xCB0] =	vst v2;
	v2 =	vadd.s32 $0x28, v49  }
0x123: {  	v54 =	vld [tilespmem:$0x580];
	[tilespmem:$0xD60] =	vst v2;
	v2 =	vadd.s32 $0x28, v50  }
0x124: {  	v55 =	vld [tilespmem:$0x590];
	[tilespmem:$0xD70] =	vst v2;
	v2 =	vadd.s32 $0x28, v51  }
0x125: {  	[tilespmem:$0xE20] =	vst v2;
	v2 =	vadd.s32 $0x28, v3;
	v3 =	vld [tilespmem:$0x5A0]  }
0x126: {  	v56 =	vld [tilespmem:$0x5B0];
	[tilespmem:$0xE30] =	vst v2;
	v2 =	vadd.s32 $0x28, v52  }
0x127: {  	v57 =	vld [tilespmem:$0x5C0];
	[tilespmem:$0xEE0] =	vst v2;
	v2 =	vadd.s32 $0x28, v53  }
0x128: {  	v58 =	vld [tilespmem:$0x5D0];
	[tilespmem:$0xEF0] =	vst v2;
	v2 =	vadd.s32 $0x28, v54  }
0x129: {  	v59 =	vld [tilespmem:$0x5E0];
	[tilespmem:$0xFA0] =	vst v2;
	v2 =	vadd.s32 $0x28, v55  }
0x12a: {  	[tilespmem:$0xFB0] =	vst v2;
	v2 =	vadd.s32 $0x28, v3;
	v3 =	vld [tilespmem:$0x5F0]  }
0x12b: {  	[tilespmem:$0x1060] =	vst v2;
	v2 =	vadd.s32 $0x28, v56  }
0x12c: {  	[tilespmem:$0x1070] =	vst v2;
	v2 =	vadd.s32 $0x28, v57  }
0x12d: {  	[tilespmem:$0x1120] =	vst v2;
	v2 =	vadd.s32 $0x28, v58  }
0x12e: {  	[tilespmem:$0x1130] =	vst v2;
	v2 =	vadd.s32 $0x28, v59  }
0x12f: {  	[tilespmem:$0x11E0] =	vst v2;
	v2 =	vadd.s32 $0x28, v3  }
0x130: {  	s26 =	simm.s32 $0x220;
	[tilespmem:$0x11F0] =	vst v2  }
0x131: {  	v2 =	vld [tilespmem:s26+$0xFFFFFFE0];
	_ =	sdelay $0x4  }
0x132: {  	v3 =	vshra.s32 v2, $0x10  }
0x133: {  	v3 =	vadd.s32 v0, v3  }
0x134: {  	v60 =	vshrl.u32 v2, $0x3;
	v3 =	vmul.u32 $0x1C, v3  }
0x135: {  	v4 =	vand.u32 $0x1FFF, v60  }
0x136: {  	v3 =	vadd.s32 v4, v3  }
0x137: {  	v3 =	vmul.u32 $0x30, v3  }
0x138: {  	v2 =	vand.u32 $0x7, v2  }
0x139: {  	s25 =	simm.s32 $0x420;
	v2 =	vor.u32 v2, v3  }
0x13a: {  	[tilespmem:s25+$0xFFFFFFE0] =	vst v2  }
0x13b: {  	v2 =	vld [tilespmem:s26+$0xFFFFFFF0];
	_ =	sdelay $0x4  }
0x13c: {  	v3 =	vshra.s32 v2, $0x10  }
0x13d: {  	v3 =	vadd.s32 v0, v3  }
0x13e: {  	v61 =	vshrl.u32 v2, $0x3;
	v3 =	vmul.u32 $0x1C, v3  }
0x13f: {  	v4 =	vand.u32 $0x1FFF, v61  }
0x140: {  	v3 =	vadd.s32 v4, v3  }
0x141: {  	v3 =	vmul.u32 $0x30, v3  }
0x142: {  	v2 =	vand.u32 $0x7, v2  }
0x143: {  	v2 =	vor.u32 v2, v3  }
0x144: {  	[tilespmem:s25+$0xFFFFFFF0] =	vst v2  }
0x145: {  	v2 =	vld [tilespmem:s26+$0x0];
	_ =	sdelay $0x4  }
0x146: {  	v3 =	vshra.s32 v2, $0x10  }
0x147: {  	v3 =	vadd.s32 v0, v3  }
0x148: {  	v62 =	vshrl.u32 v2, $0x3;
	v3 =	vmul.u32 $0x1C, v3  }
0x149: {  	v4 =	vand.u32 $0x1FFF, v62  }
0x14a: {  	v3 =	vadd.s32 v4, v3  }
0x14b: {  	v3 =	vmul.u32 $0x30, v3  }
0x14c: {  	v2 =	vand.u32 $0x7, v2  }
0x14d: {  	v2 =	vor.u32 v2, v3  }
0x14e: {  	[tilespmem:s25+$0x0] =	vst v2  }
0x14f: {  	v2 =	vld [tilespmem:s26+$0x10];
	_ =	sdelay $0x4  }
0x150: {  	v3 =	vshra.s32 v2, $0x10  }
0x151: {  	v3 =	vadd.s32 v0, v3  }
0x152: {  	v63 =	vshrl.u32 v2, $0x3;
	v3 =	vmul.u32 $0x1C, v3  }
0x153: {  	v4 =	vand.u32 $0x1FFF, v63  }
0x154: {  	v3 =	vadd.s32 v4, v3  }
0x155: {  	v3 =	vmul.u32 $0x30, v3  }
0x156: {  	v2 =	vand.u32 $0x7, v2  }
0x157: {  	v2 =	vor.u32 v2, v3  }
0x158: {  	s28 =	simm.s32 $0x260;
	s26 =	simm.s32 $0x0;
	[tilespmem:s25+$0x10] =	vst v2  }
.LBB2_4:
0x159: {  	v2 =	vld [tilespmem:s28+$0xFFFFFFE0];
	s26 =	sadd.s32 $0x4, s26  }
0x15a: {  	p0 =	slt.u32 s26, $0x1C;
	_ =	sdelay $0x3  }
0x15b: {  	v3 =	vshra.s32 v2, $0x10  }
0x15c: {  	v3 =	vadd.s32 v0, v3  }
0x15d: {  	v4 =	vshrl.u32 v2, $0x3;
	v3 =	vmul.u32 $0x1C, v3  }
0x15e: {  	v4 =	vand.u32 $0x1FFF, v4  }
0x15f: {  	v3 =	vadd.s32 v4, v3  }
0x160: {  	v3 =	vmul.u32 $0x30, v3  }
0x161: {  	v2 =	vand.u32 $0x7, v2  }
0x162: {  	s25 =	sadd.s32 $0x40, s25;
	v2 =	vor.u32 v2, v3  }
0x163: {  	[tilespmem:s25+$0xFFFFFFE0] =	vst v2  }
0x164: {  	v2 =	vld [tilespmem:s28+$0xFFFFFFF0];
	_ =	sdelay $0x4  }
0x165: {  	v3 =	vshra.s32 v2, $0x10  }
0x166: {  	v3 =	vadd.s32 v0, v3  }
0x167: {  	v4 =	vshrl.u32 v2, $0x3;
	v3 =	vmul.u32 $0x1C, v3  }
0x168: {  	v4 =	vand.u32 $0x1FFF, v4  }
0x169: {  	v3 =	vadd.s32 v4, v3  }
0x16a: {  	v3 =	vmul.u32 $0x30, v3  }
0x16b: {  	v2 =	vand.u32 $0x7, v2  }
0x16c: {  	v2 =	vor.u32 v2, v3  }
0x16d: {  	[tilespmem:s25+$0xFFFFFFF0] =	vst v2  }
0x16e: {  	v2 =	vld [tilespmem:s28+$0x0];
	_ =	sdelay $0x4  }
0x16f: {  	v3 =	vshra.s32 v2, $0x10  }
0x170: {  	v3 =	vadd.s32 v0, v3  }
0x171: {  	v4 =	vshrl.u32 v2, $0x3;
	v3 =	vmul.u32 $0x1C, v3  }
0x172: {  	v4 =	vand.u32 $0x1FFF, v4  }
0x173: {  	v3 =	vadd.s32 v4, v3  }
0x174: {  	v3 =	vmul.u32 $0x30, v3  }
0x175: {  	v2 =	vand.u32 $0x7, v2  }
0x176: {  	v2 =	vor.u32 v2, v3  }
0x177: {  	[tilespmem:s25+$0x0] =	vst v2  }
0x178: {  	v2 =	vld [tilespmem:s28+$0x10];
	_ =	sdelay $0x4  }
0x179: {  	v3 =	vshra.s32 v2, $0x10  }
0x17a: {  	v3 =	vadd.s32 v0, v3  }
0x17b: {  	v4 =	vshrl.u32 v2, $0x3;
	v3 =	vmul.u32 $0x1C, v3  }
0x17c: {  	v4 =	vand.u32 $0x1FFF, v4  }
.Ltmp1:
0x17d: {  	v3 =	vadd.s32 v4, v3;
	(pc) =	sbr.rel @p0 .LBB2_4-.Ltmp1, $4  }
0x17e: {  	v3 =	vmul.u32 $0x30, v3  }
0x17f: {  	v2 =	vand.u32 $0x7, v2  }
0x180: {  	v2 =	vor.u32 v2, v3  }
0x181: {  	s28 =	sadd.s32 $0x40, s28;
	[tilespmem:s25+$0x10] =	vst v2  }
0x182: {  	v2 =	vld [tilespmem:$0x400]  }
0x183: {  	v3 =	vld [tilespmem:$0x410]  }
0x184: {  	v4 =	vld [tilespmem:$0x420]  }
0x185: {  	v5 =	vld [tilespmem:$0x430]  }
0x186: {  	v6 =	vld [tilespmem:$0x440]  }
0x187: {  	v7 =	vld [tilespmem:$0x450];
	[tilespmem:$0x19E00] =	vst v1  }
0x188: {  	v30 =	vld [tilespmem:$0x480];
	[tilespmem:$0x1200] =	vst v2  }
0x189: {  	v31 =	vld [tilespmem:$0x490];
	[tilespmem:$0x1210] =	vst v3  }
0x18a: {  	v32 =	vld [tilespmem:$0x4A0];
	[tilespmem:$0x12C0] =	vst v4  }
0x18b: {  	v33 =	vld [tilespmem:$0x4B0];
	[tilespmem:$0x12D0] =	vst v5  }
0x18c: {  	v34 =	vld [tilespmem:$0x4E0];
	[tilespmem:$0x1380] =	vst v6  }
0x18d: {  	v2 =	vld [tilespmem:$0x460];
	[tilespmem:$0x1390] =	vst v7  }
0x18e: {  	v3 =	vld [tilespmem:$0x470];
	[tilespmem:$0x1500] =	vst v30  }
0x18f: {  	v35 =	vld [tilespmem:$0x4F0];
	[tilespmem:$0x1510] =	vst v31  }
0x190: {  	v36 =	vld [tilespmem:$0x500];
	[tilespmem:$0x15C0] =	vst v32  }
0x191: {  	v37 =	vld [tilespmem:$0x510];
	[tilespmem:$0x15D0] =	vst v33  }
0x192: {  	[tilespmem:$0x1440] =	vst v2;
	v2 =	vld [tilespmem:$0x4C0]  }
0x193: {  	[tilespmem:$0x1450] =	vst v3;
	v3 =	vld [tilespmem:$0x4D0]  }
0x194: {  	v38 =	vld [tilespmem:$0x540];
	[tilespmem:$0x1740] =	vst v34  }
0x195: {  	v39 =	vld [tilespmem:$0x550];
	[tilespmem:$0x1750] =	vst v35  }
0x196: {  	v40 =	vld [tilespmem:$0x560];
	[tilespmem:$0x1800] =	vst v36  }
0x197: {  	[tilespmem:$0x1680] =	vst v2;
	v2 =	vld [tilespmem:$0x520]  }
0x198: {  	[tilespmem:$0x1690] =	vst v3;
	v3 =	vld [tilespmem:$0x530]  }
0x199: {  	v41 =	vld [tilespmem:$0x570];
	[tilespmem:$0x1810] =	vst v37  }
0x19a: {  	v42 =	vld [tilespmem:$0x5A0];
	[tilespmem:$0x1980] =	vst v38  }
0x19b: {  	v43 =	vld [tilespmem:$0x5B0];
	[tilespmem:$0x1990] =	vst v39  }
0x19c: {  	[tilespmem:$0x18C0] =	vst v2;
	v2 =	vld [tilespmem:$0x580]  }
0x19d: {  	[tilespmem:$0x18D0] =	vst v3;
	v3 =	vld [tilespmem:$0x590]  }
0x19e: {  	v44 =	vld [tilespmem:$0x5C0];
	[tilespmem:$0x1A40] =	vst v40  }
0x19f: {  	v45 =	vld [tilespmem:$0x5D0];
	[tilespmem:$0x1A50] =	vst v41  }
0x1a0: {  	v46 =	vld [tilespmem:$0x400];
	[tilespmem:$0x1BC0] =	vst v42  }
0x1a1: {  	[tilespmem:$0x1B00] =	vst v2;
	v2 =	vld [tilespmem:$0x5E0]  }
0x1a2: {  	[tilespmem:$0x1B10] =	vst v3;
	v3 =	vld [tilespmem:$0x5F0]  }
0x1a3: {  	v47 =	vld [tilespmem:$0x410];
	[tilespmem:$0x1BD0] =	vst v43  }
0x1a4: {  	v48 =	vld [tilespmem:$0x420];
	[tilespmem:$0x1C80] =	vst v44  }
0x1a5: {  	v49 =	vld [tilespmem:$0x430];
	[tilespmem:$0x1C90] =	vst v45  }
0x1a6: {  	[tilespmem:$0x1D40] =	vst v2;
	v2 =	vld [tilespmem:$0x440]  }
0x1a7: {  	v50 =	vld [tilespmem:$0x450];
	[tilespmem:$0x1D50] =	vst v3;
	v3 =	vadd.s32 $0x8, v46  }
0x1a8: {  	v51 =	vld [tilespmem:$0x460];
	[tilespmem:$0x1220] =	vst v3;
	v3 =	vadd.s32 $0x8, v47  }
0x1a9: {  	v52 =	vld [tilespmem:$0x470];
	[tilespmem:$0x1230] =	vst v3;
	v3 =	vadd.s32 $0x8, v48  }
0x1aa: {  	v53 =	vld [tilespmem:$0x480];
	[tilespmem:$0x12E0] =	vst v3;
	v3 =	vadd.s32 $0x8, v49  }
0x1ab: {  	[tilespmem:$0x12F0] =	vst v3;
	v3 =	vld [tilespmem:$0x490];
	v2 =	vadd.s32 $0x8, v2  }
0x1ac: {  	v54 =	vld [tilespmem:$0x4A0];
	[tilespmem:$0x13A0] =	vst v2;
	v2 =	vadd.s32 $0x8, v50  }
0x1ad: {  	v55 =	vld [tilespmem:$0x4B0];
	[tilespmem:$0x13B0] =	vst v2;
	v2 =	vadd.s32 $0x8, v51  }
0x1ae: {  	v56 =	vld [tilespmem:$0x4C0];
	[tilespmem:$0x1460] =	vst v2;
	v2 =	vadd.s32 $0x8, v52  }
0x1af: {  	v57 =	vld [tilespmem:$0x4D0];
	[tilespmem:$0x1470] =	vst v2;
	v2 =	vadd.s32 $0x8, v53  }
0x1b0: {  	[tilespmem:$0x1520] =	vst v2;
	v2 =	vadd.s32 $0x8, v3;
	v3 =	vld [tilespmem:$0x4E0]  }
0x1b1: {  	v58 =	vld [tilespmem:$0x4F0];
	[tilespmem:$0x1530] =	vst v2;
	v2 =	vadd.s32 $0x8, v54  }
0x1b2: {  	v59 =	vld [tilespmem:$0x500];
	[tilespmem:$0x15E0] =	vst v2;
	v2 =	vadd.s32 $0x8, v55  }
0x1b3: {  	v60 =	vld [tilespmem:$0x510];
	[tilespmem:$0x15F0] =	vst v2;
	v2 =	vadd.s32 $0x8, v56  }
0x1b4: {  	v61 =	vld [tilespmem:$0x520];
	[tilespmem:$0x16A0] =	vst v2;
	v2 =	vadd.s32 $0x8, v57  }
0x1b5: {  	[tilespmem:$0x16B0] =	vst v2;
	v2 =	vadd.s32 $0x8, v3;
	v3 =	vld [tilespmem:$0x530]  }
0x1b6: {  	v62 =	vld [tilespmem:$0x540];
	[tilespmem:$0x1760] =	vst v2;
	v2 =	vadd.s32 $0x8, v58  }
0x1b7: {  	v63 =	vld [tilespmem:$0x550];
	[tilespmem:$0x1770] =	vst v2;
	v2 =	vadd.s32 $0x8, v59  }
0x1b8: {  	v9 =	vld [tilespmem:$0x560];
	[tilespmem:$0x1820] =	vst v2;
	v2 =	vadd.s32 $0x8, v60  }
0x1b9: {  	v10 =	vld [tilespmem:$0x570];
	[tilespmem:$0x1830] =	vst v2;
	v2 =	vadd.s32 $0x8, v61  }
0x1ba: {  	[tilespmem:$0x18E0] =	vst v2;
	v2 =	vadd.s32 $0x8, v3;
	v3 =	vld [tilespmem:$0x580]  }
0x1bb: {  	v11 =	vld [tilespmem:$0x590];
	[tilespmem:$0x18F0] =	vst v2;
	v2 =	vadd.s32 $0x8, v62  }
0x1bc: {  	v12 =	vld [tilespmem:$0x5A0];
	[tilespmem:$0x19A0] =	vst v2;
	v2 =	vadd.s32 $0x8, v63  }
0x1bd: {  	v13 =	vld [tilespmem:$0x5B0];
	[tilespmem:$0x19B0] =	vst v2;
	v2 =	vadd.s32 $0x8, v9  }
0x1be: {  	v14 =	vld [tilespmem:$0x5C0];
	[tilespmem:$0x1A60] =	vst v2;
	v2 =	vadd.s32 $0x8, v10  }
0x1bf: {  	[tilespmem:$0x1A70] =	vst v2;
	v2 =	vadd.s32 $0x8, v3;
	v3 =	vld [tilespmem:$0x5D0]  }
0x1c0: {  	v15 =	vld [tilespmem:$0x5E0];
	[tilespmem:$0x1B20] =	vst v2;
	v2 =	vadd.s32 $0x8, v11  }
0x1c1: {  	v16 =	vld [tilespmem:$0x5F0];
	[tilespmem:$0x1B30] =	vst v2;
	v2 =	vadd.s32 $0x8, v12  }
0x1c2: {  	v17 =	vld [tilespmem:$0x400];
	[tilespmem:$0x1BE0] =	vst v2;
	v2 =	vadd.s32 $0x8, v13  }
0x1c3: {  	v18 =	vld [tilespmem:$0x410];
	[tilespmem:$0x1BF0] =	vst v2;
	v2 =	vadd.s32 $0x8, v14  }
0x1c4: {  	[tilespmem:$0x1CA0] =	vst v2;
	v2 =	vadd.s32 $0x8, v3;
	v3 =	vld [tilespmem:$0x420]  }
0x1c5: {  	v19 =	vld [tilespmem:$0x430];
	[tilespmem:$0x1CB0] =	vst v2;
	v2 =	vadd.s32 $0x8, v15  }
0x1c6: {  	v20 =	vld [tilespmem:$0x440];
	[tilespmem:$0x1D60] =	vst v2;
	v2 =	vadd.s32 $0x8, v16  }
0x1c7: {  	v21 =	vld [tilespmem:$0x450];
	[tilespmem:$0x1D70] =	vst v2;
	v2 =	vadd.s32 $0x10, v17  }
0x1c8: {  	v22 =	vld [tilespmem:$0x460];
	[tilespmem:$0x1240] =	vst v2;
	v2 =	vadd.s32 $0x10, v18  }
0x1c9: {  	[tilespmem:$0x1250] =	vst v2;
	v2 =	vadd.s32 $0x10, v3;
	v3 =	vld [tilespmem:$0x470]  }
0x1ca: {  	v23 =	vld [tilespmem:$0x480];
	[tilespmem:$0x1300] =	vst v2;
	v2 =	vadd.s32 $0x10, v19  }
0x1cb: {  	v24 =	vld [tilespmem:$0x490];
	[tilespmem:$0x1310] =	vst v2;
	v2 =	vadd.s32 $0x10, v20  }
0x1cc: {  	v25 =	vld [tilespmem:$0x4A0];
	[tilespmem:$0x13C0] =	vst v2;
	v2 =	vadd.s32 $0x10, v21  }
0x1cd: {  	v26 =	vld [tilespmem:$0x4B0];
	[tilespmem:$0x13D0] =	vst v2;
	v2 =	vadd.s32 $0x10, v22  }
0x1ce: {  	[tilespmem:$0x1480] =	vst v2;
	v2 =	vadd.s32 $0x10, v3;
	v3 =	vld [tilespmem:$0x4C0]  }
0x1cf: {  	v27 =	vld [tilespmem:$0x4D0];
	[tilespmem:$0x1490] =	vst v2;
	v2 =	vadd.s32 $0x10, v23  }
0x1d0: {  	v28 =	vld [tilespmem:$0x4E0];
	[tilespmem:$0x1540] =	vst v2;
	v2 =	vadd.s32 $0x10, v24  }
0x1d1: {  	v29 =	vld [tilespmem:$0x4F0];
	[tilespmem:$0x1550] =	vst v2;
	v2 =	vadd.s32 $0x10, v25  }
0x1d2: {  	v30 =	vld [tilespmem:$0x500];
	[tilespmem:$0x1600] =	vst v2;
	v2 =	vadd.s32 $0x10, v26  }
0x1d3: {  	[tilespmem:$0x1610] =	vst v2;
	v2 =	vadd.s32 $0x10, v3;
	v3 =	vld [tilespmem:$0x510]  }
0x1d4: {  	v31 =	vld [tilespmem:$0x520];
	[tilespmem:$0x16C0] =	vst v2;
	v2 =	vadd.s32 $0x10, v27  }
0x1d5: {  	v32 =	vld [tilespmem:$0x530];
	[tilespmem:$0x16D0] =	vst v2;
	v2 =	vadd.s32 $0x10, v28  }
0x1d6: {  	v33 =	vld [tilespmem:$0x540];
	[tilespmem:$0x1780] =	vst v2;
	v2 =	vadd.s32 $0x10, v29  }
0x1d7: {  	v34 =	vld [tilespmem:$0x550];
	[tilespmem:$0x1790] =	vst v2;
	v2 =	vadd.s32 $0x10, v30  }
0x1d8: {  	[tilespmem:$0x1840] =	vst v2;
	v2 =	vadd.s32 $0x10, v3;
	v3 =	vld [tilespmem:$0x560]  }
0x1d9: {  	v35 =	vld [tilespmem:$0x570];
	[tilespmem:$0x1850] =	vst v2;
	v2 =	vadd.s32 $0x10, v31  }
0x1da: {  	v36 =	vld [tilespmem:$0x580];
	[tilespmem:$0x1900] =	vst v2;
	v2 =	vadd.s32 $0x10, v32  }
0x1db: {  	v37 =	vld [tilespmem:$0x590];
	[tilespmem:$0x1910] =	vst v2;
	v2 =	vadd.s32 $0x10, v33  }
0x1dc: {  	v38 =	vld [tilespmem:$0x5A0];
	[tilespmem:$0x19C0] =	vst v2;
	v2 =	vadd.s32 $0x10, v34  }
0x1dd: {  	[tilespmem:$0x19D0] =	vst v2;
	v2 =	vadd.s32 $0x10, v3;
	v3 =	vld [tilespmem:$0x5B0]  }
0x1de: {  	v39 =	vld [tilespmem:$0x5C0];
	[tilespmem:$0x1A80] =	vst v2;
	v2 =	vadd.s32 $0x10, v35  }
0x1df: {  	v40 =	vld [tilespmem:$0x5D0];
	[tilespmem:$0x1A90] =	vst v2;
	v2 =	vadd.s32 $0x10, v36  }
0x1e0: {  	v41 =	vld [tilespmem:$0x5E0];
	[tilespmem:$0x1B40] =	vst v2;
	v2 =	vadd.s32 $0x10, v37  }
0x1e1: {  	v42 =	vld [tilespmem:$0x5F0];
	[tilespmem:$0x1B50] =	vst v2;
	v2 =	vadd.s32 $0x10, v38  }
0x1e2: {  	[tilespmem:$0x1C00] =	vst v2;
	v2 =	vadd.s32 $0x10, v3;
	v3 =	vld [tilespmem:$0x400]  }
0x1e3: {  	v43 =	vld [tilespmem:$0x410];
	[tilespmem:$0x1C10] =	vst v2;
	v2 =	vadd.s32 $0x10, v39  }
0x1e4: {  	v44 =	vld [tilespmem:$0x420];
	[tilespmem:$0x1CC0] =	vst v2;
	v2 =	vadd.s32 $0x10, v40  }
0x1e5: {  	v45 =	vld [tilespmem:$0x430];
	[tilespmem:$0x1CD0] =	vst v2;
	v2 =	vadd.s32 $0x10, v41  }
0x1e6: {  	v46 =	vld [tilespmem:$0x440];
	[tilespmem:$0x1D80] =	vst v2;
	v2 =	vadd.s32 $0x10, v42  }
0x1e7: {  	[tilespmem:$0x1D90] =	vst v2;
	v2 =	vadd.s32 $0x18, v3;
	v3 =	vld [tilespmem:$0x450]  }
0x1e8: {  	v47 =	vld [tilespmem:$0x460];
	[tilespmem:$0x1260] =	vst v2;
	v2 =	vadd.s32 $0x18, v43  }
0x1e9: {  	v48 =	vld [tilespmem:$0x470];
	[tilespmem:$0x1270] =	vst v2;
	v2 =	vadd.s32 $0x18, v44  }
0x1ea: {  	v49 =	vld [tilespmem:$0x480];
	[tilespmem:$0x1320] =	vst v2;
	v2 =	vadd.s32 $0x18, v45  }
0x1eb: {  	v50 =	vld [tilespmem:$0x490];
	[tilespmem:$0x1330] =	vst v2;
	v2 =	vadd.s32 $0x18, v46  }
0x1ec: {  	[tilespmem:$0x13E0] =	vst v2;
	v2 =	vadd.s32 $0x18, v3;
	v3 =	vld [tilespmem:$0x4A0]  }
0x1ed: {  	v51 =	vld [tilespmem:$0x4B0];
	[tilespmem:$0x13F0] =	vst v2;
	v2 =	vadd.s32 $0x18, v47  }
0x1ee: {  	v52 =	vld [tilespmem:$0x4C0];
	[tilespmem:$0x14A0] =	vst v2;
	v2 =	vadd.s32 $0x18, v48  }
0x1ef: {  	v53 =	vld [tilespmem:$0x4D0];
	[tilespmem:$0x14B0] =	vst v2;
	v2 =	vadd.s32 $0x18, v49  }
0x1f0: {  	v54 =	vld [tilespmem:$0x4E0];
	[tilespmem:$0x1560] =	vst v2;
	v2 =	vadd.s32 $0x18, v50  }
0x1f1: {  	[tilespmem:$0x1570] =	vst v2;
	v2 =	vadd.s32 $0x18, v3;
	v3 =	vld [tilespmem:$0x4F0]  }
0x1f2: {  	v55 =	vld [tilespmem:$0x500];
	[tilespmem:$0x1620] =	vst v2;
	v2 =	vadd.s32 $0x18, v51  }
0x1f3: {  	v56 =	vld [tilespmem:$0x510];
	[tilespmem:$0x1630] =	vst v2;
	v2 =	vadd.s32 $0x18, v52  }
0x1f4: {  	v57 =	vld [tilespmem:$0x520];
	[tilespmem:$0x16E0] =	vst v2;
	v2 =	vadd.s32 $0x18, v53  }
0x1f5: {  	v58 =	vld [tilespmem:$0x530];
	[tilespmem:$0x16F0] =	vst v2;
	v2 =	vadd.s32 $0x18, v54  }
0x1f6: {  	[tilespmem:$0x17A0] =	vst v2;
	v2 =	vadd.s32 $0x18, v3;
	v3 =	vld [tilespmem:$0x540]  }
0x1f7: {  	v59 =	vld [tilespmem:$0x550];
	[tilespmem:$0x17B0] =	vst v2;
	v2 =	vadd.s32 $0x18, v55  }
0x1f8: {  	v60 =	vld [tilespmem:$0x560];
	[tilespmem:$0x1860] =	vst v2;
	v2 =	vadd.s32 $0x18, v56  }
0x1f9: {  	v61 =	vld [tilespmem:$0x570];
	[tilespmem:$0x1870] =	vst v2;
	v2 =	vadd.s32 $0x18, v57  }
0x1fa: {  	v62 =	vld [tilespmem:$0x580];
	[tilespmem:$0x1920] =	vst v2;
	v2 =	vadd.s32 $0x18, v58  }
0x1fb: {  	[tilespmem:$0x1930] =	vst v2;
	v2 =	vadd.s32 $0x18, v3;
	v3 =	vld [tilespmem:$0x590]  }
0x1fc: {  	v63 =	vld [tilespmem:$0x5A0];
	[tilespmem:$0x19E0] =	vst v2;
	v2 =	vadd.s32 $0x18, v59  }
0x1fd: {  	v9 =	vld [tilespmem:$0x5B0];
	[tilespmem:$0x19F0] =	vst v2;
	v2 =	vadd.s32 $0x18, v60  }
0x1fe: {  	v10 =	vld [tilespmem:$0x5C0];
	[tilespmem:$0x1AA0] =	vst v2;
	v2 =	vadd.s32 $0x18, v61  }
0x1ff: {  	v11 =	vld [tilespmem:$0x5D0];
	[tilespmem:$0x1AB0] =	vst v2;
	v2 =	vadd.s32 $0x18, v62  }
0x200: {  	[tilespmem:$0x1B60] =	vst v2;
	v2 =	vadd.s32 $0x18, v3;
	v3 =	vld [tilespmem:$0x5E0]  }
0x201: {  	v12 =	vld [tilespmem:$0x5F0];
	[tilespmem:$0x1B70] =	vst v2;
	v2 =	vadd.s32 $0x18, v63  }
0x202: {  	v13 =	vld [tilespmem:$0x400];
	[tilespmem:$0x1C20] =	vst v2;
	v2 =	vadd.s32 $0x18, v9  }
0x203: {  	v14 =	vld [tilespmem:$0x410];
	[tilespmem:$0x1C30] =	vst v2;
	v2 =	vadd.s32 $0x18, v10  }
0x204: {  	v15 =	vld [tilespmem:$0x420];
	[tilespmem:$0x1CE0] =	vst v2;
	v2 =	vadd.s32 $0x18, v11  }
0x205: {  	[tilespmem:$0x1CF0] =	vst v2;
	v2 =	vadd.s32 $0x18, v3;
	v3 =	vld [tilespmem:$0x430]  }
0x206: {  	v16 =	vld [tilespmem:$0x440];
	[tilespmem:$0x1DA0] =	vst v2;
	v2 =	vadd.s32 $0x18, v12  }
0x207: {  	v17 =	vld [tilespmem:$0x450];
	[tilespmem:$0x1DB0] =	vst v2;
	v2 =	vadd.s32 $0x20, v13  }
0x208: {  	v18 =	vld [tilespmem:$0x460];
	[tilespmem:$0x1280] =	vst v2;
	v2 =	vadd.s32 $0x20, v14  }
0x209: {  	v19 =	vld [tilespmem:$0x470];
	[tilespmem:$0x1290] =	vst v2;
	v2 =	vadd.s32 $0x20, v15  }
0x20a: {  	[tilespmem:$0x1340] =	vst v2;
	v2 =	vadd.s32 $0x20, v3;
	v3 =	vld [tilespmem:$0x480]  }
0x20b: {  	v20 =	vld [tilespmem:$0x490];
	[tilespmem:$0x1350] =	vst v2;
	v2 =	vadd.s32 $0x20, v16  }
0x20c: {  	v21 =	vld [tilespmem:$0x4A0];
	[tilespmem:$0x1400] =	vst v2;
	v2 =	vadd.s32 $0x20, v17  }
0x20d: {  	v22 =	vld [tilespmem:$0x4B0];
	[tilespmem:$0x1410] =	vst v2;
	v2 =	vadd.s32 $0x20, v18  }
0x20e: {  	v23 =	vld [tilespmem:$0x4C0];
	[tilespmem:$0x14C0] =	vst v2;
	v2 =	vadd.s32 $0x20, v19  }
0x20f: {  	[tilespmem:$0x14D0] =	vst v2;
	v2 =	vadd.s32 $0x20, v3;
	v3 =	vld [tilespmem:$0x4D0]  }
0x210: {  	v24 =	vld [tilespmem:$0x4E0];
	[tilespmem:$0x1580] =	vst v2;
	v2 =	vadd.s32 $0x20, v20  }
0x211: {  	v25 =	vld [tilespmem:$0x4F0];
	[tilespmem:$0x1590] =	vst v2;
	v2 =	vadd.s32 $0x20, v21  }
0x212: {  	v26 =	vld [tilespmem:$0x500];
	[tilespmem:$0x1640] =	vst v2;
	v2 =	vadd.s32 $0x20, v22  }
0x213: {  	v27 =	vld [tilespmem:$0x510];
	[tilespmem:$0x1650] =	vst v2;
	v2 =	vadd.s32 $0x20, v23  }
0x214: {  	[tilespmem:$0x1700] =	vst v2;
	v2 =	vadd.s32 $0x20, v3;
	v3 =	vld [tilespmem:$0x520]  }
0x215: {  	v28 =	vld [tilespmem:$0x530];
	[tilespmem:$0x1710] =	vst v2;
	v2 =	vadd.s32 $0x20, v24  }
0x216: {  	v29 =	vld [tilespmem:$0x540];
	[tilespmem:$0x17C0] =	vst v2;
	v2 =	vadd.s32 $0x20, v25  }
0x217: {  	v30 =	vld [tilespmem:$0x550];
	[tilespmem:$0x17D0] =	vst v2;
	v2 =	vadd.s32 $0x20, v26  }
0x218: {  	v31 =	vld [tilespmem:$0x560];
	[tilespmem:$0x1880] =	vst v2;
	v2 =	vadd.s32 $0x20, v27  }
0x219: {  	[tilespmem:$0x1890] =	vst v2;
	v2 =	vadd.s32 $0x20, v3;
	v3 =	vld [tilespmem:$0x570]  }
0x21a: {  	v32 =	vld [tilespmem:$0x580];
	[tilespmem:$0x1940] =	vst v2;
	v2 =	vadd.s32 $0x20, v28  }
0x21b: {  	v33 =	vld [tilespmem:$0x590];
	[tilespmem:$0x1950] =	vst v2;
	v2 =	vadd.s32 $0x20, v29  }
0x21c: {  	v34 =	vld [tilespmem:$0x5A0];
	[tilespmem:$0x1A00] =	vst v2;
	v2 =	vadd.s32 $0x20, v30  }
0x21d: {  	v35 =	vld [tilespmem:$0x5B0];
	[tilespmem:$0x1A10] =	vst v2;
	v2 =	vadd.s32 $0x20, v31  }
0x21e: {  	[tilespmem:$0x1AC0] =	vst v2;
	v2 =	vadd.s32 $0x20, v3;
	v3 =	vld [tilespmem:$0x5C0]  }
0x21f: {  	v36 =	vld [tilespmem:$0x5D0];
	[tilespmem:$0x1AD0] =	vst v2;
	v2 =	vadd.s32 $0x20, v32  }
0x220: {  	v37 =	vld [tilespmem:$0x5E0];
	[tilespmem:$0x1B80] =	vst v2;
	v2 =	vadd.s32 $0x20, v33  }
0x221: {  	v38 =	vld [tilespmem:$0x5F0];
	[tilespmem:$0x1B90] =	vst v2;
	v2 =	vadd.s32 $0x20, v34  }
0x222: {  	v39 =	vld [tilespmem:$0x400];
	[tilespmem:$0x1C40] =	vst v2;
	v2 =	vadd.s32 $0x20, v35  }
0x223: {  	[tilespmem:$0x1C50] =	vst v2;
	v2 =	vadd.s32 $0x20, v3;
	v3 =	vld [tilespmem:$0x410]  }
0x224: {  	v40 =	vld [tilespmem:$0x420];
	[tilespmem:$0x1D00] =	vst v2;
	v2 =	vadd.s32 $0x20, v36  }
0x225: {  	v41 =	vld [tilespmem:$0x430];
	[tilespmem:$0x1D10] =	vst v2;
	v2 =	vadd.s32 $0x20, v37  }
0x226: {  	v42 =	vld [tilespmem:$0x440];
	[tilespmem:$0x1DC0] =	vst v2;
	v2 =	vadd.s32 $0x20, v38  }
0x227: {  	v43 =	vld [tilespmem:$0x450];
	[tilespmem:$0x1DD0] =	vst v2;
	v2 =	vadd.s32 $0x28, v39  }
0x228: {  	[tilespmem:$0x12A0] =	vst v2;
	v2 =	vadd.s32 $0x28, v3;
	v3 =	vld [tilespmem:$0x460]  }
0x229: {  	v44 =	vld [tilespmem:$0x470];
	[tilespmem:$0x12B0] =	vst v2;
	v2 =	vadd.s32 $0x28, v40  }
0x22a: {  	v45 =	vld [tilespmem:$0x480];
	[tilespmem:$0x1360] =	vst v2;
	v2 =	vadd.s32 $0x28, v41  }
0x22b: {  	v46 =	vld [tilespmem:$0x490];
	[tilespmem:$0x1370] =	vst v2;
	v2 =	vadd.s32 $0x28, v42  }
0x22c: {  	v47 =	vld [tilespmem:$0x4A0];
	[tilespmem:$0x1420] =	vst v2;
	v2 =	vadd.s32 $0x28, v43  }
0x22d: {  	[tilespmem:$0x1430] =	vst v2;
	v2 =	vadd.s32 $0x28, v3;
	v3 =	vld [tilespmem:$0x4B0]  }
0x22e: {  	v48 =	vld [tilespmem:$0x4C0];
	[tilespmem:$0x14E0] =	vst v2;
	v2 =	vadd.s32 $0x28, v44  }
0x22f: {  	v49 =	vld [tilespmem:$0x4D0];
	[tilespmem:$0x14F0] =	vst v2;
	v2 =	vadd.s32 $0x28, v45  }
0x230: {  	v50 =	vld [tilespmem:$0x4E0];
	[tilespmem:$0x15A0] =	vst v2;
	v2 =	vadd.s32 $0x28, v46  }
0x231: {  	v51 =	vld [tilespmem:$0x4F0];
	[tilespmem:$0x15B0] =	vst v2;
	v2 =	vadd.s32 $0x28, v47  }
0x232: {  	[tilespmem:$0x1660] =	vst v2;
	v2 =	vadd.s32 $0x28, v3;
	v3 =	vld [tilespmem:$0x500]  }
0x233: {  	v52 =	vld [tilespmem:$0x510];
	[tilespmem:$0x1670] =	vst v2;
	v2 =	vadd.s32 $0x28, v48  }
0x234: {  	v53 =	vld [tilespmem:$0x520];
	[tilespmem:$0x1720] =	vst v2;
	v2 =	vadd.s32 $0x28, v49  }
0x235: {  	v54 =	vld [tilespmem:$0x530];
	[tilespmem:$0x1730] =	vst v2;
	v2 =	vadd.s32 $0x28, v50  }
0x236: {  	v55 =	vld [tilespmem:$0x540];
	[tilespmem:$0x17E0] =	vst v2;
	v2 =	vadd.s32 $0x28, v51  }
0x237: {  	[tilespmem:$0x17F0] =	vst v2;
	v2 =	vadd.s32 $0x28, v3;
	v3 =	vld [tilespmem:$0x550]  }
0x238: {  	v56 =	vld [tilespmem:$0x560];
	[tilespmem:$0x18A0] =	vst v2;
	v2 =	vadd.s32 $0x28, v52  }
0x239: {  	v57 =	vld [tilespmem:$0x570];
	[tilespmem:$0x18B0] =	vst v2;
	v2 =	vadd.s32 $0x28, v53  }
0x23a: {  	v58 =	vld [tilespmem:$0x580];
	[tilespmem:$0x1960] =	vst v2;
	v2 =	vadd.s32 $0x28, v54  }
0x23b: {  	v59 =	vld [tilespmem:$0x590];
	[tilespmem:$0x1970] =	vst v2;
	v2 =	vadd.s32 $0x28, v55  }
0x23c: {  	[tilespmem:$0x1A20] =	vst v2;
	v2 =	vadd.s32 $0x28, v3;
	v3 =	vld [tilespmem:$0x5A0]  }
0x23d: {  	v60 =	vld [tilespmem:$0x5B0];
	[tilespmem:$0x1A30] =	vst v2;
	v2 =	vadd.s32 $0x28, v56  }
0x23e: {  	v61 =	vld [tilespmem:$0x5C0];
	[tilespmem:$0x1AE0] =	vst v2;
	v2 =	vadd.s32 $0x28, v57  }
0x23f: {  	v62 =	vld [tilespmem:$0x5D0];
	[tilespmem:$0x1AF0] =	vst v2;
	v2 =	vadd.s32 $0x28, v58  }
0x240: {  	v63 =	vld [tilespmem:$0x5E0];
	[tilespmem:$0x1BA0] =	vst v2;
	v2 =	vadd.s32 $0x28, v59  }
0x241: {  	[tilespmem:$0x1BB0] =	vst v2;
	v2 =	vadd.s32 $0x28, v3;
	v3 =	vld [tilespmem:$0x5F0]  }
0x242: {  	[tilespmem:$0x1C60] =	vst v2;
	v2 =	vadd.s32 $0x28, v60  }
0x243: {  	[tilespmem:$0x1C70] =	vst v2;
	v2 =	vadd.s32 $0x28, v61  }
0x244: {  	[tilespmem:$0x1D20] =	vst v2;
	v2 =	vadd.s32 $0x28, v62  }
0x245: {  	[tilespmem:$0x1D30] =	vst v2;
	v2 =	vadd.s32 $0x28, v63  }
0x246: {  	[tilespmem:$0x1DE0] =	vst v2;
	v2 =	vadd.s32 $0x28, v3  }
0x247: {  	[tilespmem:$0x1DF0] =	vst v2  }
0x248: {  	[tilespmem:s14], [sflag:$0x1] =	stream.indirect.gather [hbm4b:s0+s12], $0x80, s13, s12, $0xb8;
	[tilespmem:$0x19E80] =	vst v63  }
0x249: {  	s25 =	simm.s32 $0x0  }
0x24a: {  	[tilespmem:s16], [sflag:$0x2] =	stream.indirect.gather [hbm4b:s2+s12], $0x80, s15, s12, $0xb8;
	[tilespmem:$0x19E80] =	vst v63  }
.LBB2_6:
0x24b: {  	s26 =	smul.u32 $0x180, s25;
	_ =	sdelay $0x1  }
0x24c: {  	s28 =	sadd.s32 $0x6C0, s26  }
0x24d: {  	[tilespmem:s17], [sflag:$0x1] =	stream.indirect.gather [hbm4b:s0+s12], $0x80, s28, s12, $0xb8;
	[tilespmem:$0x19E80] =	vst v63  }
0x24e: {  	s28 =	sadd.s32 $0x12C0, s26  }
0x24f: {  	[tilespmem:s18], [sflag:$0x2] =	stream.indirect.gather [hbm4b:s2+s12], $0x80, s28, s12, $0xb8;
	[tilespmem:$0x19E80] =	vst v63  }
0x250: {  	_ =	swait.ge [sflag:s19], $0x6000  }
0x251: {  	[sflag:s19] =	ssyncset.done $0x0  }
0x252: {  	[sflag:s19] =	ssyncadd.s32 $0xFFFFA000  }
0x253: {  	_ =	swait.ge [sflag:s20], $0x6000  }
0x254: {  	[sflag:s20] =	ssyncset.done $0x0  }
0x255: {  	s29 =	simm.s32 $0x1E40;
	[sflag:s20] =	ssyncadd.s32 $0xFFFFA000  }
0x256: {  	s28 =	simm.s32 $0xDE40;
	v2 =	vld [tilespmem:s29+$0xFFFFFFC0]  }
0x257: {  	v3 =	vld [tilespmem:s28+$0xFFFFFFC0]  }
0x258: {  	v4 =	vld [tilespmem:s29+$0xFFFFFFD0]  }
0x259: {  	v5 =	vld [tilespmem:s28+$0xFFFFFFD0]  }
0x25a: {  	v6 =	vld [tilespmem:s29+$0xFFFFFFE0]  }
0x25b: {  	v7 =	vld [tilespmem:s28+$0xFFFFFFE0]  }
0x25c: {  	v8 =	vld [tilespmem:s29+$0xFFFFFFF0];
	v2 =	vsub.f32 v2, v3  }
0x25d: {  	v9 =	vld [tilespmem:s28+$0xFFFFFFF0]  }
0x25e: {  	v10 =	vld [tilespmem:s29+$0x0];
	v4 =	vsub.f32 v4, v5;
	v2 =	vmul.f32 v2, v2  }
0x25f: {  	v11 =	vld [tilespmem:s28+$0x0];
	v5 =	vimm.f32 $0.0e+00  }
0x260: {  	v3 =	vld [tilespmem:s29+$0x10];
	v7 =	vsub.f32 v6, v7;
	v4 =	vmul.f32 v4, v4;
	v5 =	vadd.f32 v2, v5  }
0x261: {  	v6 =	vld [tilespmem:s28+$0x10]  }
0x262: {  	v9 =	vsub.f32 v8, v9;
	v7 =	vmul.f32 v7, v7;
	v2 =	vld [tilespmem:s29+$0x20];
	v12 =	vadd.f32 v4, v5  }
0x263: {  	v5 =	vld [tilespmem:s28+$0x20]  }
0x264: {  	v10 =	vsub.f32 v10, v11;
	v9 =	vmul.f32 v9, v9;
	v4 =	vld [tilespmem:s29+$0x30];
	v8 =	vadd.f32 v7, v12  }
0x265: {  	s30 =	simm.s32 $0x1EC0;
	s29 =	simm.s32 $0x0;
	v7 =	vld [tilespmem:s28+$0x30]  }
.LBB2_7:
0x266: {  	v11 =	vld [tilespmem:s30+$0xFFFFFFC0];
	v8 =	vadd.f32 v9, v8;
	v9 =	vmul.f32 v10, v10;
	v3 =	vsub.f32 v3, v6;
	s28 =	sadd.s32 $0x80, s28  }
0x267: {  	s29 =	sadd.s32 $0x8, s29;
	v6 =	vld [tilespmem:s28+$0xFFFFFFC0]  }
0x268: {  	p0 =	slt.u32 s29, $0x5F8;
	v10 =	vld [tilespmem:s30+$0xFFFFFFD0];
	v8 =	vadd.f32 v9, v8;
	v3 =	vmul.f32 v3, v3;
	v2 =	vsub.f32 v2, v5  }
0x269: {  	v5 =	vld [tilespmem:s28+$0xFFFFFFD0]  }
0x26a: {  	v9 =	vld [tilespmem:s30+$0xFFFFFFE0];
	v3 =	vadd.f32 v3, v8;
	v2 =	vmul.f32 v2, v2;
	v4 =	vsub.f32 v4, v7  }
0x26b: {  	v7 =	vld [tilespmem:s28+$0xFFFFFFE0]  }
0x26c: {  	v6 =	vsub.f32 v11, v6;
	v8 =	vld [tilespmem:s30+$0xFFFFFFF0];
	v2 =	vadd.f32 v2, v3;
	v3 =	vmul.f32 v4, v4  }
0x26d: {  	v4 =	vld [tilespmem:s28+$0xFFFFFFF0]  }
0x26e: {  	v6 =	vmul.f32 v6, v6;
	v5 =	vsub.f32 v10, v5;
	v10 =	vld [tilespmem:s30+$0x0];
	v2 =	vadd.f32 v3, v2  }
0x26f: {  	v11 =	vld [tilespmem:s28+$0x0]  }
0x270: {  	v2 =	vadd.f32 v6, v2;
	v5 =	vmul.f32 v5, v5;
	v7 =	vsub.f32 v9, v7;
	v3 =	vld [tilespmem:s30+$0x10]  }
.Ltmp2:
0x271: {  	v6 =	vld [tilespmem:s28+$0x10];
	(pc) =	sbr.rel @p0 .LBB2_7-.Ltmp2, $4  }
0x272: {  	v9 =	vadd.f32 v5, v2;
	v7 =	vmul.f32 v7, v7;
	v4 =	vsub.f32 v8, v4;
	v2 =	vld [tilespmem:s30+$0x20]  }
0x273: {  	v5 =	vld [tilespmem:s28+$0x20]  }
0x274: {  	v8 =	vadd.f32 v7, v9;
	v9 =	vmul.f32 v4, v4;
	v10 =	vsub.f32 v10, v11;
	v4 =	vld [tilespmem:s30+$0x30]  }
0x275: {  	s30 =	sadd.s32 $0x80, s30;
	v7 =	vld [tilespmem:s28+$0x30]  }
0x276: {  	v8 =	vadd.f32 v9, v8;
	v9 =	vmul.f32 v10, v10;
	v3 =	vsub.f32 v3, v6;
	_ =	sdelay $0x1  }
0x277: {  	v6 =	vadd.f32 v9, v8;
	v3 =	vmul.f32 v3, v3;
	v2 =	vsub.f32 v2, v5;
	_ =	sdelay $0x1  }
0x278: {  	v3 =	vadd.f32 v3, v6;
	v2 =	vmul.f32 v2, v2;
	v4 =	vsub.f32 v4, v7  }
0x279: {  	v5 =	vld [tilespmem:$0x19E00]  }
0x27a: {  	v2 =	vadd.f32 v2, v3;
	v3 =	vmul.f32 v4, v4;
	_ =	sdelay $0x1  }
0x27b: {  	v2 =	vadd.f32 v3, v2;
	_ =	sdelay $0x1  }
0x27c: {  	v2 =	vadd.f32 v5, v2;
	_ =	sdelay $0x1  }
0x27d: {  	s28 =	sadd.s32 $0x780, s26;
	[tilespmem:$0x19E00] =	vst v2  }
0x27e: {  	[tilespmem:s14], [sflag:$0x1] =	stream.indirect.gather [hbm4b:s0+s12], $0x80, s28, s12, $0xb8;
	[tilespmem:$0x19E80] =	vst v63  }
0x27f: {  	s31 =	sadd.s32 $0x1380, s26  }
0x280: {  	[tilespmem:s16], [sflag:$0x2] =	stream.indirect.gather [hbm4b:s2+s12], $0x80, s31, s12, $0xb8;
	[tilespmem:$0x19E80] =	vst v63  }
0x281: {  	_ =	swait.ge [sflag:s19], $0x6000  }
0x282: {  	[sflag:s19] =	ssyncset.done $0x0  }
0x283: {  	[sflag:s19] =	ssyncadd.s32 $0xFFFFA000  }
0x284: {  	_ =	swait.ge [sflag:s20], $0x6000  }
0x285: {  	[sflag:s20] =	ssyncset.done $0x0  }
0x286: {  	s28 =	simm.s32 $0x7E40;
	[sflag:s20] =	ssyncadd.s32 $0xFFFFA000  }
0x287: {  	s26 =	simm.s32 $0x13E40;
	v2 =	vld [tilespmem:s28+$0xFFFFFFC0]  }
0x288: {  	v3 =	vld [tilespmem:s26+$0xFFFFFFC0]  }
0x289: {  	v4 =	vld [tilespmem:s28+$0xFFFFFFD0]  }
0x28a: {  	v5 =	vld [tilespmem:s26+$0xFFFFFFD0]  }
0x28b: {  	v6 =	vld [tilespmem:s28+$0xFFFFFFE0]  }
0x28c: {  	v7 =	vld [tilespmem:s26+$0xFFFFFFE0]  }
0x28d: {  	v8 =	vld [tilespmem:s28+$0xFFFFFFF0];
	v2 =	vsub.f32 v2, v3  }
0x28e: {  	v9 =	vld [tilespmem:s26+$0xFFFFFFF0]  }
0x28f: {  	v10 =	vld [tilespmem:s28+$0x0];
	v4 =	vsub.f32 v4, v5;
	v2 =	vmul.f32 v2, v2  }
0x290: {  	v11 =	vld [tilespmem:s26+$0x0];
	v5 =	vimm.f32 $0.0e+00  }
0x291: {  	v3 =	vld [tilespmem:s28+$0x10];
	v7 =	vsub.f32 v6, v7;
	v4 =	vmul.f32 v4, v4;
	v5 =	vadd.f32 v2, v5  }
0x292: {  	v6 =	vld [tilespmem:s26+$0x10]  }
0x293: {  	v9 =	vsub.f32 v8, v9;
	v7 =	vmul.f32 v7, v7;
	v2 =	vld [tilespmem:s28+$0x20];
	v12 =	vadd.f32 v4, v5  }
0x294: {  	v5 =	vld [tilespmem:s26+$0x20]  }
0x295: {  	v10 =	vsub.f32 v10, v11;
	v9 =	vmul.f32 v9, v9;
	v4 =	vld [tilespmem:s28+$0x30];
	v8 =	vadd.f32 v7, v12  }
0x296: {  	s29 =	simm.s32 $0x7EC0;
	s28 =	simm.s32 $0x0;
	v7 =	vld [tilespmem:s26+$0x30]  }
.LBB2_9:
0x297: {  	v11 =	vld [tilespmem:s29+$0xFFFFFFC0];
	v8 =	vadd.f32 v9, v8;
	v9 =	vmul.f32 v10, v10;
	v3 =	vsub.f32 v3, v6;
	s26 =	sadd.s32 $0x80, s26  }
0x298: {  	s28 =	sadd.s32 $0x8, s28;
	v6 =	vld [tilespmem:s26+$0xFFFFFFC0]  }
0x299: {  	p0 =	slt.u32 s28, $0x5F8;
	v10 =	vld [tilespmem:s29+$0xFFFFFFD0];
	v8 =	vadd.f32 v9, v8;
	v3 =	vmul.f32 v3, v3;
	v2 =	vsub.f32 v2, v5  }
0x29a: {  	v5 =	vld [tilespmem:s26+$0xFFFFFFD0]  }
0x29b: {  	v9 =	vld [tilespmem:s29+$0xFFFFFFE0];
	v3 =	vadd.f32 v3, v8;
	v2 =	vmul.f32 v2, v2;
	v4 =	vsub.f32 v4, v7  }
0x29c: {  	v7 =	vld [tilespmem:s26+$0xFFFFFFE0]  }
0x29d: {  	v6 =	vsub.f32 v11, v6;
	v8 =	vld [tilespmem:s29+$0xFFFFFFF0];
	v2 =	vadd.f32 v2, v3;
	v3 =	vmul.f32 v4, v4  }
0x29e: {  	v4 =	vld [tilespmem:s26+$0xFFFFFFF0]  }
0x29f: {  	v6 =	vmul.f32 v6, v6;
	v5 =	vsub.f32 v10, v5;
	v10 =	vld [tilespmem:s29+$0x0];
	v2 =	vadd.f32 v3, v2  }
0x2a0: {  	v11 =	vld [tilespmem:s26+$0x0]  }
0x2a1: {  	v2 =	vadd.f32 v6, v2;
	v5 =	vmul.f32 v5, v5;
	v7 =	vsub.f32 v9, v7;
	v3 =	vld [tilespmem:s29+$0x10]  }
.Ltmp3:
0x2a2: {  	v6 =	vld [tilespmem:s26+$0x10];
	(pc) =	sbr.rel @p0 .LBB2_9-.Ltmp3, $4  }
0x2a3: {  	v9 =	vadd.f32 v5, v2;
	v7 =	vmul.f32 v7, v7;
	v4 =	vsub.f32 v8, v4;
	v2 =	vld [tilespmem:s29+$0x20]  }
0x2a4: {  	v5 =	vld [tilespmem:s26+$0x20]  }
0x2a5: {  	v8 =	vadd.f32 v7, v9;
	v9 =	vmul.f32 v4, v4;
	v10 =	vsub.f32 v10, v11;
	v4 =	vld [tilespmem:s29+$0x30]  }
0x2a6: {  	s29 =	sadd.s32 $0x80, s29;
	v7 =	vld [tilespmem:s26+$0x30]  }
0x2a7: {  	v8 =	vadd.f32 v9, v8;
	v61 =	vmul.f32 v10, v10;
	v3 =	vsub.f32 v3, v6;
	_ =	sdelay $0x1  }
0x2a8: {  	v62 =	vadd.f32 v61, v8;
	v3 =	vmul.f32 v3, v3;
	v2 =	vsub.f32 v2, v5;
	_ =	sdelay $0x1  }
0x2a9: {  	v3 =	vadd.f32 v3, v62;
	v2 =	vmul.f32 v2, v2;
	v4 =	vsub.f32 v4, v7  }
0x2aa: {  	v63 =	vld [tilespmem:$0x19E00]  }
0x2ab: {  	s25 =	sadd.s32 $0x1, s25;
	v2 =	vadd.f32 v2, v3;
	v3 =	vmul.f32 v4, v4  }
0x2ac: {  	p0 =	sne.s32 s25, $0x7  }
.Ltmp4:
0x2ad: {  	v2 =	vadd.f32 v3, v2;
	(pc) =	sbr.rel @p0 .LBB2_6-.Ltmp4, $3  }
0x2ae: {  	_ = 	snop  }
0x2af: {  	v2 =	vadd.f32 v63, v2;
	_ =	sdelay $0x1  }
0x2b0: {  	[tilespmem:$0x19E00] =	vst v2  }
0x2b1: {  	[tilespmem:s17], [sflag:$0x1] =	stream.indirect.gather [hbm4b:s0+s12], $0x80, s21, s12, $0xb8;
	[tilespmem:$0x19E80] =	vst v63  }
0x2b2: {  	_ = 	snop  }
0x2b3: {  	[tilespmem:s18], [sflag:$0x2] =	stream.indirect.gather [hbm4b:s2+s12], $0x80, s22, s12, $0xb8;
	[tilespmem:$0x19E80] =	vst v63  }
0x2b4: {  	_ =	swait.ge [sflag:s19], $0x6000  }
0x2b5: {  	[sflag:s19] =	ssyncset.done $0x0  }
0x2b6: {  	[sflag:s19] =	ssyncadd.s32 $0xFFFFA000  }
0x2b7: {  	_ =	swait.ge [sflag:s20], $0x6000  }
0x2b8: {  	[sflag:s20] =	ssyncset.done $0x0  }
0x2b9: {  	s26 =	simm.s32 $0x1E40;
	[sflag:s20] =	ssyncadd.s32 $0xFFFFA000  }
0x2ba: {  	s25 =	simm.s32 $0xDE40;
	v2 =	vld [tilespmem:s26+$0xFFFFFFC0]  }
0x2bb: {  	v3 =	vld [tilespmem:s25+$0xFFFFFFC0]  }
0x2bc: {  	v4 =	vld [tilespmem:s26+$0xFFFFFFD0]  }
0x2bd: {  	v5 =	vld [tilespmem:s25+$0xFFFFFFD0]  }
0x2be: {  	v6 =	vld [tilespmem:s26+$0xFFFFFFE0]  }
0x2bf: {  	v7 =	vld [tilespmem:s25+$0xFFFFFFE0]  }
0x2c0: {  	v8 =	vld [tilespmem:s26+$0xFFFFFFF0];
	v2 =	vsub.f32 v2, v3  }
0x2c1: {  	v9 =	vld [tilespmem:s25+$0xFFFFFFF0]  }
0x2c2: {  	v10 =	vld [tilespmem:s26+$0x0];
	v4 =	vsub.f32 v4, v5;
	v2 =	vmul.f32 v2, v2  }
0x2c3: {  	v11 =	vld [tilespmem:s25+$0x0];
	v5 =	vimm.f32 $0.0e+00  }
0x2c4: {  	v3 =	vld [tilespmem:s26+$0x10];
	v7 =	vsub.f32 v6, v7;
	v4 =	vmul.f32 v4, v4;
	v5 =	vadd.f32 v2, v5  }
0x2c5: {  	v6 =	vld [tilespmem:s25+$0x10]  }
0x2c6: {  	v9 =	vsub.f32 v8, v9;
	v7 =	vmul.f32 v7, v7;
	v2 =	vld [tilespmem:s26+$0x20];
	v12 =	vadd.f32 v4, v5  }
0x2c7: {  	v5 =	vld [tilespmem:s25+$0x20]  }
0x2c8: {  	v10 =	vsub.f32 v10, v11;
	v9 =	vmul.f32 v9, v9;
	v4 =	vld [tilespmem:s26+$0x30];
	v8 =	vadd.f32 v7, v12  }
0x2c9: {  	s28 =	simm.s32 $0x1EC0;
	s26 =	simm.s32 $0x0;
	v7 =	vld [tilespmem:s25+$0x30]  }
.LBB2_12:
0x2ca: {  	v11 =	vld [tilespmem:s28+$0xFFFFFFC0];
	v8 =	vadd.f32 v9, v8;
	v9 =	vmul.f32 v10, v10;
	v3 =	vsub.f32 v3, v6;
	s25 =	sadd.s32 $0x80, s25  }
0x2cb: {  	s26 =	sadd.s32 $0x8, s26;
	v6 =	vld [tilespmem:s25+$0xFFFFFFC0]  }
0x2cc: {  	p0 =	slt.u32 s26, $0x5F8;
	v10 =	vld [tilespmem:s28+$0xFFFFFFD0];
	v8 =	vadd.f32 v9, v8;
	v3 =	vmul.f32 v3, v3;
	v2 =	vsub.f32 v2, v5  }
0x2cd: {  	v5 =	vld [tilespmem:s25+$0xFFFFFFD0]  }
0x2ce: {  	v9 =	vld [tilespmem:s28+$0xFFFFFFE0];
	v3 =	vadd.f32 v3, v8;
	v2 =	vmul.f32 v2, v2;
	v4 =	vsub.f32 v4, v7  }
0x2cf: {  	v7 =	vld [tilespmem:s25+$0xFFFFFFE0]  }
0x2d0: {  	v6 =	vsub.f32 v11, v6;
	v8 =	vld [tilespmem:s28+$0xFFFFFFF0];
	v2 =	vadd.f32 v2, v3;
	v3 =	vmul.f32 v4, v4  }
0x2d1: {  	v4 =	vld [tilespmem:s25+$0xFFFFFFF0]  }
0x2d2: {  	v6 =	vmul.f32 v6, v6;
	v5 =	vsub.f32 v10, v5;
	v10 =	vld [tilespmem:s28+$0x0];
	v2 =	vadd.f32 v3, v2  }
0x2d3: {  	v11 =	vld [tilespmem:s25+$0x0]  }
0x2d4: {  	v2 =	vadd.f32 v6, v2;
	v5 =	vmul.f32 v5, v5;
	v7 =	vsub.f32 v9, v7;
	v3 =	vld [tilespmem:s28+$0x10]  }
.Ltmp5:
0x2d5: {  	v6 =	vld [tilespmem:s25+$0x10];
	(pc) =	sbr.rel @p0 .LBB2_12-.Ltmp5, $4  }
0x2d6: {  	v9 =	vadd.f32 v5, v2;
	v7 =	vmul.f32 v7, v7;
	v4 =	vsub.f32 v8, v4;
	v2 =	vld [tilespmem:s28+$0x20]  }
0x2d7: {  	v5 =	vld [tilespmem:s25+$0x20]  }
0x2d8: {  	v8 =	vadd.f32 v7, v9;
	v9 =	vmul.f32 v4, v4;
	v10 =	vsub.f32 v10, v11;
	v4 =	vld [tilespmem:s28+$0x30]  }
0x2d9: {  	s28 =	sadd.s32 $0x80, s28;
	v7 =	vld [tilespmem:s25+$0x30]  }
0x2da: {  	v8 =	vadd.f32 v9, v8;
	v9 =	vmul.f32 v10, v10;
	v3 =	vsub.f32 v3, v6;
	_ =	sdelay $0x1  }
0x2db: {  	v6 =	vadd.f32 v9, v8;
	v3 =	vmul.f32 v3, v3;
	v2 =	vsub.f32 v2, v5;
	_ =	sdelay $0x1  }
0x2dc: {  	v3 =	vadd.f32 v3, v6;
	v2 =	vmul.f32 v2, v2;
	v4 =	vsub.f32 v4, v7  }
0x2dd: {  	v5 =	vld [tilespmem:$0x19E00]  }
0x2de: {  	v2 =	vadd.f32 v2, v3;
	v3 =	vmul.f32 v4, v4;
	_ =	sdelay $0x1  }
0x2df: {  	v2 =	vadd.f32 v3, v2;
	_ =	sdelay $0x1  }
0x2e0: {  	v2 =	vadd.f32 v5, v2;
	_ =	sdelay $0x1  }
0x2e1: {  	[tilespmem:$0x19E00] =	vst v2  }
0x2e2: {  	_ =	swait.ge [sflag:s19], $0x6000  }
0x2e3: {  	[sflag:s19] =	ssyncset.done $0x0  }
0x2e4: {  	[sflag:s19] =	ssyncadd.s32 $0xFFFFA000  }
0x2e5: {  	_ =	swait.ge [sflag:s20], $0x6000  }
0x2e6: {  	[sflag:s20] =	ssyncset.done $0x0  }
0x2e7: {  	s26 =	simm.s32 $0x7E40;
	[sflag:s20] =	ssyncadd.s32 $0xFFFFA000  }
0x2e8: {  	s25 =	simm.s32 $0x13E40;
	v3 =	vld [tilespmem:s26+$0xFFFFFFC0]  }
0x2e9: {  	v4 =	vld [tilespmem:s25+$0xFFFFFFC0]  }
0x2ea: {  	v5 =	vld [tilespmem:s26+$0xFFFFFFD0]  }
0x2eb: {  	v6 =	vld [tilespmem:s25+$0xFFFFFFD0]  }
0x2ec: {  	v7 =	vld [tilespmem:s26+$0xFFFFFFE0]  }
0x2ed: {  	v8 =	vld [tilespmem:s25+$0xFFFFFFE0]  }
0x2ee: {  	v9 =	vld [tilespmem:s26+$0xFFFFFFF0];
	v3 =	vsub.f32 v3, v4  }
0x2ef: {  	v10 =	vld [tilespmem:s25+$0xFFFFFFF0]  }
0x2f0: {  	v11 =	vld [tilespmem:s26+$0x0];
	v5 =	vsub.f32 v5, v6;
	v3 =	vmul.f32 v3, v3  }
0x2f1: {  	v12 =	vld [tilespmem:s25+$0x0];
	v6 =	vimm.f32 $0.0e+00  }
0x2f2: {  	v4 =	vld [tilespmem:s26+$0x10];
	v8 =	vsub.f32 v7, v8;
	v5 =	vmul.f32 v5, v5;
	v6 =	vadd.f32 v3, v6  }
0x2f3: {  	v7 =	vld [tilespmem:s25+$0x10]  }
0x2f4: {  	v10 =	vsub.f32 v9, v10;
	v8 =	vmul.f32 v8, v8;
	v3 =	vld [tilespmem:s26+$0x20];
	v13 =	vadd.f32 v5, v6  }
0x2f5: {  	v6 =	vld [tilespmem:s25+$0x20]  }
0x2f6: {  	v11 =	vsub.f32 v11, v12;
	v10 =	vmul.f32 v10, v10;
	v5 =	vld [tilespmem:s26+$0x30];
	v9 =	vadd.f32 v8, v13  }
0x2f7: {  	s28 =	simm.s32 $0x7EC0;
	s26 =	simm.s32 $0x0;
	v8 =	vld [tilespmem:s25+$0x30]  }
.LBB2_14:
0x2f8: {  	v12 =	vld [tilespmem:s28+$0xFFFFFFC0];
	v9 =	vadd.f32 v10, v9;
	v10 =	vmul.f32 v11, v11;
	v4 =	vsub.f32 v4, v7;
	s25 =	sadd.s32 $0x80, s25  }
0x2f9: {  	s26 =	sadd.s32 $0x8, s26;
	v7 =	vld [tilespmem:s25+$0xFFFFFFC0]  }
0x2fa: {  	p0 =	slt.u32 s26, $0x5F8;
	v11 =	vld [tilespmem:s28+$0xFFFFFFD0];
	v9 =	vadd.f32 v10, v9;
	v4 =	vmul.f32 v4, v4;
	v3 =	vsub.f32 v3, v6  }
0x2fb: {  	v6 =	vld [tilespmem:s25+$0xFFFFFFD0]  }
0x2fc: {  	v10 =	vld [tilespmem:s28+$0xFFFFFFE0];
	v4 =	vadd.f32 v4, v9;
	v3 =	vmul.f32 v3, v3;
	v5 =	vsub.f32 v5, v8  }
0x2fd: {  	v8 =	vld [tilespmem:s25+$0xFFFFFFE0]  }
0x2fe: {  	v7 =	vsub.f32 v12, v7;
	v9 =	vld [tilespmem:s28+$0xFFFFFFF0];
	v3 =	vadd.f32 v3, v4;
	v4 =	vmul.f32 v5, v5  }
0x2ff: {  	v5 =	vld [tilespmem:s25+$0xFFFFFFF0]  }
0x300: {  	v7 =	vmul.f32 v7, v7;
	v6 =	vsub.f32 v11, v6;
	v11 =	vld [tilespmem:s28+$0x0];
	v3 =	vadd.f32 v4, v3  }
0x301: {  	v12 =	vld [tilespmem:s25+$0x0]  }
0x302: {  	v3 =	vadd.f32 v7, v3;
	v6 =	vmul.f32 v6, v6;
	v8 =	vsub.f32 v10, v8;
	v4 =	vld [tilespmem:s28+$0x10]  }
.Ltmp6:
0x303: {  	v7 =	vld [tilespmem:s25+$0x10];
	(pc) =	sbr.rel @p0 .LBB2_14-.Ltmp6, $4  }
0x304: {  	v10 =	vadd.f32 v6, v3;
	v8 =	vmul.f32 v8, v8;
	v5 =	vsub.f32 v9, v5;
	v3 =	vld [tilespmem:s28+$0x20]  }
0x305: {  	v6 =	vld [tilespmem:s25+$0x20]  }
0x306: {  	v9 =	vadd.f32 v8, v10;
	v10 =	vmul.f32 v5, v5;
	v11 =	vsub.f32 v11, v12;
	v5 =	vld [tilespmem:s28+$0x30]  }
0x307: {  	s28 =	sadd.s32 $0x80, s28;
	v8 =	vld [tilespmem:s25+$0x30]  }
0x308: {  	v9 =	vadd.f32 v10, v9;
	v61 =	vmul.f32 v11, v11;
	v4 =	vsub.f32 v4, v7;
	_ =	sdelay $0x1  }
0x309: {  	v62 =	vadd.f32 v61, v9;
	v4 =	vmul.f32 v4, v4;
	v3 =	vsub.f32 v3, v6;
	_ =	sdelay $0x1  }
0x30a: {  	v4 =	vadd.f32 v4, v62;
	v3 =	vmul.f32 v3, v3;
	v5 =	vsub.f32 v5, v8;
	_ =	sdelay $0x1  }
0x30b: {  	v3 =	vadd.f32 v3, v4;
	v63 =	vmul.f32 v5, v5;
	_ =	sdelay $0x1  }
0x30c: {  	v3 =	vadd.f32 v63, v3;
	_ =	sdelay $0x1  }
0x30d: {  	s24 =	sadd.s32 $0x1, s24;
	v2 =	vadd.f32 v3, v2  }
0x30e: {  	p0 =	sne.s32 s24, s8  }
.Ltmp7:
0x30f: {  	[tilespmem:$0x19E00] =	vst v2;
	(pc) =	sbr.rel @p0 .LBB2_1-.Ltmp7, $4  }
0x310: {  	[hbm4b:s7+s4] =	stream.linear.scatter [tilespmem:s23], [sflag:$0x3], $0x80, $0x38;
	[tilespmem:$0x19E80] =	vst v63  }
0x311: {  	_ =	swait.ge [sflag:s11], $0x80  }
0x312: {  	[sflag:s11] =	ssyncset.done $0x0  }
0x313: {  	[sflag:s11] =	ssyncadd.s32 $0xFFFFFF80  }
0x314: {  	_ =	sfence.sel $0x180000  }
0x315: {  	[bflag:$0x0] =	sbarrier.arrive $0xFFFF  }
0x316: {  	p0 =	sne.s32 s1, $0x0;
	_ =	strace $0x90000047  }
0x317: {  	s0 =	sadd.s32 @!p0 $0x100000, s3;
	[bflag:$0x2] =	sbarrier.arrive $0xFFFF  }
0x318: {  	[sflag:s0] =	ssyncadd.tile.s32 @!p0 $0x1;
	_ =	shalt  }
.Lfunc_end2:
_tile_overlayer_lowered:
.L_overlay_start_2:
0x319: {  	(tag) =	ssettag $0x2  }
0x31a: {  	s0 =	rddreg [dreg:$0x0];
	s2 =	stileid.u32  }
0x31b: {  	s1 =	rddreg [dreg:$0x1];
	p0 =	sne.s32 s2, $0x0  }
0x31c: {  	s3 =	rddreg [dreg:$0x2];
	[bflag:$0x3] =	sbarrier.arrive $0xFFFF;
	s2 =	simm.s32 @!p0 $0x1C03  }
0x31d: {  	[timem:s3], [sflag:s2] =	dma.local @!p0 [hbm:s0], s1  }
0x31e: {  	s0 =	simm.s32 @!p0 $0x3  }
0x31f: {  	_ =	swait.ge @!p0 [sflag:s0], s1  }
0x320: {  	s1 =	ssub.s32 @!p0 $0x0, s1;
	[sflag:s0] =	ssyncset.done @!p0 $0x0  }
0x321: {  	[sflag:s0] =	ssyncadd.s32 @!p0 s1  }
0x322: {  	[bflag:$0x3] =	sbarrier.arrive $0xFFFF  }
0x323: {  	_ =	shalt  }

</sc_bundles>
